<compile_context>
chip_gen: v7x
topology: tpu7x:2x2x1
jax: 0.10.2.dev20260603
libtpu: 0.0.44.dev20260713+nightly
codegen_flags: <defaults>
</compile_context>

<pallas_src>
import functools

import jax
import jax.numpy as jnp
from jax import lax
from jax.experimental import pallas as pl
from jax.experimental.pallas import tpu as pltpu
from jax.experimental.pallas import tpu_sc as plsc

N = 10000
K = 32
C_IN = 128
C_OUT = 128
C_MID = 32
KP = 15
SIGMA = 2.0
GROUPS = 8
EPS = 1e-5
NEG_SLOPE = 0.1

D_TAB = 48
BM = 200


def _leaky(x):
    return jnp.where(x >= 0, x, NEG_SLOPE * x)


def _group_indicator(c, dtype):
    per_g = c // GROUPS
    row_g = lax.broadcasted_iota(jnp.int32, (c, GROUPS), 0) // per_g
    col = lax.broadcasted_iota(jnp.int32, (c, GROUPS), 1)
    return (row_g == col).astype(dtype)


def _group_norm(x, gamma, beta, n_rows):
    c = x.shape[1]
    ind = _group_indicator(c, x.dtype)
    cs = jnp.sum(x, axis=0, keepdims=True)
    css = jnp.sum(x * x, axis=0, keepdims=True)
    cnt = float(n_rows * (c // GROUPS))
    gmean = jnp.dot(cs, ind, preferred_element_type=jnp.float32) / cnt
    gmsq = jnp.dot(css, ind, preferred_element_type=jnp.float32) / cnt
    var = gmsq - gmean * gmean
    rstd = lax.rsqrt(var + EPS)
    mean_c = jnp.dot(gmean, ind.T, preferred_element_type=jnp.float32)
    rstd_c = jnp.dot(rstd, ind.T, preferred_element_type=jnp.float32)
    return (x - mean_c) * rstd_c * gamma + beta



def _unary1_body(x_ref, p_ref, w_ref, g_ref, b_ref, o_ref):
    xm = jnp.dot(x_ref[...], w_ref[...], preferred_element_type=jnp.float32)
    y1 = _leaky(_group_norm(xm, g_ref[...], b_ref[...], N))
    o_ref[:, 0:C_MID] = y1
    o_ref[:, C_MID:C_MID + 3] = p_ref[...]
    rs = jnp.sum(y1, axis=1, keepdims=True)
    o_ref[:, C_MID + 3:C_MID + 4] = (rs != 0).astype(jnp.float32)
    o_ref[:, C_MID + 4:D_TAB] = jnp.zeros((N, D_TAB - C_MID - 4), jnp.float32)


def _unary1(s_feats, s_points, W1, gamma1, beta1):
    return pl.pallas_call(
        _unary1_body,
        out_shape=jax.ShapeDtypeStruct((N, D_TAB), jnp.float32),
    )(s_feats, s_points, W1, gamma1.reshape(1, C_MID), beta1.reshape(1, C_MID))



def _sc_gather(table, idx_flat):
    info = plsc.get_sparse_core_info()
    nw = info.num_cores * info.num_subcores
    tot = N * K
    per_w = tot // nw
    ch = 1000
    n_ch = per_w // ch
    mesh = plsc.VectorSubcoreMesh(core_axis_name="c", subcore_axis_name="s")

    @functools.partial(
        pl.kernel,
        mesh=mesh,
        compiler_params=pltpu.CompilerParams(use_tc_tiling_on_sc=False),
        out_type=jax.ShapeDtypeStruct((K, N, D_TAB), jnp.float32),
        scratch_types=[
            pltpu.VMEM((ch,), jnp.int32),
            pltpu.VMEM((ch, D_TAB), jnp.float32),
            pltpu.SemaphoreType.DMA,
        ],
    )
    def gather(table_hbm, idx_hbm, out_hbm, idx_v, rows_v, sem):
        wid = lax.axis_index("s") * info.num_cores + lax.axis_index("c")
        base = wid * per_w

        def body(j, carry):
            off = base + j * ch
            pltpu.sync_copy(idx_hbm.at[pl.ds(off, ch)], idx_v)
            pltpu.async_copy(table_hbm.at[idx_v], rows_v, sem).wait()
            pltpu.sync_copy(rows_v, out_hbm.at[wid, pl.ds(j * ch, ch)])
            return carry

        lax.fori_loop(0, n_ch, body, 0)

    return gather(table, idx_flat)



def _kpconv_body(q_ref, kpt_ref, r_ref, t_ref, w_ref, g_hbm, o_ref, gbuf, sems):
    i = pl.program_id(0)
    nb = pl.num_programs(0)

    def win_copy(blk, slot):
        return pltpu.make_async_copy(
            g_hbm.at[:, pl.ds(blk * BM, BM), :], gbuf.at[slot], sems.at[slot])

    @pl.when(i == 0)
    def _():
        win_copy(0, 0).start()

    @pl.when(i + 1 < nb)
    def _():
        win_copy(i + 1, (i + 1) % 2).start()

    win_copy(i, i % 2).wait()
    g = gbuf[i % 2]

    q = q_ref[...]
    kpt = kpt_ref[...]
    rmat = r_ref[...]
    tmat = t_ref[...]
    wf = jnp.zeros((BM, KP * C_MID), jnp.float32)
    cnt = jnp.zeros((BM, 1), jnp.float32)
    for k in range(K):
        gk = g[k]
        nf_k = gk[:, 0:C_MID]
        pk = gk[:, C_MID:C_MID + 3]
        r = pk - q
        dx = r[:, 0:1] - kpt[0:1, :]
        dy = r[:, 1:2] - kpt[1:2, :]
        dz = r[:, 2:3] - kpt[2:3, :]
        d2 = dx * dx + dy * dy + dz * dz
        w = jnp.maximum(1.0 - jnp.sqrt(d2) * (1.0 / SIGMA), 0.0)
        wrep = jnp.dot(w, rmat, preferred_element_type=jnp.float32)
        nfrep = jnp.dot(nf_k, tmat, preferred_element_type=jnp.float32)
        wf = wf + wrep * nfrep
        cnt = cnt + gk[:, C_MID + 3:C_MID + 4]
    out = jnp.dot(wf, w_ref[...], preferred_element_type=jnp.float32)
    o_ref[...] = out / jnp.maximum(cnt, 1.0)


def _kpconv(g3, q_points, kp_t, r_mat, t_mat, w_flat):
    n_blocks = N // BM
    return pl.pallas_call(
        _kpconv_body,
        grid=(n_blocks,),
        in_specs=[
            pl.BlockSpec((BM, 3), lambda i: (i, 0)),
            pl.BlockSpec((3, KP), lambda i: (0, 0)),
            pl.BlockSpec((KP, KP * C_MID), lambda i: (0, 0)),
            pl.BlockSpec((C_MID, KP * C_MID), lambda i: (0, 0)),
            pl.BlockSpec((KP * C_MID, C_MID), lambda i: (0, 0)),
            pl.BlockSpec(memory_space=pl.ANY),
        ],
        out_specs=pl.BlockSpec((BM, C_MID), lambda i: (i, 0)),
        out_shape=jax.ShapeDtypeStruct((N, C_MID), jnp.float32),
        scratch_shapes=[
            pltpu.VMEM((2, K, BM, D_TAB), jnp.float32),
            pltpu.SemaphoreType.DMA((2,)),
        ],
    )(q_points, kp_t, r_mat, t_mat, w_flat, g3)



def _tail_body(x_ref, f_ref, w2_ref, gc_ref, bc_ref, g2_ref, b2_ref, o_ref):
    x = _leaky(_group_norm(x_ref[...], gc_ref[...], bc_ref[...], N))
    y = jnp.dot(x, w2_ref[...], preferred_element_type=jnp.float32)
    y = _group_norm(y, g2_ref[...], b2_ref[...], N)
    o_ref[...] = _leaky(y + f_ref[...])


def _tail(out1, s_feats, W2, gamma_c, beta_c, gamma2, beta2):
    return pl.pallas_call(
        _tail_body,
        out_shape=jax.ShapeDtypeStruct((N, C_OUT), jnp.float32),
    )(out1, s_feats, W2,
      gamma_c.reshape(1, C_MID), beta_c.reshape(1, C_MID),
      gamma2.reshape(1, C_OUT), beta2.reshape(1, C_OUT))


def kernel(q_points, s_points, s_feats, neighbor_indices, kernel_points,
           W1, gamma1, beta1, conv_W, gamma_c, beta_c, W2, gamma2, beta2):
    table = _unary1(s_feats, s_points, W1, gamma1, beta1)
    idx_flat = neighbor_indices.astype(jnp.int32).T.reshape(-1)
    g3 = _sc_gather(table, idx_flat)
    w_flat = conv_W.reshape(KP * C_MID, C_MID)
    kp_t = kernel_points.T
    j = jnp.arange(KP * C_MID)
    r_mat = (jnp.arange(KP)[:, None] == (j[None, :] // C_MID)).astype(jnp.float32)
    t_mat = (jnp.arange(C_MID)[:, None] == (j[None, :] % C_MID)).astype(jnp.float32)
    out1 = _kpconv(g3, q_points, kp_t, r_mat, t_mat, w_flat)
    return _tail(out1, s_feats, W2, gamma_c, beta_c, gamma2, beta2)

# --- scband reference (transcript-rebuilt; emitter-appended) ---
"""Pipeline reference for scband-kpresidual-block-6837587935396 (READ-ONLY COPY).

The authoritative reference and input builder live on the scoring server;
editing this copy changes nothing except your own understanding.
"""

import jax, jax.numpy as jnp
import numpy as np

N_POINTS = 10000
K_NEIGH = 32
C_IN = 128
C_OUT = 128
C_MID = C_OUT // 4
KP = 15
RADIUS = 2.5
SIGMA = 2.0
GROUPS = 8
EPS = 1e-5
NEG_SLOPE = 0.1


def leaky_relu(x):
    return jnp.where(x >= 0, x, NEG_SLOPE * x)


def group_norm_pack(x, gamma, beta):
    # pack-mode GroupNorm: [N, C] treated as batch of 1, normalized per group over (N, C//G)
    n, c = x.shape
    xg = x.reshape(n, GROUPS, c // GROUPS)
    mean = xg.mean(axis=(0, 2), keepdims=True)
    var = xg.var(axis=(0, 2), keepdims=True)
    xg = (xg - mean) / jnp.sqrt(var + EPS)
    return xg.reshape(n, c) * gamma + beta


def kpconv(q_points, s_points, s_feats, neighbor_indices, kernel_points, weights):
    # shadow point / feature padding (index N is the shadow slot)
    s_pts = jnp.concatenate([s_points, jnp.full((1, 3), 1e6, s_points.dtype)], axis=0)
    s_fts = jnp.concatenate([s_feats, jnp.zeros((1, s_feats.shape[1]), s_feats.dtype)], axis=0)
    neighbors = s_pts[neighbor_indices] - q_points[:, None, :]            # [M, K, 3]
    diff = neighbors[:, :, None, :] - kernel_points[None, None, :, :]     # [M, K, KP, 3]
    sq_dist = jnp.sum(diff * diff, axis=-1)                               # [M, K, KP]
    nw = jnp.maximum(1.0 - jnp.sqrt(sq_dist) / SIGMA, 0.0)                # linear influence
    nw = jnp.transpose(nw, (0, 2, 1))                                     # [M, KP, K]
    nf = s_fts[neighbor_indices]                                          # [M, K, C]
    wf = jnp.matmul(nw, nf)                                               # [M, KP, C]
    out = jnp.einsum('mkc,kcd->md', wf, weights)                          # [M, C_out]
    nn_num = jnp.sum(jnp.sum(nf, axis=-1) != 0, axis=-1)
    nn_num = jnp.maximum(nn_num, 1).astype(out.dtype)
    nn_num = jax.lax.stop_gradient(nn_num)
    return out / nn_num[:, None]


def setup_inputs(seed: int = 0):
    key = jax.random.key(seed)
    ks = jax.random.split(key, 8)
    q_points = jax.random.normal(ks[0], (N_POINTS, 3), jnp.float32)
    s_points = q_points
    s_feats = jax.random.normal(ks[1], (N_POINTS, C_IN), jnp.float32)
    neighbor_indices = jax.random.randint(ks[2], (N_POINTS, K_NEIGH), 0, N_POINTS)
    kernel_points = jax.random.uniform(ks[3], (KP, 3), jnp.float32, -1.0, 1.0) * (RADIUS * 0.66)
    W1 = jax.random.normal(ks[4], (C_IN, C_MID), jnp.float32) / np.sqrt(C_IN)
    gamma1 = jnp.ones((C_MID,), jnp.float32)
    beta1 = jnp.zeros((C_MID,), jnp.float32)
    conv_W = jax.random.normal(ks[5], (KP, C_MID, C_MID), jnp.float32) / np.sqrt(C_MID * KP)
    gamma_c = jnp.ones((C_MID,), jnp.float32)
    beta_c = jnp.zeros((C_MID,), jnp.float32)
    W2 = jax.random.normal(ks[6], (C_MID, C_OUT), jnp.float32) / np.sqrt(C_MID)
    gamma2 = jnp.ones((C_OUT,), jnp.float32)
    beta2 = jnp.zeros((C_OUT,), jnp.float32)
    return {"q_points": q_points, "s_points": s_points, "s_feats": s_feats,
            "neighbor_indices": neighbor_indices, "kernel_points": kernel_points,
            "W1": W1, "gamma1": gamma1, "beta1": beta1,
            "conv_W": conv_W, "gamma_c": gamma_c, "beta_c": beta_c,
            "W2": W2, "gamma2": gamma2, "beta2": beta2}


def reference(q_points, s_points, s_feats, neighbor_indices, kernel_points,
              W1, gamma1, beta1, conv_W, gamma_c, beta_c, W2, gamma2, beta2):
    # unary1: linear (no bias, norm follows) + GroupNorm + LeakyReLU
    residual = leaky_relu(group_norm_pack(s_feats @ W1, gamma1, beta1))
    # KPConvBlock: KPConv + GroupNorm + LeakyReLU
    residual = kpconv(q_points, s_points, residual, neighbor_indices, kernel_points, conv_W)
    residual = leaky_relu(group_norm_pack(residual, gamma_c, beta_c))
    # unary2: linear + GroupNorm, no activation
    residual = group_norm_pack(residual @ W2, gamma2, beta2)
    # not strided, in_channels == out_channels -> identity shortcut
    shortcut = s_feats
    return leaky_relu(residual + shortcut)

if __name__ == "__main__":
    import jax
    _d = setup_inputs()
    print(jax.jit(kernel)(*tuple(_d.values())))

</pallas_src>

<mosaic_0001>
#map = affine_map<(d0, d1) -> (0, 0)>
#map1 = affine_map<(d0, d1) -> (0)>
#map2 = affine_map<(d0, d1) -> (0, 0, 0)>
module attributes {stable_mosaic.version = 14 : i64} {
  func.func @gather(%arg0: i32, %arg1: i32, %arg2: memref<10000x48xf32, #tpu.memory_space<hbm>>, %arg3: memref<320000xi32, #tpu.memory_space<hbm>>, %arg4: memref<32x10000x48xf32, #tpu.memory_space<hbm>>, %arg5: memref<1000xi32, #tpu.memory_space<vmem>>, %arg6: memref<1000x48xf32, #tpu.memory_space<vmem>>, %arg7: memref<!tpu.dma_semaphore, #tpu.memory_space<semaphore_mem>>) attributes {dimension_semantics = [#tpu.dimension_semantics<core_parallel>, #tpu.dimension_semantics<subcore_parallel>], iteration_bounds = array<i64: 2, 16>, scalar_prefetch = 0 : i64, scratch_operands = 3 : i64, tpu.core_type = #tpu.core_type<sc_vector_subcore>, window_params = [{transform_indices = #map}, {transform_indices = #map1}, {transform_indices = #map2}]} {
    %mul3A = arith.constant 2 : i32
    %mul3A_0 = arith.muli %arg1, %mul3A : i32
    %add3A = arith.addi %mul3A_0, %arg0 : i32
    %mul3A_1 = arith.constant 10000 : i32
    %mul3A_2 = arith.muli %add3A, %mul3A_1 : i32
    %scan3A = arith.constant 0 : i32
    %scan3A_3 = arith.constant 0 : i32
    %scan3A_4 = arith.constant 10 : i32
    %scan3A_5 = arith.addi %scan3A_3, %scan3A_4 : i32
    %scan3A_6 = arith.constant 1 : i32
    scf.for %scan3A_8 = %scan3A_3 to %scan3A_5 step %scan3A_6  : i32 {
      %mul3A_9 = arith.constant 1000 : i32
      %mul3A_10 = arith.muli %scan3A_8, %mul3A_9 : i32
      %add3A_11 = arith.addi %mul3A_2, %mul3A_10 : i32
      "tpu.region"() ({
        %run_scoped3A = tpu.sem_alloc : memref<!tpu.dma_semaphore, #tpu.memory_space<semaphore_mem>>
        %dma_start3A_18 = tpu.memref_slice %arg3[%add3A_11] : memref<320000xi32, #tpu.memory_space<hbm>> -> memref<1000xi32, #tpu.memory_space<hbm>>
        %dma_start3A_19 = tpu.memref_slice %arg3[%add3A_11] : memref<320000xi32, #tpu.memory_space<hbm>> -> memref<1000xi32, #tpu.memory_space<hbm>>
        tpu.enqueue_dma source(%dma_start3A_19 : memref<1000xi32, #tpu.memory_space<hbm>>) target(%arg5 : memref<1000xi32, #tpu.memory_space<vmem>>) target_semaphore(%run_scoped3A : memref<!tpu.dma_semaphore, #tpu.memory_space<semaphore_mem>>)
        %dma_wait3A_20 = tpu.memref_slice %arg3[%add3A_11] : memref<320000xi32, #tpu.memory_space<hbm>> -> memref<1000xi32, #tpu.memory_space<hbm>>
        %dma_wait3A_21 = tpu.memref_slice %arg3[%add3A_11] : memref<320000xi32, #tpu.memory_space<hbm>> -> memref<1000xi32, #tpu.memory_space<hbm>>
        tpu.wait_dma2 semaphore(%run_scoped3A : memref<!tpu.dma_semaphore, #tpu.memory_space<semaphore_mem>>) src(%dma_wait3A_21 : memref<1000xi32, #tpu.memory_space<hbm>>) dst(%arg5 : memref<1000xi32, #tpu.memory_space<vmem>>)
        tpu.yield
      }) : () -> ()
      %dma_start3A = arith.constant 0 : i32
      %dma_start3A_12 = arith.constant 0 : i32
      %dma_start3A_13 = tpu.memref_slice %arg2[%dma_start3A, %dma_start3A_12] : memref<10000x48xf32, #tpu.memory_space<hbm>> -> memref<10000x48xf32, #tpu.memory_space<hbm>>
      tpu.enqueue_indirect_dma source(%dma_start3A_13 : memref<10000x48xf32, #tpu.memory_space<hbm>>) target(%arg6 : memref<1000x48xf32, #tpu.memory_space<vmem>>) offsets(%arg5 : memref<1000xi32, #tpu.memory_space<vmem>>) semaphore(%arg7 : memref<!tpu.dma_semaphore, #tpu.memory_space<semaphore_mem>>)
      %dma_wait3A = arith.constant 0 : i32
      %dma_wait3A_14 = arith.constant 0 : i32
      %dma_wait3A_15 = tpu.memref_slice %arg2[%dma_wait3A, %dma_wait3A_14] : memref<10000x48xf32, #tpu.memory_space<hbm>> -> memref<10000x48xf32, #tpu.memory_space<hbm>>
      tpu.wait_indirect_dma semaphore(%arg7 : memref<!tpu.dma_semaphore, #tpu.memory_space<semaphore_mem>>) src(%dma_wait3A_15 : memref<10000x48xf32, #tpu.memory_space<hbm>>) dst(%arg6 : memref<1000x48xf32, #tpu.memory_space<vmem>>)
      %mul3A_16 = arith.constant 1000 : i32
      %mul3A_17 = arith.muli %scan3A_8, %mul3A_16 : i32
      "tpu.region"() ({
        %run_scoped3A = tpu.sem_alloc : memref<!tpu.dma_semaphore, #tpu.memory_space<semaphore_mem>>
        %dma_start3A_18 = arith.constant 0 : i32
        %dma_start3A_19 = tpu.memref_slice %arg4[%add3A, %mul3A_17, %dma_start3A_18] : memref<32x10000x48xf32, #tpu.memory_space<hbm>> -> memref<1x1000x48xf32, #tpu.memory_space<hbm>>
        %dma_start3A_20 = tpu.memref_squeeze %dma_start3A_19 : memref<1x1000x48xf32, #tpu.memory_space<hbm>> -> memref<1000x48xf32, #tpu.memory_space<hbm>>
        %dma_start3A_21 = arith.constant 0 : i32
        %dma_start3A_22 = tpu.memref_slice %arg4[%add3A, %mul3A_17, %dma_start3A_21] : memref<32x10000x48xf32, #tpu.memory_space<hbm>> -> memref<1x1000x48xf32, #tpu.memory_space<hbm>>
        %dma_start3A_23 = tpu.memref_squeeze %dma_start3A_22 : memref<1x1000x48xf32, #tpu.memory_space<hbm>> -> memref<1000x48xf32, #tpu.memory_space<hbm>>
        tpu.enqueue_dma source(%arg6 : memref<1000x48xf32, #tpu.memory_space<vmem>>) target(%dma_start3A_23 : memref<1000x48xf32, #tpu.memory_space<hbm>>) target_semaphore(%run_scoped3A : memref<!tpu.dma_semaphore, #tpu.memory_space<semaphore_mem>>)
        %dma_wait3A_24 = arith.constant 0 : i32
        %dma_wait3A_25 = tpu.memref_slice %arg4[%add3A, %mul3A_17, %dma_wait3A_24] : memref<32x10000x48xf32, #tpu.memory_space<hbm>> -> memref<1x1000x48xf32, #tpu.memory_space<hbm>>
        %dma_wait3A_26 = tpu.memref_squeeze %dma_wait3A_25 : memref<1x1000x48xf32, #tpu.memory_space<hbm>> -> memref<1000x48xf32, #tpu.memory_space<hbm>>
        %dma_wait3A_27 = arith.constant 0 : i32
        %dma_wait3A_28 = tpu.memref_slice %arg4[%add3A, %mul3A_17, %dma_wait3A_27] : memref<32x10000x48xf32, #tpu.memory_space<hbm>> -> memref<1x1000x48xf32, #tpu.memory_space<hbm>>
        %dma_wait3A_29 = tpu.memref_squeeze %dma_wait3A_28 : memref<1x1000x48xf32, #tpu.memory_space<hbm>> -> memref<1000x48xf32, #tpu.memory_space<hbm>>
        tpu.wait_dma2 semaphore(%run_scoped3A : memref<!tpu.dma_semaphore, #tpu.memory_space<semaphore_mem>>) src(%arg6 : memref<1000x48xf32, #tpu.memory_space<vmem>>) dst(%dma_wait3A_29 : memref<1000x48xf32, #tpu.memory_space<hbm>>)
        tpu.yield
      }) : () -> ()
    }
    %scan3A_7 = arith.constant 10 : i32
    return
  }
}

module attributes {stable_mosaic.version = 14 : i64} {
  func.func @_unary1_body(%arg0: memref<10000x128xf32, #tpu.memory_space<vmem>>, %arg1: memref<10000x3xf32, #tpu.memory_space<vmem>>, %arg2: memref<128x32xf32, #tpu.memory_space<vmem>>, %arg3: memref<1x32xf32, #tpu.memory_space<vmem>>, %arg4: memref<1x32xf32, #tpu.memory_space<vmem>>, %arg5: memref<10000x48xf32, #tpu.memory_space<vmem>>) attributes {dimension_semantics = [], scalar_prefetch = 0 : i64, scratch_operands = 0 : i64, tpu.core_type = #tpu.core_type<tc>} {
    %get3A = arith.constant 0 : index
    %get3A_0 = arith.constant 0 : index
    %get3A_1 = vector.load %arg0[%get3A, %get3A_0] : memref<10000x128xf32, #tpu.memory_space<vmem>>, vector<10000x128xf32>
    %get3A_2 = arith.constant 0 : index
    %get3A_3 = arith.constant 0 : index
    %get3A_4 = vector.load %arg2[%get3A_2, %get3A_3] : memref<128x32xf32, #tpu.memory_space<vmem>>, vector<128x32xf32>
    %dot_general3A = arith.constant dense<0.000000e+00> : vector<10000x32xf32>
    %dot_general3A_5 = tpu.matmul %get3A_1, %get3A_4, %dot_general3A {dimension_numbers = #tpu.dot_dimension_numbers<[1], [0], [0], [1], [0, 0, 1, 1], [], []>, transpose_lhs_hint = false} : vector<10000x128xf32>, vector<128x32xf32>, vector<10000x32xf32> -> vector<10000x32xf32>
    %get3A_6 = arith.constant 0 : index
    %get3A_7 = arith.constant 0 : index
    %get3A_8 = vector.load %arg3[%get3A_6, %get3A_7] : memref<1x32xf32, #tpu.memory_space<vmem>>, vector<1x32xf32>
    %get3A_9 = arith.constant 0 : index
    %get3A_10 = arith.constant 0 : index
    %get3A_11 = vector.load %arg4[%get3A_9, %get3A_10] : memref<1x32xf32, #tpu.memory_space<vmem>>, vector<1x32xf32>
    %iota3A = tpu.iota {dimensions = array<i32: 0>} : vector<32x8xi32>
    %jit3A = arith.constant 4 : i32
    %div3A = vector.broadcast %jit3A : i32 to vector<32x8xi32>
    %div3A_12 = arith.divsi %iota3A, %div3A : vector<32x8xi32>
    %sign3A = arith.constant 0 : i32
    %sign3A_13 = vector.broadcast %sign3A : i32 to vector<32x8xi32>
    %sign3A_14 = arith.cmpi sgt, %iota3A, %sign3A_13 : vector<32x8xi32>
    %sign3A_15 = arith.extui %sign3A_14 : vector<32x8xi1> to vector<32x8xi32>
    %sign3A_16 = arith.constant 0 : i32
    %sign3A_17 = vector.broadcast %sign3A_16 : i32 to vector<32x8xi32>
    %sign3A_18 = arith.cmpi slt, %iota3A, %sign3A_17 : vector<32x8xi32>
    %sign3A_19 = arith.extui %sign3A_18 : vector<32x8xi1> to vector<32x8xi32>
    %sign3A_20 = arith.subi %sign3A_15, %sign3A_19 : vector<32x8xi32>
    %sign3A_21 = arith.constant 0 : i32
    %sign3A_22 = arith.cmpi sgt, %jit3A, %sign3A_21 : i32
    %sign3A_23 = arith.extui %sign3A_22 : i1 to i32
    %sign3A_24 = arith.constant 0 : i32
    %sign3A_25 = arith.cmpi slt, %jit3A, %sign3A_24 : i32
    %sign3A_26 = arith.extui %sign3A_25 : i1 to i32
    %sign3A_27 = arith.subi %sign3A_23, %sign3A_26 : i32
    %ne3A = vector.broadcast %sign3A_27 : i32 to vector<32x8xi32>
    %ne3A_28 = arith.cmpi ne, %sign3A_20, %ne3A : vector<32x8xi32>
    %rem3A = vector.broadcast %jit3A : i32 to vector<32x8xi32>
    %rem3A_29 = arith.remsi %iota3A, %rem3A : vector<32x8xi32>
    %ne3A_30 = arith.constant 0 : i32
    %ne3A_31 = vector.broadcast %ne3A_30 : i32 to vector<32x8xi32>
    %ne3A_32 = arith.cmpi ne, %rem3A_29, %ne3A_31 : vector<32x8xi32>
    %and3A = arith.andi %ne3A_28, %ne3A_32 : vector<32x8xi1>
    %sub3A = arith.constant 1 : i32
    %sub3A_33 = vector.broadcast %sub3A : i32 to vector<32x8xi32>
    %sub3A_34 = arith.subi %div3A_12, %sub3A_33 : vector<32x8xi32>
    %select_n3A = arith.select %and3A, %sub3A_34, %div3A_12 : vector<32x8xi1>, vector<32x8xi32>
    %iota3A_35 = tpu.iota {dimensions = array<i32: 1>} : vector<32x8xi32>
    %eq3A = arith.cmpi eq, %select_n3A, %iota3A_35 : vector<32x8xi32>
    %convert_element_type3A = arith.extui %eq3A : vector<32x8xi1> to vector<32x8xi32>
    %convert_element_type3A_36 = arith.sitofp %convert_element_type3A : vector<32x8xi32> to vector<32x8xf32>
    %reduce_sum3A = arith.constant dense<0.000000e+00> : vector<32xf32>
    %reduce_sum3A_37 = vector.multi_reduction <add>, %dot_general3A_5, %reduce_sum3A [0] : vector<10000x32xf32> to vector<32xf32>
    %broadcast_in_dim3A = vector.shape_cast %reduce_sum3A_37 : vector<32xf32> to vector<1x32xf32>
    %mul3A = arith.mulf %dot_general3A_5, %dot_general3A_5 : vector<10000x32xf32>
    %reduce_sum3A_38 = arith.constant dense<0.000000e+00> : vector<32xf32>
    %reduce_sum3A_39 = vector.multi_reduction <add>, %mul3A, %reduce_sum3A_38 [0] : vector<10000x32xf32> to vector<32xf32>
    %broadcast_in_dim3A_40 = vector.shape_cast %reduce_sum3A_39 : vector<32xf32> to vector<1x32xf32>
    %dot_general3A_41 = arith.constant dense<0.000000e+00> : vector<1x8xf32>
    %dot_general3A_42 = tpu.matmul %broadcast_in_dim3A, %convert_element_type3A_36, %dot_general3A_41 {dimension_numbers = #tpu.dot_dimension_numbers<[1], [0], [0], [1], [0, 0, 1, 1], [], []>, transpose_lhs_hint = false} : vector<1x32xf32>, vector<32x8xf32>, vector<1x8xf32> -> vector<1x8xf32>
    %div3A_43 = arith.constant 4.000000e+04 : f32
    %div3A_44 = vector.broadcast %div3A_43 : f32 to vector<1x8xf32>
    %div3A_45 = arith.divf %dot_general3A_42, %div3A_44 : vector<1x8xf32>
    %dot_general3A_46 = arith.constant dense<0.000000e+00> : vector<1x8xf32>
    %dot_general3A_47 = tpu.matmul %broadcast_in_dim3A_40, %convert_element_type3A_36, %dot_general3A_46 {dimension_numbers = #tpu.dot_dimension_numbers<[1], [0], [0], [1], [0, 0, 1, 1], [], []>, transpose_lhs_hint = false} : vector<1x32xf32>, vector<32x8xf32>, vector<1x8xf32> -> vector<1x8xf32>
    %div3A_48 = arith.constant 4.000000e+04 : f32
    %div3A_49 = vector.broadcast %div3A_48 : f32 to vector<1x8xf32>
    %div3A_50 = arith.divf %dot_general3A_47, %div3A_49 : vector<1x8xf32>
    %mul3A_51 = arith.mulf %div3A_45, %div3A_45 : vector<1x8xf32>
    %sub3A_52 = arith.subf %div3A_50, %mul3A_51 : vector<1x8xf32>
    %add3A = arith.constant 9.99999974E-6 : f32
    %add3A_53 = vector.broadcast %add3A : f32 to vector<1x8xf32>
    %add3A_54 = arith.addf %sub3A_52, %add3A_53 : vector<1x8xf32>
    %rsqrt3A = math.rsqrt %add3A_54 : vector<1x8xf32>
    %transpose3A = tpu.transpose %convert_element_type3A_36, [1, 0] : vector<32x8xf32> -> vector<8x32xf32>
    %dot_general3A_55 = arith.constant dense<0.000000e+00> : vector<1x32xf32>
    %dot_general3A_56 = tpu.matmul %div3A_45, %transpose3A, %dot_general3A_55 {dimension_numbers = #tpu.dot_dimension_numbers<[1], [0], [0], [1], [0, 0, 1, 1], [], []>, transpose_lhs_hint = false} : vector<1x8xf32>, vector<8x32xf32>, vector<1x32xf32> -> vector<1x32xf32>
    %transpose3A_57 = tpu.transpose %convert_element_type3A_36, [1, 0] : vector<32x8xf32> -> vector<8x32xf32>
    %dot_general3A_58 = arith.constant dense<0.000000e+00> : vector<1x32xf32>
    %dot_general3A_59 = tpu.matmul %rsqrt3A, %transpose3A_57, %dot_general3A_58 {dimension_numbers = #tpu.dot_dimension_numbers<[1], [0], [0], [1], [0, 0, 1, 1], [], []>, transpose_lhs_hint = false} : vector<1x8xf32>, vector<8x32xf32>, vector<1x32xf32> -> vector<1x32xf32>
    %sub3A_60 = vector.broadcast %dot_general3A_56 : vector<1x32xf32> to vector<10000x32xf32>
    %sub3A_61 = arith.subf %dot_general3A_5, %sub3A_60 : vector<10000x32xf32>
    %mul3A_62 = vector.broadcast %dot_general3A_59 : vector<1x32xf32> to vector<10000x32xf32>
    %mul3A_63 = arith.mulf %sub3A_61, %mul3A_62 : vector<10000x32xf32>
    %mul3A_64 = vector.broadcast %get3A_8 : vector<1x32xf32> to vector<10000x32xf32>
    %mul3A_65 = arith.mulf %mul3A_63, %mul3A_64 : vector<10000x32xf32>
    %add3A_66 = vector.broadcast %get3A_11 : vector<1x32xf32> to vector<10000x32xf32>
    %add3A_67 = arith.addf %mul3A_65, %add3A_66 : vector<10000x32xf32>
    %ge3A = arith.constant 0.000000e+00 : f32
    %ge3A_68 = vector.broadcast %ge3A : f32 to vector<10000x32xf32>
    %ge3A_69 = arith.cmpf oge, %add3A_67, %ge3A_68 : vector<10000x32xf32>
    %mul3A_70 = arith.constant 1.000000e-01 : f32
    %mul3A_71 = vector.broadcast %mul3A_70 : f32 to vector<10000x32xf32>
    %mul3A_72 = arith.mulf %mul3A_71, %add3A_67 : vector<10000x32xf32>
    %select_n3A_73 = arith.select %ge3A_69, %add3A_67, %mul3A_72 : vector<10000x32xi1>, vector<10000x32xf32>
    %swap3A = arith.constant 0 : index
    %swap3A_74 = arith.constant 0 : index
    %swap3A_75 = vector.load %arg5[%swap3A, %swap3A_74] : memref<10000x48xf32, #tpu.memory_space<vmem>>, vector<10000x32xf32>
    tpu.vector_store %arg5[%swap3A, %swap3A_74], %select_n3A_73 {strides = array<i32>} : memref<10000x48xf32, #tpu.memory_space<vmem>>, vector<10000x32xf32>,
    %get3A_76 = arith.constant 0 : index
    %get3A_77 = arith.constant 0 : index
    %get3A_78 = vector.load %arg1[%get3A_76, %get3A_77] : memref<10000x3xf32, #tpu.memory_space<vmem>>, vector<10000x3xf32>
    %swap3A_79 = arith.constant 0 : index
    %swap3A_80 = arith.constant 32 : index
    %swap3A_81 = vector.load %arg5[%swap3A_79, %swap3A_80] : memref<10000x48xf32, #tpu.memory_space<vmem>>, vector<10000x3xf32>
    tpu.vector_store %arg5[%swap3A_79, %swap3A_80], %get3A_78 {strides = array<i32>} : memref<10000x48xf32, #tpu.memory_space<vmem>>, vector<10000x3xf32>,
    %reduce_sum3A_82 = arith.constant dense<0.000000e+00> : vector<10000xf32>
    %reduce_sum3A_83 = vector.multi_reduction <add>, %select_n3A_73, %reduce_sum3A_82 [1] : vector<10000x32xf32> to vector<10000xf32>
    %broadcast_in_dim3A_84 = vector.shape_cast %reduce_sum3A_83 : vector<10000xf32> to vector<10000x1xf32>
    %ne3A_85 = arith.constant 0.000000e+00 : f32
    %ne3A_86 = vector.broadcast %ne3A_85 : f32 to vector<10000x1xf32>
    %ne3A_87 = arith.cmpf one, %broadcast_in_dim3A_84, %ne3A_86 : vector<10000x1xf32>
    %convert_element_type3A_88 = arith.extui %ne3A_87 : vector<10000x1xi1> to vector<10000x1xi32>
    %convert_element_type3A_89 = arith.sitofp %convert_element_type3A_88 : vector<10000x1xi32> to vector<10000x1xf32>
    %swap3A_90 = arith.constant 0 : index
    %swap3A_91 = arith.constant 35 : index
    %swap3A_92 = vector.load %arg5[%swap3A_90, %swap3A_91] : memref<10000x48xf32, #tpu.memory_space<vmem>>, vector<10000x1xf32>
    tpu.vector_store %arg5[%swap3A_90, %swap3A_91], %convert_element_type3A_89 {strides = array<i32>} : memref<10000x48xf32, #tpu.memory_space<vmem>>, vector<10000x1xf32>,
    %broadcast_in_dim3A_93 = arith.constant 0.000000e+00 : f32
    %broadcast_in_dim3A_94 = vector.broadcast %broadcast_in_dim3A_93 : f32 to vector<10000x12xf32>
    %swap3A_95 = arith.constant 0 : index
    %swap3A_96 = arith.constant 36 : index
    %swap3A_97 = vector.load %arg5[%swap3A_95, %swap3A_96] : memref<10000x48xf32, #tpu.memory_space<vmem>>, vector<10000x12xf32>
    tpu.vector_store %arg5[%swap3A_95, %swap3A_96], %broadcast_in_dim3A_94 {strides = array<i32>} : memref<10000x48xf32, #tpu.memory_space<vmem>>, vector<10000x12xf32>,
    return
  }
}

module attributes {stable_mosaic.version = 14 : i64} {
  func.func @_kpconv_body(%arg0: i32, %arg1: memref<200x3xf32, #tpu.memory_space<vmem>>, %arg2: memref<3x15xf32, #tpu.memory_space<vmem>>, %arg3: memref<15x480xf32, #tpu.memory_space<vmem>>, %arg4: memref<32x480xf32, #tpu.memory_space<vmem>>, %arg5: memref<480x32xf32, #tpu.memory_space<vmem>>, %arg6: memref<32x10000x48xf32, #tpu.memory_space<any>>, %arg7: memref<200x32xf32, #tpu.memory_space<vmem>>, %arg8: memref<2x32x200x48xf32, #tpu.memory_space<vmem>>, %arg9: memref<2x!tpu.dma_semaphore, #tpu.memory_space<semaphore_mem>>) attributes {dimension_semantics = [#tpu.dimension_semantics<arbitrary>], iteration_bounds = array<i64: 50>, scalar_prefetch = 0 : i64, scratch_operands = 2 : i64, tpu.core_type = #tpu.core_type<tc>, window_params = [{transform_indices = @transform_0, window_bounds = array<i64: 200, 3>}, {pipeline_mode = #tpu.pipeline_mode<synchronous>, transform_indices = @transform_1, window_bounds = array<i64: 3, 15>}, {pipeline_mode = #tpu.pipeline_mode<synchronous>, transform_indices = @transform_2, window_bounds = array<i64: 15, 480>}, {pipeline_mode = #tpu.pipeline_mode<synchronous>, transform_indices = @transform_3, window_bounds = array<i64: 32, 480>}, {pipeline_mode = #tpu.pipeline_mode<synchronous>, transform_indices = @transform_4, window_bounds = array<i64: 480, 32>}, {}, {transform_indices = @transform_6, window_bounds = array<i64: 200, 32>}]} {
    %eq3A = arith.constant 0 : i32
    %eq3A_0 = arith.cmpi eq, %arg0, %eq3A : i32
    %convert_element_type3A = arith.extui %eq3A_0 : i1 to i32
    %cond3A = arith.constant 0 : i32
    %cond3A_1 = arith.cmpi ne, %convert_element_type3A, %cond3A : i32
    scf.if %cond3A_1 {
      %dma_start3A = arith.constant 0 : i32
      %dma_start3A_1445 = arith.constant 0 : i32
      %dma_start3A_1446 = tpu.memref_slice %arg9[%dma_start3A_1445] : memref<2x!tpu.dma_semaphore, #tpu.memory_space<semaphore_mem>> -> memref<1x!tpu.dma_semaphore, #tpu.memory_space<semaphore_mem>>
      %dma_start3A_1447 = tpu.memref_squeeze %dma_start3A_1446 : memref<1x!tpu.dma_semaphore, #tpu.memory_space<semaphore_mem>> -> memref<!tpu.dma_semaphore, #tpu.memory_space<semaphore_mem>>
      %dma_start3A_1448 = arith.constant 0 : i32
      %dma_start3A_1449 = arith.constant 0 : i32
      %dma_start3A_1450 = arith.constant 0 : i32
      %dma_start3A_1451 = tpu.memref_slice %arg8[%dma_start3A, %dma_start3A_1448, %dma_start3A_1449, %dma_start3A_1450] : memref<2x32x200x48xf32, #tpu.memory_space<vmem>> -> memref<1x32x200x48xf32, #tpu.memory_space<vmem>>
      %dma_start3A_1452 = tpu.memref_squeeze %dma_start3A_1451 : memref<1x32x200x48xf32, #tpu.memory_space<vmem>> -> memref<32x200x48xf32, #tpu.memory_space<vmem>>
      %dma_start3A_1453 = arith.constant 0 : i32
      %dma_start3A_1454 = arith.constant 0 : i32
      %dma_start3A_1455 = arith.constant 0 : i32
      %dma_start3A_1456 = tpu.memref_slice %arg6[%dma_start3A_1453, %dma_start3A_1454, %dma_start3A_1455] : memref<32x10000x48xf32, #tpu.memory_space<any>> -> memref<32x200x48xf32, #tpu.memory_space<any>>
      tpu.enqueue_dma source(%dma_start3A_1456 : memref<32x200x48xf32, #tpu.memory_space<any>>) target(%dma_start3A_1452 : memref<32x200x48xf32, #tpu.memory_space<vmem>>) target_semaphore(%dma_start3A_1447 : memref<!tpu.dma_semaphore, #tpu.memory_space<semaphore_mem>>)
    } else {
    }
    %add3A = arith.constant 1 : i32
    %add3A_2 = arith.addi %arg0, %add3A : i32
    %lt3A = arith.constant 50 : i32
    %lt3A_3 = arith.cmpi slt, %add3A_2, %lt3A : i32
    %convert_element_type3A_4 = arith.extui %lt3A_3 : i1 to i32
    %cond3A_5 = arith.constant 0 : i32
    %cond3A_6 = arith.cmpi ne, %convert_element_type3A_4, %cond3A_5 : i32
    scf.if %cond3A_6 {
      %add3A_1445 = arith.constant 1 : i32
      %add3A_1446 = arith.addi %arg0, %add3A_1445 : i32
      %add3A_1447 = arith.constant 1 : i32
      %add3A_1448 = arith.addi %arg0, %add3A_1447 : i32
      %jit3A_1449 = arith.constant 2 : i32
      %eq3A_1450 = arith.constant 0 : i32
      %eq3A_1451 = arith.cmpi eq, %jit3A_1449, %eq3A_1450 : i32
      %jit3A_1452 = arith.constant 1 : i32
      %select_n3A_1453 = arith.select %eq3A_1451, %jit3A_1452, %jit3A_1449 : i32
      %rem3A_1454 = arith.remsi %add3A_1448, %select_n3A_1453 : i32
      %ne3A_1455 = arith.constant 0 : i32
      %ne3A_1456 = arith.cmpi ne, %rem3A_1454, %ne3A_1455 : i32
      %lt3A_1457 = arith.constant 0 : i32
      %lt3A_1458 = arith.cmpi slt, %rem3A_1454, %lt3A_1457 : i32
      %lt3A_1459 = arith.constant 0 : i32
      %lt3A_1460 = arith.cmpi slt, %select_n3A_1453, %lt3A_1459 : i32
      %ne3A_1461 = arith.xori %lt3A_1458, %lt3A_1460 : i1
      %and3A_1462 = arith.andi %ne3A_1461, %ne3A_1456 : i1
      %add3A_1463 = arith.addi %rem3A_1454, %select_n3A_1453 : i32
      %select_n3A_1464 = arith.select %and3A_1462, %add3A_1463, %rem3A_1454 : i32
      %mul3A_1465 = arith.constant 200 : i32
      %mul3A_1466 = arith.muli %add3A_1446, %mul3A_1465 : i32
      %dma_start3A = tpu.memref_slice %arg9[%select_n3A_1464] : memref<2x!tpu.dma_semaphore, #tpu.memory_space<semaphore_mem>> -> memref<1x!tpu.dma_semaphore, #tpu.memory_space<semaphore_mem>>
      %dma_start3A_1467 = tpu.memref_squeeze %dma_start3A : memref<1x!tpu.dma_semaphore, #tpu.memory_space<semaphore_mem>> -> memref<!tpu.dma_semaphore, #tpu.memory_space<semaphore_mem>>
      %dma_start3A_1468 = arith.constant 0 : i32
      %dma_start3A_1469 = arith.constant 0 : i32
      %dma_start3A_1470 = arith.constant 0 : i32
      %dma_start3A_1471 = tpu.memref_slice %arg8[%select_n3A_1464, %dma_start3A_1468, %dma_start3A_1469, %dma_start3A_1470] : memref<2x32x200x48xf32, #tpu.memory_space<vmem>> -> memref<1x32x200x48xf32, #tpu.memory_space<vmem>>
      %dma_start3A_1472 = tpu.memref_squeeze %dma_start3A_1471 : memref<1x32x200x48xf32, #tpu.memory_space<vmem>> -> memref<32x200x48xf32, #tpu.memory_space<vmem>>
      %dma_start3A_1473 = arith.constant 0 : i32
      %dma_start3A_1474 = arith.constant 0 : i32
      %dma_start3A_1475 = tpu.memref_slice %arg6[%dma_start3A_1473, %mul3A_1466, %dma_start3A_1474] : memref<32x10000x48xf32, #tpu.memory_space<any>> -> memref<32x200x48xf32, #tpu.memory_space<any>>
      tpu.enqueue_dma source(%dma_start3A_1475 : memref<32x200x48xf32, #tpu.memory_space<any>>) target(%dma_start3A_1472 : memref<32x200x48xf32, #tpu.memory_space<vmem>>) target_semaphore(%dma_start3A_1467 : memref<!tpu.dma_semaphore, #tpu.memory_space<semaphore_mem>>)
    } else {
    }
    %jit3A = arith.constant 2 : i32
    %eq3A_7 = arith.constant 0 : i32
    %eq3A_8 = arith.cmpi eq, %jit3A, %eq3A_7 : i32
    %jit3A_9 = arith.constant 1 : i32
    %select_n3A = arith.select %eq3A_8, %jit3A_9, %jit3A : i32
    %rem3A = arith.remsi %arg0, %select_n3A : i32
    %ne3A = arith.constant 0 : i32
    %ne3A_10 = arith.cmpi ne, %rem3A, %ne3A : i32
    %lt3A_11 = arith.constant 0 : i32
    %lt3A_12 = arith.cmpi slt, %rem3A, %lt3A_11 : i32
    %lt3A_13 = arith.constant 0 : i32
    %lt3A_14 = arith.cmpi slt, %select_n3A, %lt3A_13 : i32
    %ne3A_15 = arith.xori %lt3A_12, %lt3A_14 : i1
    %and3A = arith.andi %ne3A_15, %ne3A_10 : i1
    %add3A_16 = arith.addi %rem3A, %select_n3A : i32
    %select_n3A_17 = arith.select %and3A, %add3A_16, %rem3A : i32
    %mul3A = arith.constant 200 : i32
    %mul3A_18 = arith.muli %arg0, %mul3A : i32
    %dma_wait3A = tpu.memref_slice %arg9[%select_n3A_17] : memref<2x!tpu.dma_semaphore, #tpu.memory_space<semaphore_mem>> -> memref<1x!tpu.dma_semaphore, #tpu.memory_space<semaphore_mem>>
    %dma_wait3A_19 = tpu.memref_squeeze %dma_wait3A : memref<1x!tpu.dma_semaphore, #tpu.memory_space<semaphore_mem>> -> memref<!tpu.dma_semaphore, #tpu.memory_space<semaphore_mem>>
    %dma_wait3A_20 = arith.constant 0 : i32
    %dma_wait3A_21 = arith.constant 0 : i32
    %dma_wait3A_22 = arith.constant 0 : i32
    %dma_wait3A_23 = tpu.memref_slice %arg8[%select_n3A_17, %dma_wait3A_20, %dma_wait3A_21, %dma_wait3A_22] : memref<2x32x200x48xf32, #tpu.memory_space<vmem>> -> memref<1x32x200x48xf32, #tpu.memory_space<vmem>>
    %dma_wait3A_24 = tpu.memref_squeeze %dma_wait3A_23 : memref<1x32x200x48xf32, #tpu.memory_space<vmem>> -> memref<32x200x48xf32, #tpu.memory_space<vmem>>
    %dma_wait3A_25 = arith.constant 0 : i32
    %dma_wait3A_26 = arith.constant 0 : i32
    %dma_wait3A_27 = tpu.memref_slice %arg6[%dma_wait3A_25, %mul3A_18, %dma_wait3A_26] : memref<32x10000x48xf32, #tpu.memory_space<any>> -> memref<32x200x48xf32, #tpu.memory_space<any>>
    tpu.wait_dma2 semaphore(%dma_wait3A_19 : memref<!tpu.dma_semaphore, #tpu.memory_space<semaphore_mem>>) src(%dma_wait3A_27 : memref<32x200x48xf32, #tpu.memory_space<any>>) dst(%dma_wait3A_24 : memref<32x200x48xf32, #tpu.memory_space<vmem>>)
    %jit3A_28 = arith.constant 2 : i32
    %eq3A_29 = arith.constant 0 : i32
    %eq3A_30 = arith.cmpi eq, %jit3A_28, %eq3A_29 : i32
    %jit3A_31 = arith.constant 1 : i32
    %select_n3A_32 = arith.select %eq3A_30, %jit3A_31, %jit3A_28 : i32
    %rem3A_33 = arith.remsi %arg0, %select_n3A_32 : i32
    %ne3A_34 = arith.constant 0 : i32
    %ne3A_35 = arith.cmpi ne, %rem3A_33, %ne3A_34 : i32
    %lt3A_36 = arith.constant 0 : i32
    %lt3A_37 = arith.cmpi slt, %rem3A_33, %lt3A_36 : i32
    %lt3A_38 = arith.constant 0 : i32
    %lt3A_39 = arith.cmpi slt, %select_n3A_32, %lt3A_38 : i32
    %ne3A_40 = arith.xori %lt3A_37, %lt3A_39 : i1
    %and3A_41 = arith.andi %ne3A_40, %ne3A_35 : i1
    %add3A_42 = arith.addi %rem3A_33, %select_n3A_32 : i32
    %select_n3A_43 = arith.select %and3A_41, %add3A_42, %rem3A_33 : i32
    %get3A = arith.index_cast %select_n3A_43 : i32 to index
    %get3A_44 = arith.constant 0 : index
    %get3A_45 = arith.constant 0 : index
    %get3A_46 = arith.constant 0 : index
    %get3A_47 = vector.load %arg8[%get3A, %get3A_44, %get3A_45, %get3A_46] : memref<2x32x200x48xf32, #tpu.memory_space<vmem>>, vector<1x32x200x48xf32>
    %get3A_48 = vector.shape_cast %get3A_47 : vector<1x32x200x48xf32> to vector<32x200x48xf32>
    %get3A_49 = arith.constant 0 : index
    %get3A_50 = arith.constant 0 : index
    %get3A_51 = vector.load %arg1[%get3A_49, %get3A_50] : memref<200x3xf32, #tpu.memory_space<vmem>>, vector<200x3xf32>
    %get3A_52 = arith.constant 0 : index
    %get3A_53 = arith.constant 0 : index
    %get3A_54 = vector.load %arg2[%get3A_52, %get3A_53] : memref<3x15xf32, #tpu.memory_space<vmem>>, vector<3x15xf32>
    %get3A_55 = arith.constant 0 : index
    %get3A_56 = arith.constant 0 : index
    %get3A_57 = vector.load %arg3[%get3A_55, %get3A_56] : memref<15x480xf32, #tpu.memory_space<vmem>>, vector<15x480xf32>
    %get3A_58 = arith.constant 0 : index
    %get3A_59 = arith.constant 0 : index
    %get3A_60 = vector.load %arg4[%get3A_58, %get3A_59] : memref<32x480xf32, #tpu.memory_space<vmem>>, vector<32x480xf32>
    %broadcast_in_dim3A = arith.constant 0.000000e+00 : f32
    %broadcast_in_dim3A_61 = vector.broadcast %broadcast_in_dim3A : f32 to vector<200x480xf32>
    %broadcast_in_dim3A_62 = arith.constant 0.000000e+00 : f32
    %broadcast_in_dim3A_63 = vector.broadcast %broadcast_in_dim3A_62 : f32 to vector<200x1xf32>
    %slice3A = vector.extract_strided_slice %get3A_48 {offsets = [0, 0, 0], sizes = [1, 200, 48], strides = [1, 1, 1]} : vector<32x200x48xf32> to vector<1x200x48xf32>
    %squeeze3A = vector.shape_cast %slice3A : vector<1x200x48xf32> to vector<200x48xf32>
    %slice3A_64 = vector.extract_strided_slice %squeeze3A {offsets = [0, 0], sizes = [200, 32], strides = [1, 1]} : vector<200x48xf32> to vector<200x32xf32>
    %slice3A_65 = vector.extract_strided_slice %squeeze3A {offsets = [0, 32], sizes = [200, 3], strides = [1, 1]} : vector<200x48xf32> to vector<200x3xf32>
    %sub3A = arith.subf %slice3A_65, %get3A_51 : vector<200x3xf32>
    %slice3A_66 = vector.extract_strided_slice %sub3A {offsets = [0, 0], sizes = [200, 1], strides = [1, 1]} : vector<200x3xf32> to vector<200x1xf32>
    %slice3A_67 = vector.extract_strided_slice %get3A_54 {offsets = [0, 0], sizes = [1, 15], strides = [1, 1]} : vector<3x15xf32> to vector<1x15xf32>
    %sub3A_68 = vector.broadcast %slice3A_66 : vector<200x1xf32> to vector<200x15xf32>
    %sub3A_69 = vector.broadcast %slice3A_67 : vector<1x15xf32> to vector<200x15xf32>
    %sub3A_70 = arith.subf %sub3A_68, %sub3A_69 : vector<200x15xf32>
    %slice3A_71 = vector.extract_strided_slice %sub3A {offsets = [0, 1], sizes = [200, 1], strides = [1, 1]} : vector<200x3xf32> to vector<200x1xf32>
    %slice3A_72 = vector.extract_strided_slice %get3A_54 {offsets = [1, 0], sizes = [1, 15], strides = [1, 1]} : vector<3x15xf32> to vector<1x15xf32>
    %sub3A_73 = vector.broadcast %slice3A_71 : vector<200x1xf32> to vector<200x15xf32>
    %sub3A_74 = vector.broadcast %slice3A_72 : vector<1x15xf32> to vector<200x15xf32>
    %sub3A_75 = arith.subf %sub3A_73, %sub3A_74 : vector<200x15xf32>
    %slice3A_76 = vector.extract_strided_slice %sub3A {offsets = [0, 2], sizes = [200, 1], strides = [1, 1]} : vector<200x3xf32> to vector<200x1xf32>
    %slice3A_77 = vector.extract_strided_slice %get3A_54 {offsets = [2, 0], sizes = [1, 15], strides = [1, 1]} : vector<3x15xf32> to vector<1x15xf32>
    %sub3A_78 = vector.broadcast %slice3A_76 : vector<200x1xf32> to vector<200x15xf32>
    %sub3A_79 = vector.broadcast %slice3A_77 : vector<1x15xf32> to vector<200x15xf32>
    %sub3A_80 = arith.subf %sub3A_78, %sub3A_79 : vector<200x15xf32>
    %mul3A_81 = arith.mulf %sub3A_70, %sub3A_70 : vector<200x15xf32>
    %mul3A_82 = arith.mulf %sub3A_75, %sub3A_75 : vector<200x15xf32>
    %add3A_83 = arith.addf %mul3A_81, %mul3A_82 : vector<200x15xf32>
    %mul3A_84 = arith.mulf %sub3A_80, %sub3A_80 : vector<200x15xf32>
    %add3A_85 = arith.addf %add3A_83, %mul3A_84 : vector<200x15xf32>
    %sqrt3A = math.sqrt %add3A_85 : vector<200x15xf32>
    %mul3A_86 = arith.constant 5.000000e-01 : f32
    %mul3A_87 = vector.broadcast %mul3A_86 : f32 to vector<200x15xf32>
    %mul3A_88 = arith.mulf %sqrt3A, %mul3A_87 : vector<200x15xf32>
    %sub3A_89 = arith.constant 1.000000e+00 : f32
    %sub3A_90 = vector.broadcast %sub3A_89 : f32 to vector<200x15xf32>
    %sub3A_91 = arith.subf %sub3A_90, %mul3A_88 : vector<200x15xf32>
    %max3A = arith.constant 0.000000e+00 : f32
    %max3A_92 = vector.broadcast %max3A : f32 to vector<200x15xf32>
    %max3A_93 = arith.maximumf %sub3A_91, %max3A_92 : vector<200x15xf32>
    %dot_general3A = arith.constant dense<0.000000e+00> : vector<200x480xf32>
    %dot_general3A_94 = tpu.matmul %max3A_93, %get3A_57, %dot_general3A {dimension_numbers = #tpu.dot_dimension_numbers<[1], [0], [0], [1], [0, 0, 1, 1], [], []>, transpose_lhs_hint = false} : vector<200x15xf32>, vector<15x480xf32>, vector<200x480xf32> -> vector<200x480xf32>
    %dot_general3A_95 = arith.constant dense<0.000000e+00> : vector<200x480xf32>
    %dot_general3A_96 = tpu.matmul %slice3A_64, %get3A_60, %dot_general3A_95 {dimension_numbers = #tpu.dot_dimension_numbers<[1], [0], [0], [1], [0, 0, 1, 1], [], []>, transpose_lhs_hint = false} : vector<200x32xf32>, vector<32x480xf32>, vector<200x480xf32> -> vector<200x480xf32>
    %mul3A_97 = arith.mulf %dot_general3A_94, %dot_general3A_96 : vector<200x480xf32>
    %add3A_98 = arith.addf %broadcast_in_dim3A_61, %mul3A_97 : vector<200x480xf32>
    %slice3A_99 = vector.extract_strided_slice %squeeze3A {offsets = [0, 35], sizes = [200, 1], strides = [1, 1]} : vector<200x48xf32> to vector<200x1xf32>
    %add3A_100 = arith.addf %broadcast_in_dim3A_63, %slice3A_99 : vector<200x1xf32>
    %slice3A_101 = vector.extract_strided_slice %get3A_48 {offsets = [1, 0, 0], sizes = [1, 200, 48], strides = [1, 1, 1]} : vector<32x200x48xf32> to vector<1x200x48xf32>
    %squeeze3A_102 = vector.shape_cast %slice3A_101 : vector<1x200x48xf32> to vector<200x48xf32>
    %slice3A_103 = vector.extract_strided_slice %squeeze3A_102 {offsets = [0, 0], sizes = [200, 32], strides = [1, 1]} : vector<200x48xf32> to vector<200x32xf32>
    %slice3A_104 = vector.extract_strided_slice %squeeze3A_102 {offsets = [0, 32], sizes = [200, 3], strides = [1, 1]} : vector<200x48xf32> to vector<200x3xf32>
    %sub3A_105 = arith.subf %slice3A_104, %get3A_51 : vector<200x3xf32>
    %slice3A_106 = vector.extract_strided_slice %sub3A_105 {offsets = [0, 0], sizes = [200, 1], strides = [1, 1]} : vector<200x3xf32> to vector<200x1xf32>
    %slice3A_107 = vector.extract_strided_slice %get3A_54 {offsets = [0, 0], sizes = [1, 15], strides = [1, 1]} : vector<3x15xf32> to vector<1x15xf32>
    %sub3A_108 = vector.broadcast %slice3A_106 : vector<200x1xf32> to vector<200x15xf32>
    %sub3A_109 = vector.broadcast %slice3A_107 : vector<1x15xf32> to vector<200x15xf32>
    %sub3A_110 = arith.subf %sub3A_108, %sub3A_109 : vector<200x15xf32>
    %slice3A_111 = vector.extract_strided_slice %sub3A_105 {offsets = [0, 1], sizes = [200, 1], strides = [1, 1]} : vector<200x3xf32> to vector<200x1xf32>
    %slice3A_112 = vector.extract_strided_slice %get3A_54 {offsets = [1, 0], sizes = [1, 15], strides = [1, 1]} : vector<3x15xf32> to vector<1x15xf32>
    %sub3A_113 = vector.broadcast %slice3A_111 : vector<200x1xf32> to vector<200x15xf32>
    %sub3A_114 = vector.broadcast %slice3A_112 : vector<1x15xf32> to vector<200x15xf32>
    %sub3A_115 = arith.subf %sub3A_113, %sub3A_114 : vector<200x15xf32>
    %slice3A_116 = vector.extract_strided_slice %sub3A_105 {offsets = [0, 2], sizes = [200, 1], strides = [1, 1]} : vector<200x3xf32> to vector<200x1xf32>
    %slice3A_117 = vector.extract_strided_slice %get3A_54 {offsets = [2, 0], sizes = [1, 15], strides = [1, 1]} : vector<3x15xf32> to vector<1x15xf32>
    %sub3A_118 = vector.broadcast %slice3A_116 : vector<200x1xf32> to vector<200x15xf32>
    %sub3A_119 = vector.broadcast %slice3A_117 : vector<1x15xf32> to vector<200x15xf32>
    %sub3A_120 = arith.subf %sub3A_118, %sub3A_119 : vector<200x15xf32>
    %mul3A_121 = arith.mulf %sub3A_110, %sub3A_110 : vector<200x15xf32>
    %mul3A_122 = arith.mulf %sub3A_115, %sub3A_115 : vector<200x15xf32>
    %add3A_123 = arith.addf %mul3A_121, %mul3A_122 : vector<200x15xf32>
    %mul3A_124 = arith.mulf %sub3A_120, %sub3A_120 : vector<200x15xf32>
    %add3A_125 = arith.addf %add3A_123, %mul3A_124 : vector<200x15xf32>
    %sqrt3A_126 = math.sqrt %add3A_125 : vector<200x15xf32>
    %mul3A_127 = arith.constant 5.000000e-01 : f32
    %mul3A_128 = vector.broadcast %mul3A_127 : f32 to vector<200x15xf32>
    %mul3A_129 = arith.mulf %sqrt3A_126, %mul3A_128 : vector<200x15xf32>
    %sub3A_130 = arith.constant 1.000000e+00 : f32
    %sub3A_131 = vector.broadcast %sub3A_130 : f32 to vector<200x15xf32>
    %sub3A_132 = arith.subf %sub3A_131, %mul3A_129 : vector<200x15xf32>
    %max3A_133 = arith.constant 0.000000e+00 : f32
    %max3A_134 = vector.broadcast %max3A_133 : f32 to vector<200x15xf32>
    %max3A_135 = arith.maximumf %sub3A_132, %max3A_134 : vector<200x15xf32>
    %dot_general3A_136 = arith.constant dense<0.000000e+00> : vector<200x480xf32>
    %dot_general3A_137 = tpu.matmul %max3A_135, %get3A_57, %dot_general3A_136 {dimension_numbers = #tpu.dot_dimension_numbers<[1], [0], [0], [1], [0, 0, 1, 1], [], []>, transpose_lhs_hint = false} : vector<200x15xf32>, vector<15x480xf32>, vector<200x480xf32> -> vector<200x480xf32>
    %dot_general3A_138 = arith.constant dense<0.000000e+00> : vector<200x480xf32>
    %dot_general3A_139 = tpu.matmul %slice3A_103, %get3A_60, %dot_general3A_138 {dimension_numbers = #tpu.dot_dimension_numbers<[1], [0], [0], [1], [0, 0, 1, 1], [], []>, transpose_lhs_hint = false} : vector<200x32xf32>, vector<32x480xf32>, vector<200x480xf32> -> vector<200x480xf32>
    %mul3A_140 = arith.mulf %dot_general3A_137, %dot_general3A_139 : vector<200x480xf32>
    %add3A_141 = arith.addf %add3A_98, %mul3A_140 : vector<200x480xf32>
    %slice3A_142 = vector.extract_strided_slice %squeeze3A_102 {offsets = [0, 35], sizes = [200, 1], strides = [1, 1]} : vector<200x48xf32> to vector<200x1xf32>
    %add3A_143 = arith.addf %add3A_100, %slice3A_142 : vector<200x1xf32>
    %slice3A_144 = vector.extract_strided_slice %get3A_48 {offsets = [2, 0, 0], sizes = [1, 200, 48], strides = [1, 1, 1]} : vector<32x200x48xf32> to vector<1x200x48xf32>
    %squeeze3A_145 = vector.shape_cast %slice3A_144 : vector<1x200x48xf32> to vector<200x48xf32>
    %slice3A_146 = vector.extract_strided_slice %squeeze3A_145 {offsets = [0, 0], sizes = [200, 32], strides = [1, 1]} : vector<200x48xf32> to vector<200x32xf32>
    %slice3A_147 = vector.extract_strided_slice %squeeze3A_145 {offsets = [0, 32], sizes = [200, 3], strides = [1, 1]} : vector<200x48xf32> to vector<200x3xf32>
    %sub3A_148 = arith.subf %slice3A_147, %get3A_51 : vector<200x3xf32>
    %slice3A_149 = vector.extract_strided_slice %sub3A_148 {offsets = [0, 0], sizes = [200, 1], strides = [1, 1]} : vector<200x3xf32> to vector<200x1xf32>
    %slice3A_150 = vector.extract_strided_slice %get3A_54 {offsets = [0, 0], sizes = [1, 15], strides = [1, 1]} : vector<3x15xf32> to vector<1x15xf32>
    %sub3A_151 = vector.broadcast %slice3A_149 : vector<200x1xf32> to vector<200x15xf32>
    %sub3A_152 = vector.broadcast %slice3A_150 : vector<1x15xf32> to vector<200x15xf32>
    %sub3A_153 = arith.subf %sub3A_151, %sub3A_152 : vector<200x15xf32>
    %slice3A_154 = vector.extract_strided_slice %sub3A_148 {offsets = [0, 1], sizes = [200, 1], strides = [1, 1]} : vector<200x3xf32> to vector<200x1xf32>
    %slice3A_155 = vector.extract_strided_slice %get3A_54 {offsets = [1, 0], sizes = [1, 15], strides = [1, 1]} : vector<3x15xf32> to vector<1x15xf32>
    %sub3A_156 = vector.broadcast %slice3A_154 : vector<200x1xf32> to vector<200x15xf32>
    %sub3A_157 = vector.broadcast %slice3A_155 : vector<1x15xf32> to vector<200x15xf32>
    %sub3A_158 = arith.subf %sub3A_156, %sub3A_157 : vector<200x15xf32>
    %slice3A_159 = vector.extract_strided_slice %sub3A_148 {offsets = [0, 2], sizes = [200, 1], strides = [1, 1]} : vector<200x3xf32> to vector<200x1xf32>
    %slice3A_160 = vector.extract_strided_slice %get3A_54 {offsets = [2, 0], sizes = [1, 15], strides = [1, 1]} : vector<3x15xf32> to vector<1x15xf32>
    %sub3A_161 = vector.broadcast %slice3A_159 : vector<200x1xf32> to vector<200x15xf32>
    %sub3A_162 = vector.broadcast %slice3A_160 : vector<1x15xf32> to vector<200x15xf32>
    %sub3A_163 = arith.subf %sub3A_161, %sub3A_162 : vector<200x15xf32>
    %mul3A_164 = arith.mulf %sub3A_153, %sub3A_153 : vector<200x15xf32>
    %mul3A_165 = arith.mulf %sub3A_158, %sub3A_158 : vector<200x15xf32>
    %add3A_166 = arith.addf %mul3A_164, %mul3A_165 : vector<200x15xf32>
    %mul3A_167 = arith.mulf %sub3A_163, %sub3A_163 : vector<200x15xf32>
    %add3A_168 = arith.addf %add3A_166, %mul3A_167 : vector<200x15xf32>
    %sqrt3A_169 = math.sqrt %add3A_168 : vector<200x15xf32>
    %mul3A_170 = arith.constant 5.000000e-01 : f32
    %mul3A_171 = vector.broadcast %mul3A_170 : f32 to vector<200x15xf32>
    %mul3A_172 = arith.mulf %sqrt3A_169, %mul3A_171 : vector<200x15xf32>
    %sub3A_173 = arith.constant 1.000000e+00 : f32
    %sub3A_174 = vector.broadcast %sub3A_173 : f32 to vector<200x15xf32>
    %sub3A_175 = arith.subf %sub3A_174, %mul3A_172 : vector<200x15xf32>
    %max3A_176 = arith.constant 0.000000e+00 : f32
    %max3A_177 = vector.broadcast %max3A_176 : f32 to vector<200x15xf32>
    %max3A_178 = arith.maximumf %sub3A_175, %max3A_177 : vector<200x15xf32>
    %dot_general3A_179 = arith.constant dense<0.000000e+00> : vector<200x480xf32>
    %dot_general3A_180 = tpu.matmul %max3A_178, %get3A_57, %dot_general3A_179 {dimension_numbers = #tpu.dot_dimension_numbers<[1], [0], [0], [1], [0, 0, 1, 1], [], []>, transpose_lhs_hint = false} : vector<200x15xf32>, vector<15x480xf32>, vector<200x480xf32> -> vector<200x480xf32>
    %dot_general3A_181 = arith.constant dense<0.000000e+00> : vector<200x480xf32>
    %dot_general3A_182 = tpu.matmul %slice3A_146, %get3A_60, %dot_general3A_181 {dimension_numbers = #tpu.dot_dimension_numbers<[1], [0], [0], [1], [0, 0, 1, 1], [], []>, transpose_lhs_hint = false} : vector<200x32xf32>, vector<32x480xf32>, vector<200x480xf32> -> vector<200x480xf32>
    %mul3A_183 = arith.mulf %dot_general3A_180, %dot_general3A_182 : vector<200x480xf32>
    %add3A_184 = arith.addf %add3A_141, %mul3A_183 : vector<200x480xf32>
    %slice3A_185 = vector.extract_strided_slice %squeeze3A_145 {offsets = [0, 35], sizes = [200, 1], strides = [1, 1]} : vector<200x48xf32> to vector<200x1xf32>
    %add3A_186 = arith.addf %add3A_143, %slice3A_185 : vector<200x1xf32>
    %slice3A_187 = vector.extract_strided_slice %get3A_48 {offsets = [3, 0, 0], sizes = [1, 200, 48], strides = [1, 1, 1]} : vector<32x200x48xf32> to vector<1x200x48xf32>
    %squeeze3A_188 = vector.shape_cast %slice3A_187 : vector<1x200x48xf32> to vector<200x48xf32>
    %slice3A_189 = vector.extract_strided_slice %squeeze3A_188 {offsets = [0, 0], sizes = [200, 32], strides = [1, 1]} : vector<200x48xf32> to vector<200x32xf32>
    %slice3A_190 = vector.extract_strided_slice %squeeze3A_188 {offsets = [0, 32], sizes = [200, 3], strides = [1, 1]} : vector<200x48xf32> to vector<200x3xf32>
    %sub3A_191 = arith.subf %slice3A_190, %get3A_51 : vector<200x3xf32>
    %slice3A_192 = vector.extract_strided_slice %sub3A_191 {offsets = [0, 0], sizes = [200, 1], strides = [1, 1]} : vector<200x3xf32> to vector<200x1xf32>
    %slice3A_193 = vector.extract_strided_slice %get3A_54 {offsets = [0, 0], sizes = [1, 15], strides = [1, 1]} : vector<3x15xf32> to vector<1x15xf32>
    %sub3A_194 = vector.broadcast %slice3A_192 : vector<200x1xf32> to vector<200x15xf32>
    %sub3A_195 = vector.broadcast %slice3A_193 : vector<1x15xf32> to vector<200x15xf32>
    %sub3A_196 = arith.subf %sub3A_194, %sub3A_195 : vector<200x15xf32>
    %slice3A_197 = vector.extract_strided_slice %sub3A_191 {offsets = [0, 1], sizes = [200, 1], strides = [1, 1]} : vector<200x3xf32> to vector<200x1xf32>
    %slice3A_198 = vector.extract_strided_slice %get3A_54 {offsets = [1, 0], sizes = [1, 15], strides = [1, 1]} : vector<3x15xf32> to vector<1x15xf32>
    %sub3A_199 = vector.broadcast %slice3A_197 : vector<200x1xf32> to vector<200x15xf32>
    %sub3A_200 = vector.broadcast %slice3A_198 : vector<1x15xf32> to vector<200x15xf32>
    %sub3A_201 = arith.subf %sub3A_199, %sub3A_200 : vector<200x15xf32>
    %slice3A_202 = vector.extract_strided_slice %sub3A_191 {offsets = [0, 2], sizes = [200, 1], strides = [1, 1]} : vector<200x3xf32> to vector<200x1xf32>
    %slice3A_203 = vector.extract_strided_slice %get3A_54 {offsets = [2, 0], sizes = [1, 15], strides = [1, 1]} : vector<3x15xf32> to vector<1x15xf32>
    %sub3A_204 = vector.broadcast %slice3A_202 : vector<200x1xf32> to vector<200x15xf32>
    %sub3A_205 = vector.broadcast %slice3A_203 : vector<1x15xf32> to vector<200x15xf32>
    %sub3A_206 = arith.subf %sub3A_204, %sub3A_205 : vector<200x15xf32>
    %mul3A_207 = arith.mulf %sub3A_196, %sub3A_196 : vector<200x15xf32>
    %mul3A_208 = arith.mulf %sub3A_201, %sub3A_201 : vector<200x15xf32>
    %add3A_209 = arith.addf %mul3A_207, %mul3A_208 : vector<200x15xf32>
    %mul3A_210 = arith.mulf %sub3A_206, %sub3A_206 : vector<200x15xf32>
    %add3A_211 = arith.addf %add3A_209, %mul3A_210 : vector<200x15xf32>
    %sqrt3A_212 = math.sqrt %add3A_211 : vector<200x15xf32>
    %mul3A_213 = arith.constant 5.000000e-01 : f32
    %mul3A_214 = vector.broadcast %mul3A_213 : f32 to vector<200x15xf32>
    %mul3A_215 = arith.mulf %sqrt3A_212, %mul3A_214 : vector<200x15xf32>
    %sub3A_216 = arith.constant 1.000000e+00 : f32
    %sub3A_217 = vector.broadcast %sub3A_216 : f32 to vector<200x15xf32>
    %sub3A_218 = arith.subf %sub3A_217, %mul3A_215 : vector<200x15xf32>
    %max3A_219 = arith.constant 0.000000e+00 : f32
    %max3A_220 = vector.broadcast %max3A_219 : f32 to vector<200x15xf32>
    %max3A_221 = arith.maximumf %sub3A_218, %max3A_220 : vector<200x15xf32>
    %dot_general3A_222 = arith.constant dense<0.000000e+00> : vector<200x480xf32>
    %dot_general3A_223 = tpu.matmul %max3A_221, %get3A_57, %dot_general3A_222 {dimension_numbers = #tpu.dot_dimension_numbers<[1], [0], [0], [1], [0, 0, 1, 1], [], []>, transpose_lhs_hint = false} : vector<200x15xf32>, vector<15x480xf32>, vector<200x480xf32> -> vector<200x480xf32>
    %dot_general3A_224 = arith.constant dense<0.000000e+00> : vector<200x480xf32>
    %dot_general3A_225 = tpu.matmul %slice3A_189, %get3A_60, %dot_general3A_224 {dimension_numbers = #tpu.dot_dimension_numbers<[1], [0], [0], [1], [0, 0, 1, 1], [], []>, transpose_lhs_hint = false} : vector<200x32xf32>, vector<32x480xf32>, vector<200x480xf32> -> vector<200x480xf32>
    %mul3A_226 = arith.mulf %dot_general3A_223, %dot_general3A_225 : vector<200x480xf32>
    %add3A_227 = arith.addf %add3A_184, %mul3A_226 : vector<200x480xf32>
    %slice3A_228 = vector.extract_strided_slice %squeeze3A_188 {offsets = [0, 35], sizes = [200, 1], strides = [1, 1]} : vector<200x48xf32> to vector<200x1xf32>
    %add3A_229 = arith.addf %add3A_186, %slice3A_228 : vector<200x1xf32>
    %slice3A_230 = vector.extract_strided_slice %get3A_48 {offsets = [4, 0, 0], sizes = [1, 200, 48], strides = [1, 1, 1]} : vector<32x200x48xf32> to vector<1x200x48xf32>
    %squeeze3A_231 = vector.shape_cast %slice3A_230 : vector<1x200x48xf32> to vector<200x48xf32>
    %slice3A_232 = vector.extract_strided_slice %squeeze3A_231 {offsets = [0, 0], sizes = [200, 32], strides = [1, 1]} : vector<200x48xf32> to vector<200x32xf32>
    %slice3A_233 = vector.extract_strided_slice %squeeze3A_231 {offsets = [0, 32], sizes = [200, 3], strides = [1, 1]} : vector<200x48xf32> to vector<200x3xf32>
    %sub3A_234 = arith.subf %slice3A_233, %get3A_51 : vector<200x3xf32>
    %slice3A_235 = vector.extract_strided_slice %sub3A_234 {offsets = [0, 0], sizes = [200, 1], strides = [1, 1]} : vector<200x3xf32> to vector<200x1xf32>
    %slice3A_236 = vector.extract_strided_slice %get3A_54 {offsets = [0, 0], sizes = [1, 15], strides = [1, 1]} : vector<3x15xf32> to vector<1x15xf32>
    %sub3A_237 = vector.broadcast %slice3A_235 : vector<200x1xf32> to vector<200x15xf32>
    %sub3A_238 = vector.broadcast %slice3A_236 : vector<1x15xf32> to vector<200x15xf32>
    %sub3A_239 = arith.subf %sub3A_237, %sub3A_238 : vector<200x15xf32>
    %slice3A_240 = vector.extract_strided_slice %sub3A_234 {offsets = [0, 1], sizes = [200, 1], strides = [1, 1]} : vector<200x3xf32> to vector<200x1xf32>
    %slice3A_241 = vector.extract_strided_slice %get3A_54 {offsets = [1, 0], sizes = [1, 15], strides = [1, 1]} : vector<3x15xf32> to vector<1x15xf32>
    %sub3A_242 = vector.broadcast %slice3A_240 : vector<200x1xf32> to vector<200x15xf32>
    %sub3A_243 = vector.broadcast %slice3A_241 : vector<1x15xf32> to vector<200x15xf32>
    %sub3A_244 = arith.subf %sub3A_242, %sub3A_243 : vector<200x15xf32>
    %slice3A_245 = vector.extract_strided_slice %sub3A_234 {offsets = [0, 2], sizes = [200, 1], strides = [1, 1]} : vector<200x3xf32> to vector<200x1xf32>
    %slice3A_246 = vector.extract_strided_slice %get3A_54 {offsets = [2, 0], sizes = [1, 15], strides = [1, 1]} : vector<3x15xf32> to vector<1x15xf32>
    %sub3A_247 = vector.broadcast %slice3A_245 : vector<200x1xf32> to vector<200x15xf32>
    %sub3A_248 = vector.broadcast %slice3A_246 : vector<1x15xf32> to vector<200x15xf32>
    %sub3A_249 = arith.subf %sub3A_247, %sub3A_248 : vector<200x15xf32>
    %mul3A_250 = arith.mulf %sub3A_239, %sub3A_239 : vector<200x15xf32>
    %mul3A_251 = arith.mulf %sub3A_244, %sub3A_244 : vector<200x15xf32>
    %add3A_252 = arith.addf %mul3A_250, %mul3A_251 : vector<200x15xf32>
    %mul3A_253 = arith.mulf %sub3A_249, %sub3A_249 : vector<200x15xf32>
    %add3A_254 = arith.addf %add3A_252, %mul3A_253 : vector<200x15xf32>
    %sqrt3A_255 = math.sqrt %add3A_254 : vector<200x15xf32>
    %mul3A_256 = arith.constant 5.000000e-01 : f32
    %mul3A_257 = vector.broadcast %mul3A_256 : f32 to vector<200x15xf32>
    %mul3A_258 = arith.mulf %sqrt3A_255, %mul3A_257 : vector<200x15xf32>
    %sub3A_259 = arith.constant 1.000000e+00 : f32
    %sub3A_260 = vector.broadcast %sub3A_259 : f32 to vector<200x15xf32>
    %sub3A_261 = arith.subf %sub3A_260, %mul3A_258 : vector<200x15xf32>
    %max3A_262 = arith.constant 0.000000e+00 : f32
    %max3A_263 = vector.broadcast %max3A_262 : f32 to vector<200x15xf32>
    %max3A_264 = arith.maximumf %sub3A_261, %max3A_263 : vector<200x15xf32>
    %dot_general3A_265 = arith.constant dense<0.000000e+00> : vector<200x480xf32>
    %dot_general3A_266 = tpu.matmul %max3A_264, %get3A_57, %dot_general3A_265 {dimension_numbers = #tpu.dot_dimension_numbers<[1], [0], [0], [1], [0, 0, 1, 1], [], []>, transpose_lhs_hint = false} : vector<200x15xf32>, vector<15x480xf32>, vector<200x480xf32> -> vector<200x480xf32>
    %dot_general3A_267 = arith.constant dense<0.000000e+00> : vector<200x480xf32>
    %dot_general3A_268 = tpu.matmul %slice3A_232, %get3A_60, %dot_general3A_267 {dimension_numbers = #tpu.dot_dimension_numbers<[1], [0], [0], [1], [0, 0, 1, 1], [], []>, transpose_lhs_hint = false} : vector<200x32xf32>, vector<32x480xf32>, vector<200x480xf32> -> vector<200x480xf32>
    %mul3A_269 = arith.mulf %dot_general3A_266, %dot_general3A_268 : vector<200x480xf32>
    %add3A_270 = arith.addf %add3A_227, %mul3A_269 : vector<200x480xf32>
    %slice3A_271 = vector.extract_strided_slice %squeeze3A_231 {offsets = [0, 35], sizes = [200, 1], strides = [1, 1]} : vector<200x48xf32> to vector<200x1xf32>
    %add3A_272 = arith.addf %add3A_229, %slice3A_271 : vector<200x1xf32>
    %slice3A_273 = vector.extract_strided_slice %get3A_48 {offsets = [5, 0, 0], sizes = [1, 200, 48], strides = [1, 1, 1]} : vector<32x200x48xf32> to vector<1x200x48xf32>
    %squeeze3A_274 = vector.shape_cast %slice3A_273 : vector<1x200x48xf32> to vector<200x48xf32>
    %slice3A_275 = vector.extract_strided_slice %squeeze3A_274 {offsets = [0, 0], sizes = [200, 32], strides = [1, 1]} : vector<200x48xf32> to vector<200x32xf32>
    %slice3A_276 = vector.extract_strided_slice %squeeze3A_274 {offsets = [0, 32], sizes = [200, 3], strides = [1, 1]} : vector<200x48xf32> to vector<200x3xf32>
    %sub3A_277 = arith.subf %slice3A_276, %get3A_51 : vector<200x3xf32>
    %slice3A_278 = vector.extract_strided_slice %sub3A_277 {offsets = [0, 0], sizes = [200, 1], strides = [1, 1]} : vector<200x3xf32> to vector<200x1xf32>
    %slice3A_279 = vector.extract_strided_slice %get3A_54 {offsets = [0, 0], sizes = [1, 15], strides = [1, 1]} : vector<3x15xf32> to vector<1x15xf32>
    %sub3A_280 = vector.broadcast %slice3A_278 : vector<200x1xf32> to vector<200x15xf32>
    %sub3A_281 = vector.broadcast %slice3A_279 : vector<1x15xf32> to vector<200x15xf32>
    %sub3A_282 = arith.subf %sub3A_280, %sub3A_281 : vector<200x15xf32>
    %slice3A_283 = vector.extract_strided_slice %sub3A_277 {offsets = [0, 1], sizes = [200, 1], strides = [1, 1]} : vector<200x3xf32> to vector<200x1xf32>
    %slice3A_284 = vector.extract_strided_slice %get3A_54 {offsets = [1, 0], sizes = [1, 15], strides = [1, 1]} : vector<3x15xf32> to vector<1x15xf32>
    %sub3A_285 = vector.broadcast %slice3A_283 : vector<200x1xf32> to vector<200x15xf32>
    %sub3A_286 = vector.broadcast %slice3A_284 : vector<1x15xf32> to vector<200x15xf32>
    %sub3A_287 = arith.subf %sub3A_285, %sub3A_286 : vector<200x15xf32>
    %slice3A_288 = vector.extract_strided_slice %sub3A_277 {offsets = [0, 2], sizes = [200, 1], strides = [1, 1]} : vector<200x3xf32> to vector<200x1xf32>
    %slice3A_289 = vector.extract_strided_slice %get3A_54 {offsets = [2, 0], sizes = [1, 15], strides = [1, 1]} : vector<3x15xf32> to vector<1x15xf32>
    %sub3A_290 = vector.broadcast %slice3A_288 : vector<200x1xf32> to vector<200x15xf32>
    %sub3A_291 = vector.broadcast %slice3A_289 : vector<1x15xf32> to vector<200x15xf32>
    %sub3A_292 = arith.subf %sub3A_290, %sub3A_291 : vector<200x15xf32>
    %mul3A_293 = arith.mulf %sub3A_282, %sub3A_282 : vector<200x15xf32>
    %mul3A_294 = arith.mulf %sub3A_287, %sub3A_287 : vector<200x15xf32>
    %add3A_295 = arith.addf %mul3A_293, %mul3A_294 : vector<200x15xf32>
    %mul3A_296 = arith.mulf %sub3A_292, %sub3A_292 : vector<200x15xf32>
    %add3A_297 = arith.addf %add3A_295, %mul3A_296 : vector<200x15xf32>
    %sqrt3A_298 = math.sqrt %add3A_297 : vector<200x15xf32>
    %mul3A_299 = arith.constant 5.000000e-01 : f32
    %mul3A_300 = vector.broadcast %mul3A_299 : f32 to vector<200x15xf32>
    %mul3A_301 = arith.mulf %sqrt3A_298, %mul3A_300 : vector<200x15xf32>
    %sub3A_302 = arith.constant 1.000000e+00 : f32
    %sub3A_303 = vector.broadcast %sub3A_302 : f32 to vector<200x15xf32>
    %sub3A_304 = arith.subf %sub3A_303, %mul3A_301 : vector<200x15xf32>
    %max3A_305 = arith.constant 0.000000e+00 : f32
    %max3A_306 = vector.broadcast %max3A_305 : f32 to vector<200x15xf32>
    %max3A_307 = arith.maximumf %sub3A_304, %max3A_306 : vector<200x15xf32>
    %dot_general3A_308 = arith.constant dense<0.000000e+00> : vector<200x480xf32>
    %dot_general3A_309 = tpu.matmul %max3A_307, %get3A_57, %dot_general3A_308 {dimension_numbers = #tpu.dot_dimension_numbers<[1], [0], [0], [1], [0, 0, 1, 1], [], []>, transpose_lhs_hint = false} : vector<200x15xf32>, vector<15x480xf32>, vector<200x480xf32> -> vector<200x480xf32>
    %dot_general3A_310 = arith.constant dense<0.000000e+00> : vector<200x480xf32>
    %dot_general3A_311 = tpu.matmul %slice3A_275, %get3A_60, %dot_general3A_310 {dimension_numbers = #tpu.dot_dimension_numbers<[1], [0], [0], [1], [0, 0, 1, 1], [], []>, transpose_lhs_hint = false} : vector<200x32xf32>, vector<32x480xf32>, vector<200x480xf32> -> vector<200x480xf32>
    %mul3A_312 = arith.mulf %dot_general3A_309, %dot_general3A_311 : vector<200x480xf32>
    %add3A_313 = arith.addf %add3A_270, %mul3A_312 : vector<200x480xf32>
    %slice3A_314 = vector.extract_strided_slice %squeeze3A_274 {offsets = [0, 35], sizes = [200, 1], strides = [1, 1]} : vector<200x48xf32> to vector<200x1xf32>
    %add3A_315 = arith.addf %add3A_272, %slice3A_314 : vector<200x1xf32>
    %slice3A_316 = vector.extract_strided_slice %get3A_48 {offsets = [6, 0, 0], sizes = [1, 200, 48], strides = [1, 1, 1]} : vector<32x200x48xf32> to vector<1x200x48xf32>
    %squeeze3A_317 = vector.shape_cast %slice3A_316 : vector<1x200x48xf32> to vector<200x48xf32>
    %slice3A_318 = vector.extract_strided_slice %squeeze3A_317 {offsets = [0, 0], sizes = [200, 32], strides = [1, 1]} : vector<200x48xf32> to vector<200x32xf32>
    %slice3A_319 = vector.extract_strided_slice %squeeze3A_317 {offsets = [0, 32], sizes = [200, 3], strides = [1, 1]} : vector<200x48xf32> to vector<200x3xf32>
    %sub3A_320 = arith.subf %slice3A_319, %get3A_51 : vector<200x3xf32>
    %slice3A_321 = vector.extract_strided_slice %sub3A_320 {offsets = [0, 0], sizes = [200, 1], strides = [1, 1]} : vector<200x3xf32> to vector<200x1xf32>
    %slice3A_322 = vector.extract_strided_slice %get3A_54 {offsets = [0, 0], sizes = [1, 15], strides = [1, 1]} : vector<3x15xf32> to vector<1x15xf32>
    %sub3A_323 = vector.broadcast %slice3A_321 : vector<200x1xf32> to vector<200x15xf32>
    %sub3A_324 = vector.broadcast %slice3A_322 : vector<1x15xf32> to vector<200x15xf32>
    %sub3A_325 = arith.subf %sub3A_323, %sub3A_324 : vector<200x15xf32>
    %slice3A_326 = vector.extract_strided_slice %sub3A_320 {offsets = [0, 1], sizes = [200, 1], strides = [1, 1]} : vector<200x3xf32> to vector<200x1xf32>
    %slice3A_327 = vector.extract_strided_slice %get3A_54 {offsets = [1, 0], sizes = [1, 15], strides = [1, 1]} : vector<3x15xf32> to vector<1x15xf32>
    %sub3A_328 = vector.broadcast %slice3A_326 : vector<200x1xf32> to vector<200x15xf32>
    %sub3A_329 = vector.broadcast %slice3A_327 : vector<1x15xf32> to vector<200x15xf32>
    %sub3A_330 = arith.subf %sub3A_328, %sub3A_329 : vector<200x15xf32>
    %slice3A_331 = vector.extract_strided_slice %sub3A_320 {offsets = [0, 2], sizes = [200, 1], strides = [1, 1]} : vector<200x3xf32> to vector<200x1xf32>
    %slice3A_332 = vector.extract_strided_slice %get3A_54 {offsets = [2, 0], sizes = [1, 15], strides = [1, 1]} : vector<3x15xf32> to vector<1x15xf32>
    %sub3A_333 = vector.broadcast %slice3A_331 : vector<200x1xf32> to vector<200x15xf32>
    %sub3A_334 = vector.broadcast %slice3A_332 : vector<1x15xf32> to vector<200x15xf32>
    %sub3A_335 = arith.subf %sub3A_333, %sub3A_334 : vector<200x15xf32>
    %mul3A_336 = arith.mulf %sub3A_325, %sub3A_325 : vector<200x15xf32>
    %mul3A_337 = arith.mulf %sub3A_330, %sub3A_330 : vector<200x15xf32>
    %add3A_338 = arith.addf %mul3A_336, %mul3A_337 : vector<200x15xf32>
    %mul3A_339 = arith.mulf %sub3A_335, %sub3A_335 : vector<200x15xf32>
    %add3A_340 = arith.addf %add3A_338, %mul3A_339 : vector<200x15xf32>
    %sqrt3A_341 = math.sqrt %add3A_340 : vector<200x15xf32>
    %mul3A_342 = arith.constant 5.000000e-01 : f32
    %mul3A_343 = vector.broadcast %mul3A_342 : f32 to vector<200x15xf32>
    %mul3A_344 = arith.mulf %sqrt3A_341, %mul3A_343 : vector<200x15xf32>
    %sub3A_345 = arith.constant 1.000000e+00 : f32
    %sub3A_346 = vector.broadcast %sub3A_345 : f32 to vector<200x15xf32>
    %sub3A_347 = arith.subf %sub3A_346, %mul3A_344 : vector<200x15xf32>
    %max3A_348 = arith.constant 0.000000e+00 : f32
    %max3A_349 = vector.broadcast %max3A_348 : f32 to vector<200x15xf32>
    %max3A_350 = arith.maximumf %sub3A_347, %max3A_349 : vector<200x15xf32>
    %dot_general3A_351 = arith.constant dense<0.000000e+00> : vector<200x480xf32>
    %dot_general3A_352 = tpu.matmul %max3A_350, %get3A_57, %dot_general3A_351 {dimension_numbers = #tpu.dot_dimension_numbers<[1], [0], [0], [1], [0, 0, 1, 1], [], []>, transpose_lhs_hint = false} : vector<200x15xf32>, vector<15x480xf32>, vector<200x480xf32> -> vector<200x480xf32>
    %dot_general3A_353 = arith.constant dense<0.000000e+00> : vector<200x480xf32>
    %dot_general3A_354 = tpu.matmul %slice3A_318, %get3A_60, %dot_general3A_353 {dimension_numbers = #tpu.dot_dimension_numbers<[1], [0], [0], [1], [0, 0, 1, 1], [], []>, transpose_lhs_hint = false} : vector<200x32xf32>, vector<32x480xf32>, vector<200x480xf32> -> vector<200x480xf32>
    %mul3A_355 = arith.mulf %dot_general3A_352, %dot_general3A_354 : vector<200x480xf32>
    %add3A_356 = arith.addf %add3A_313, %mul3A_355 : vector<200x480xf32>
    %slice3A_357 = vector.extract_strided_slice %squeeze3A_317 {offsets = [0, 35], sizes = [200, 1], strides = [1, 1]} : vector<200x48xf32> to vector<200x1xf32>
    %add3A_358 = arith.addf %add3A_315, %slice3A_357 : vector<200x1xf32>
    %slice3A_359 = vector.extract_strided_slice %get3A_48 {offsets = [7, 0, 0], sizes = [1, 200, 48], strides = [1, 1, 1]} : vector<32x200x48xf32> to vector<1x200x48xf32>
    %squeeze3A_360 = vector.shape_cast %slice3A_359 : vector<1x200x48xf32> to vector<200x48xf32>
    %slice3A_361 = vector.extract_strided_slice %squeeze3A_360 {offsets = [0, 0], sizes = [200, 32], strides = [1, 1]} : vector<200x48xf32> to vector<200x32xf32>
    %slice3A_362 = vector.extract_strided_slice %squeeze3A_360 {offsets = [0, 32], sizes = [200, 3], strides = [1, 1]} : vector<200x48xf32> to vector<200x3xf32>
    %sub3A_363 = arith.subf %slice3A_362, %get3A_51 : vector<200x3xf32>
    %slice3A_364 = vector.extract_strided_slice %sub3A_363 {offsets = [0, 0], sizes = [200, 1], strides = [1, 1]} : vector<200x3xf32> to vector<200x1xf32>
    %slice3A_365 = vector.extract_strided_slice %get3A_54 {offsets = [0, 0], sizes = [1, 15], strides = [1, 1]} : vector<3x15xf32> to vector<1x15xf32>
    %sub3A_366 = vector.broadcast %slice3A_364 : vector<200x1xf32> to vector<200x15xf32>
    %sub3A_367 = vector.broadcast %slice3A_365 : vector<1x15xf32> to vector<200x15xf32>
    %sub3A_368 = arith.subf %sub3A_366, %sub3A_367 : vector<200x15xf32>
    %slice3A_369 = vector.extract_strided_slice %sub3A_363 {offsets = [0, 1], sizes = [200, 1], strides = [1, 1]} : vector<200x3xf32> to vector<200x1xf32>
    %slice3A_370 = vector.extract_strided_slice %get3A_54 {offsets = [1, 0], sizes = [1, 15], strides = [1, 1]} : vector<3x15xf32> to vector<1x15xf32>
    %sub3A_371 = vector.broadcast %slice3A_369 : vector<200x1xf32> to vector<200x15xf32>
    %sub3A_372 = vector.broadcast %slice3A_370 : vector<1x15xf32> to vector<200x15xf32>
    %sub3A_373 = arith.subf %sub3A_371, %sub3A_372 : vector<200x15xf32>
    %slice3A_374 = vector.extract_strided_slice %sub3A_363 {offsets = [0, 2], sizes = [200, 1], strides = [1, 1]} : vector<200x3xf32> to vector<200x1xf32>
    %slice3A_375 = vector.extract_strided_slice %get3A_54 {offsets = [2, 0], sizes = [1, 15], strides = [1, 1]} : vector<3x15xf32> to vector<1x15xf32>
    %sub3A_376 = vector.broadcast %slice3A_374 : vector<200x1xf32> to vector<200x15xf32>
    %sub3A_377 = vector.broadcast %slice3A_375 : vector<1x15xf32> to vector<200x15xf32>
    %sub3A_378 = arith.subf %sub3A_376, %sub3A_377 : vector<200x15xf32>
    %mul3A_379 = arith.mulf %sub3A_368, %sub3A_368 : vector<200x15xf32>
    %mul3A_380 = arith.mulf %sub3A_373, %sub3A_373 : vector<200x15xf32>
    %add3A_381 = arith.addf %mul3A_379, %mul3A_380 : vector<200x15xf32>
    %mul3A_382 = arith.mulf %sub3A_378, %sub3A_378 : vector<200x15xf32>
    %add3A_383 = arith.addf %add3A_381, %mul3A_382 : vector<200x15xf32>
    %sqrt3A_384 = math.sqrt %add3A_383 : vector<200x15xf32>
    %mul3A_385 = arith.constant 5.000000e-01 : f32
    %mul3A_386 = vector.broadcast %mul3A_385 : f32 to vector<200x15xf32>
    %mul3A_387 = arith.mulf %sqrt3A_384, %mul3A_386 : vector<200x15xf32>
    %sub3A_388 = arith.constant 1.000000e+00 : f32
    %sub3A_389 = vector.broadcast %sub3A_388 : f32 to vector<200x15xf32>
    %sub3A_390 = arith.subf %sub3A_389, %mul3A_387 : vector<200x15xf32>
    %max3A_391 = arith.constant 0.000000e+00 : f32
    %max3A_392 = vector.broadcast %max3A_391 : f32 to vector<200x15xf32>
    %max3A_393 = arith.maximumf %sub3A_390, %max3A_392 : vector<200x15xf32>
    %dot_general3A_394 = arith.constant dense<0.000000e+00> : vector<200x480xf32>
    %dot_general3A_395 = tpu.matmul %max3A_393, %get3A_57, %dot_general3A_394 {dimension_numbers = #tpu.dot_dimension_numbers<[1], [0], [0], [1], [0, 0, 1, 1], [], []>, transpose_lhs_hint = false} : vector<200x15xf32>, vector<15x480xf32>, vector<200x480xf32> -> vector<200x480xf32>
    %dot_general3A_396 = arith.constant dense<0.000000e+00> : vector<200x480xf32>
    %dot_general3A_397 = tpu.matmul %slice3A_361, %get3A_60, %dot_general3A_396 {dimension_numbers = #tpu.dot_dimension_numbers<[1], [0], [0], [1], [0, 0, 1, 1], [], []>, transpose_lhs_hint = false} : vector<200x32xf32>, vector<32x480xf32>, vector<200x480xf32> -> vector<200x480xf32>
    %mul3A_398 = arith.mulf %dot_general3A_395, %dot_general3A_397 : vector<200x480xf32>
    %add3A_399 = arith.addf %add3A_356, %mul3A_398 : vector<200x480xf32>
    %slice3A_400 = vector.extract_strided_slice %squeeze3A_360 {offsets = [0, 35], sizes = [200, 1], strides = [1, 1]} : vector<200x48xf32> to vector<200x1xf32>
    %add3A_401 = arith.addf %add3A_358, %slice3A_400 : vector<200x1xf32>
    %slice3A_402 = vector.extract_strided_slice %get3A_48 {offsets = [8, 0, 0], sizes = [1, 200, 48], strides = [1, 1, 1]} : vector<32x200x48xf32> to vector<1x200x48xf32>
    %squeeze3A_403 = vector.shape_cast %slice3A_402 : vector<1x200x48xf32> to vector<200x48xf32>
    %slice3A_404 = vector.extract_strided_slice %squeeze3A_403 {offsets = [0, 0], sizes = [200, 32], strides = [1, 1]} : vector<200x48xf32> to vector<200x32xf32>
    %slice3A_405 = vector.extract_strided_slice %squeeze3A_403 {offsets = [0, 32], sizes = [200, 3], strides = [1, 1]} : vector<200x48xf32> to vector<200x3xf32>
    %sub3A_406 = arith.subf %slice3A_405, %get3A_51 : vector<200x3xf32>
    %slice3A_407 = vector.extract_strided_slice %sub3A_406 {offsets = [0, 0], sizes = [200, 1], strides = [1, 1]} : vector<200x3xf32> to vector<200x1xf32>
    %slice3A_408 = vector.extract_strided_slice %get3A_54 {offsets = [0, 0], sizes = [1, 15], strides = [1, 1]} : vector<3x15xf32> to vector<1x15xf32>
    %sub3A_409 = vector.broadcast %slice3A_407 : vector<200x1xf32> to vector<200x15xf32>
    %sub3A_410 = vector.broadcast %slice3A_408 : vector<1x15xf32> to vector<200x15xf32>
    %sub3A_411 = arith.subf %sub3A_409, %sub3A_410 : vector<200x15xf32>
    %slice3A_412 = vector.extract_strided_slice %sub3A_406 {offsets = [0, 1], sizes = [200, 1], strides = [1, 1]} : vector<200x3xf32> to vector<200x1xf32>
    %slice3A_413 = vector.extract_strided_slice %get3A_54 {offsets = [1, 0], sizes = [1, 15], strides = [1, 1]} : vector<3x15xf32> to vector<1x15xf32>
    %sub3A_414 = vector.broadcast %slice3A_412 : vector<200x1xf32> to vector<200x15xf32>
    %sub3A_415 = vector.broadcast %slice3A_413 : vector<1x15xf32> to vector<200x15xf32>
    %sub3A_416 = arith.subf %sub3A_414, %sub3A_415 : vector<200x15xf32>
    %slice3A_417 = vector.extract_strided_slice %sub3A_406 {offsets = [0, 2], sizes = [200, 1], strides = [1, 1]} : vector<200x3xf32> to vector<200x1xf32>
    %slice3A_418 = vector.extract_strided_slice %get3A_54 {offsets = [2, 0], sizes = [1, 15], strides = [1, 1]} : vector<3x15xf32> to vector<1x15xf32>
    %sub3A_419 = vector.broadcast %slice3A_417 : vector<200x1xf32> to vector<200x15xf32>
    %sub3A_420 = vector.broadcast %slice3A_418 : vector<1x15xf32> to vector<200x15xf32>
    %sub3A_421 = arith.subf %sub3A_419, %sub3A_420 : vector<200x15xf32>
    %mul3A_422 = arith.mulf %sub3A_411, %sub3A_411 : vector<200x15xf32>
    %mul3A_423 = arith.mulf %sub3A_416, %sub3A_416 : vector<200x15xf32>
    %add3A_424 = arith.addf %mul3A_422, %mul3A_423 : vector<200x15xf32>
    %mul3A_425 = arith.mulf %sub3A_421, %sub3A_421 : vector<200x15xf32>
    %add3A_426 = arith.addf %add3A_424, %mul3A_425 : vector<200x15xf32>
    %sqrt3A_427 = math.sqrt %add3A_426 : vector<200x15xf32>
    %mul3A_428 = arith.constant 5.000000e-01 : f32
    %mul3A_429 = vector.broadcast %mul3A_428 : f32 to vector<200x15xf32>
    %mul3A_430 = arith.mulf %sqrt3A_427, %mul3A_429 : vector<200x15xf32>
    %sub3A_431 = arith.constant 1.000000e+00 : f32
    %sub3A_432 = vector.broadcast %sub3A_431 : f32 to vector<200x15xf32>
    %sub3A_433 = arith.subf %sub3A_432, %mul3A_430 : vector<200x15xf32>
    %max3A_434 = arith.constant 0.000000e+00 : f32
    %max3A_435 = vector.broadcast %max3A_434 : f32 to vector<200x15xf32>
    %max3A_436 = arith.maximumf %sub3A_433, %max3A_435 : vector<200x15xf32>
    %dot_general3A_437 = arith.constant dense<0.000000e+00> : vector<200x480xf32>
    %dot_general3A_438 = tpu.matmul %max3A_436, %get3A_57, %dot_general3A_437 {dimension_numbers = #tpu.dot_dimension_numbers<[1], [0], [0], [1], [0, 0, 1, 1], [], []>, transpose_lhs_hint = false} : vector<200x15xf32>, vector<15x480xf32>, vector<200x480xf32> -> vector<200x480xf32>
    %dot_general3A_439 = arith.constant dense<0.000000e+00> : vector<200x480xf32>
    %dot_general3A_440 = tpu.matmul %slice3A_404, %get3A_60, %dot_general3A_439 {dimension_numbers = #tpu.dot_dimension_numbers<[1], [0], [0], [1], [0, 0, 1, 1], [], []>, transpose_lhs_hint = false} : vector<200x32xf32>, vector<32x480xf32>, vector<200x480xf32> -> vector<200x480xf32>
    %mul3A_441 = arith.mulf %dot_general3A_438, %dot_general3A_440 : vector<200x480xf32>
    %add3A_442 = arith.addf %add3A_399, %mul3A_441 : vector<200x480xf32>
    %slice3A_443 = vector.extract_strided_slice %squeeze3A_403 {offsets = [0, 35], sizes = [200, 1], strides = [1, 1]} : vector<200x48xf32> to vector<200x1xf32>
    %add3A_444 = arith.addf %add3A_401, %slice3A_443 : vector<200x1xf32>
    %slice3A_445 = vector.extract_strided_slice %get3A_48 {offsets = [9, 0, 0], sizes = [1, 200, 48], strides = [1, 1, 1]} : vector<32x200x48xf32> to vector<1x200x48xf32>
    %squeeze3A_446 = vector.shape_cast %slice3A_445 : vector<1x200x48xf32> to vector<200x48xf32>
    %slice3A_447 = vector.extract_strided_slice %squeeze3A_446 {offsets = [0, 0], sizes = [200, 32], strides = [1, 1]} : vector<200x48xf32> to vector<200x32xf32>
    %slice3A_448 = vector.extract_strided_slice %squeeze3A_446 {offsets = [0, 32], sizes = [200, 3], strides = [1, 1]} : vector<200x48xf32> to vector<200x3xf32>
    %sub3A_449 = arith.subf %slice3A_448, %get3A_51 : vector<200x3xf32>
    %slice3A_450 = vector.extract_strided_slice %sub3A_449 {offsets = [0, 0], sizes = [200, 1], strides = [1, 1]} : vector<200x3xf32> to vector<200x1xf32>
    %slice3A_451 = vector.extract_strided_slice %get3A_54 {offsets = [0, 0], sizes = [1, 15], strides = [1, 1]} : vector<3x15xf32> to vector<1x15xf32>
    %sub3A_452 = vector.broadcast %slice3A_450 : vector<200x1xf32> to vector<200x15xf32>
    %sub3A_453 = vector.broadcast %slice3A_451 : vector<1x15xf32> to vector<200x15xf32>
    %sub3A_454 = arith.subf %sub3A_452, %sub3A_453 : vector<200x15xf32>
    %slice3A_455 = vector.extract_strided_slice %sub3A_449 {offsets = [0, 1], sizes = [200, 1], strides = [1, 1]} : vector<200x3xf32> to vector<200x1xf32>
    %slice3A_456 = vector.extract_strided_slice %get3A_54 {offsets = [1, 0], sizes = [1, 15], strides = [1, 1]} : vector<3x15xf32> to vector<1x15xf32>
    %sub3A_457 = vector.broadcast %slice3A_455 : vector<200x1xf32> to vector<200x15xf32>
    %sub3A_458 = vector.broadcast %slice3A_456 : vector<1x15xf32> to vector<200x15xf32>
    %sub3A_459 = arith.subf %sub3A_457, %sub3A_458 : vector<200x15xf32>
    %slice3A_460 = vector.extract_strided_slice %sub3A_449 {offsets = [0, 2], sizes = [200, 1], strides = [1, 1]} : vector<200x3xf32> to vector<200x1xf32>
    %slice3A_461 = vector.extract_strided_slice %get3A_54 {offsets = [2, 0], sizes = [1, 15], strides = [1, 1]} : vector<3x15xf32> to vector<1x15xf32>
    %sub3A_462 = vector.broadcast %slice3A_460 : vector<200x1xf32> to vector<200x15xf32>
    %sub3A_463 = vector.broadcast %slice3A_461 : vector<1x15xf32> to vector<200x15xf32>
    %sub3A_464 = arith.subf %sub3A_462, %sub3A_463 : vector<200x15xf32>
    %mul3A_465 = arith.mulf %sub3A_454, %sub3A_454 : vector<200x15xf32>
    %mul3A_466 = arith.mulf %sub3A_459, %sub3A_459 : vector<200x15xf32>
    %add3A_467 = arith.addf %mul3A_465, %mul3A_466 : vector<200x15xf32>
    %mul3A_468 = arith.mulf %sub3A_464, %sub3A_464 : vector<200x15xf32>
    %add3A_469 = arith.addf %add3A_467, %mul3A_468 : vector<200x15xf32>
    %sqrt3A_470 = math.sqrt %add3A_469 : vector<200x15xf32>
    %mul3A_471 = arith.constant 5.000000e-01 : f32
    %mul3A_472 = vector.broadcast %mul3A_471 : f32 to vector<200x15xf32>
    %mul3A_473 = arith.mulf %sqrt3A_470, %mul3A_472 : vector<200x15xf32>
    %sub3A_474 = arith.constant 1.000000e+00 : f32
    %sub3A_475 = vector.broadcast %sub3A_474 : f32 to vector<200x15xf32>
    %sub3A_476 = arith.subf %sub3A_475, %mul3A_473 : vector<200x15xf32>
    %max3A_477 = arith.constant 0.000000e+00 : f32
    %max3A_478 = vector.broadcast %max3A_477 : f32 to vector<200x15xf32>
    %max3A_479 = arith.maximumf %sub3A_476, %max3A_478 : vector<200x15xf32>
    %dot_general3A_480 = arith.constant dense<0.000000e+00> : vector<200x480xf32>
    %dot_general3A_481 = tpu.matmul %max3A_479, %get3A_57, %dot_general3A_480 {dimension_numbers = #tpu.dot_dimension_numbers<[1], [0], [0], [1], [0, 0, 1, 1], [], []>, transpose_lhs_hint = false} : vector<200x15xf32>, vector<15x480xf32>, vector<200x480xf32> -> vector<200x480xf32>
    %dot_general3A_482 = arith.constant dense<0.000000e+00> : vector<200x480xf32>
    %dot_general3A_483 = tpu.matmul %slice3A_447, %get3A_60, %dot_general3A_482 {dimension_numbers = #tpu.dot_dimension_numbers<[1], [0], [0], [1], [0, 0, 1, 1], [], []>, transpose_lhs_hint = false} : vector<200x32xf32>, vector<32x480xf32>, vector<200x480xf32> -> vector<200x480xf32>
    %mul3A_484 = arith.mulf %dot_general3A_481, %dot_general3A_483 : vector<200x480xf32>
    %add3A_485 = arith.addf %add3A_442, %mul3A_484 : vector<200x480xf32>
    %slice3A_486 = vector.extract_strided_slice %squeeze3A_446 {offsets = [0, 35], sizes = [200, 1], strides = [1, 1]} : vector<200x48xf32> to vector<200x1xf32>
    %add3A_487 = arith.addf %add3A_444, %slice3A_486 : vector<200x1xf32>
    %slice3A_488 = vector.extract_strided_slice %get3A_48 {offsets = [10, 0, 0], sizes = [1, 200, 48], strides = [1, 1, 1]} : vector<32x200x48xf32> to vector<1x200x48xf32>
    %squeeze3A_489 = vector.shape_cast %slice3A_488 : vector<1x200x48xf32> to vector<200x48xf32>
    %slice3A_490 = vector.extract_strided_slice %squeeze3A_489 {offsets = [0, 0], sizes = [200, 32], strides = [1, 1]} : vector<200x48xf32> to vector<200x32xf32>
    %slice3A_491 = vector.extract_strided_slice %squeeze3A_489 {offsets = [0, 32], sizes = [200, 3], strides = [1, 1]} : vector<200x48xf32> to vector<200x3xf32>
    %sub3A_492 = arith.subf %slice3A_491, %get3A_51 : vector<200x3xf32>
    %slice3A_493 = vector.extract_strided_slice %sub3A_492 {offsets = [0, 0], sizes = [200, 1], strides = [1, 1]} : vector<200x3xf32> to vector<200x1xf32>
    %slice3A_494 = vector.extract_strided_slice %get3A_54 {offsets = [0, 0], sizes = [1, 15], strides = [1, 1]} : vector<3x15xf32> to vector<1x15xf32>
    %sub3A_495 = vector.broadcast %slice3A_493 : vector<200x1xf32> to vector<200x15xf32>
    %sub3A_496 = vector.broadcast %slice3A_494 : vector<1x15xf32> to vector<200x15xf32>
    %sub3A_497 = arith.subf %sub3A_495, %sub3A_496 : vector<200x15xf32>
    %slice3A_498 = vector.extract_strided_slice %sub3A_492 {offsets = [0, 1], sizes = [200, 1], strides = [1, 1]} : vector<200x3xf32> to vector<200x1xf32>
    %slice3A_499 = vector.extract_strided_slice %get3A_54 {offsets = [1, 0], sizes = [1, 15], strides = [1, 1]} : vector<3x15xf32> to vector<1x15xf32>
    %sub3A_500 = vector.broadcast %slice3A_498 : vector<200x1xf32> to vector<200x15xf32>
    %sub3A_501 = vector.broadcast %slice3A_499 : vector<1x15xf32> to vector<200x15xf32>
    %sub3A_502 = arith.subf %sub3A_500, %sub3A_501 : vector<200x15xf32>
    %slice3A_503 = vector.extract_strided_slice %sub3A_492 {offsets = [0, 2], sizes = [200, 1], strides = [1, 1]} : vector<200x3xf32> to vector<200x1xf32>
    %slice3A_504 = vector.extract_strided_slice %get3A_54 {offsets = [2, 0], sizes = [1, 15], strides = [1, 1]} : vector<3x15xf32> to vector<1x15xf32>
    %sub3A_505 = vector.broadcast %slice3A_503 : vector<200x1xf32> to vector<200x15xf32>
    %sub3A_506 = vector.broadcast %slice3A_504 : vector<1x15xf32> to vector<200x15xf32>
    %sub3A_507 = arith.subf %sub3A_505, %sub3A_506 : vector<200x15xf32>
    %mul3A_508 = arith.mulf %sub3A_497, %sub3A_497 : vector<200x15xf32>
    %mul3A_509 = arith.mulf %sub3A_502, %sub3A_502 : vector<200x15xf32>
    %add3A_510 = arith.addf %mul3A_508, %mul3A_509 : vector<200x15xf32>
    %mul3A_511 = arith.mulf %sub3A_507, %sub3A_507 : vector<200x15xf32>
    %add3A_512 = arith.addf %add3A_510, %mul3A_511 : vector<200x15xf32>
    %sqrt3A_513 = math.sqrt %add3A_512 : vector<200x15xf32>
    %mul3A_514 = arith.constant 5.000000e-01 : f32
    %mul3A_515 = vector.broadcast %mul3A_514 : f32 to vector<200x15xf32>
    %mul3A_516 = arith.mulf %sqrt3A_513, %mul3A_515 : vector<200x15xf32>
    %sub3A_517 = arith.constant 1.000000e+00 : f32
    %sub3A_518 = vector.broadcast %sub3A_517 : f32 to vector<200x15xf32>
    %sub3A_519 = arith.subf %sub3A_518, %mul3A_516 : vector<200x15xf32>
    %max3A_520 = arith.constant 0.000000e+00 : f32
    %max3A_521 = vector.broadcast %max3A_520 : f32 to vector<200x15xf32>
    %max3A_522 = arith.maximumf %sub3A_519, %max3A_521 : vector<200x15xf32>
    %dot_general3A_523 = arith.constant dense<0.000000e+00> : vector<200x480xf32>
    %dot_general3A_524 = tpu.matmul %max3A_522, %get3A_57, %dot_general3A_523 {dimension_numbers = #tpu.dot_dimension_numbers<[1], [0], [0], [1], [0, 0, 1, 1], [], []>, transpose_lhs_hint = false} : vector<200x15xf32>, vector<15x480xf32>, vector<200x480xf32> -> vector<200x480xf32>
    %dot_general3A_525 = arith.constant dense<0.000000e+00> : vector<200x480xf32>
    %dot_general3A_526 = tpu.matmul %slice3A_490, %get3A_60, %dot_general3A_525 {dimension_numbers = #tpu.dot_dimension_numbers<[1], [0], [0], [1], [0, 0, 1, 1], [], []>, transpose_lhs_hint = false} : vector<200x32xf32>, vector<32x480xf32>, vector<200x480xf32> -> vector<200x480xf32>
    %mul3A_527 = arith.mulf %dot_general3A_524, %dot_general3A_526 : vector<200x480xf32>
    %add3A_528 = arith.addf %add3A_485, %mul3A_527 : vector<200x480xf32>
    %slice3A_529 = vector.extract_strided_slice %squeeze3A_489 {offsets = [0, 35], sizes = [200, 1], strides = [1, 1]} : vector<200x48xf32> to vector<200x1xf32>
    %add3A_530 = arith.addf %add3A_487, %slice3A_529 : vector<200x1xf32>
    %slice3A_531 = vector.extract_strided_slice %get3A_48 {offsets = [11, 0, 0], sizes = [1, 200, 48], strides = [1, 1, 1]} : vector<32x200x48xf32> to vector<1x200x48xf32>
    %squeeze3A_532 = vector.shape_cast %slice3A_531 : vector<1x200x48xf32> to vector<200x48xf32>
    %slice3A_533 = vector.extract_strided_slice %squeeze3A_532 {offsets = [0, 0], sizes = [200, 32], strides = [1, 1]} : vector<200x48xf32> to vector<200x32xf32>
    %slice3A_534 = vector.extract_strided_slice %squeeze3A_532 {offsets = [0, 32], sizes = [200, 3], strides = [1, 1]} : vector<200x48xf32> to vector<200x3xf32>
    %sub3A_535 = arith.subf %slice3A_534, %get3A_51 : vector<200x3xf32>
    %slice3A_536 = vector.extract_strided_slice %sub3A_535 {offsets = [0, 0], sizes = [200, 1], strides = [1, 1]} : vector<200x3xf32> to vector<200x1xf32>
    %slice3A_537 = vector.extract_strided_slice %get3A_54 {offsets = [0, 0], sizes = [1, 15], strides = [1, 1]} : vector<3x15xf32> to vector<1x15xf32>
    %sub3A_538 = vector.broadcast %slice3A_536 : vector<200x1xf32> to vector<200x15xf32>
    %sub3A_539 = vector.broadcast %slice3A_537 : vector<1x15xf32> to vector<200x15xf32>
    %sub3A_540 = arith.subf %sub3A_538, %sub3A_539 : vector<200x15xf32>
    %slice3A_541 = vector.extract_strided_slice %sub3A_535 {offsets = [0, 1], sizes = [200, 1], strides = [1, 1]} : vector<200x3xf32> to vector<200x1xf32>
    %slice3A_542 = vector.extract_strided_slice %get3A_54 {offsets = [1, 0], sizes = [1, 15], strides = [1, 1]} : vector<3x15xf32> to vector<1x15xf32>
    %sub3A_543 = vector.broadcast %slice3A_541 : vector<200x1xf32> to vector<200x15xf32>
    %sub3A_544 = vector.broadcast %slice3A_542 : vector<1x15xf32> to vector<200x15xf32>
    %sub3A_545 = arith.subf %sub3A_543, %sub3A_544 : vector<200x15xf32>
    %slice3A_546 = vector.extract_strided_slice %sub3A_535 {offsets = [0, 2], sizes = [200, 1], strides = [1, 1]} : vector<200x3xf32> to vector<200x1xf32>
    %slice3A_547 = vector.extract_strided_slice %get3A_54 {offsets = [2, 0], sizes = [1, 15], strides = [1, 1]} : vector<3x15xf32> to vector<1x15xf32>
    %sub3A_548 = vector.broadcast %slice3A_546 : vector<200x1xf32> to vector<200x15xf32>
    %sub3A_549 = vector.broadcast %slice3A_547 : vector<1x15xf32> to vector<200x15xf32>
    %sub3A_550 = arith.subf %sub3A_548, %sub3A_549 : vector<200x15xf32>
    %mul3A_551 = arith.mulf %sub3A_540, %sub3A_540 : vector<200x15xf32>
    %mul3A_552 = arith.mulf %sub3A_545, %sub3A_545 : vector<200x15xf32>
    %add3A_553 = arith.addf %mul3A_551, %mul3A_552 : vector<200x15xf32>
    %mul3A_554 = arith.mulf %sub3A_550, %sub3A_550 : vector<200x15xf32>
    %add3A_555 = arith.addf %add3A_553, %mul3A_554 : vector<200x15xf32>
    %sqrt3A_556 = math.sqrt %add3A_555 : vector<200x15xf32>
    %mul3A_557 = arith.constant 5.000000e-01 : f32
    %mul3A_558 = vector.broadcast %mul3A_557 : f32 to vector<200x15xf32>
    %mul3A_559 = arith.mulf %sqrt3A_556, %mul3A_558 : vector<200x15xf32>
    %sub3A_560 = arith.constant 1.000000e+00 : f32
    %sub3A_561 = vector.broadcast %sub3A_560 : f32 to vector<200x15xf32>
    %sub3A_562 = arith.subf %sub3A_561, %mul3A_559 : vector<200x15xf32>
    %max3A_563 = arith.constant 0.000000e+00 : f32
    %max3A_564 = vector.broadcast %max3A_563 : f32 to vector<200x15xf32>
    %max3A_565 = arith.maximumf %sub3A_562, %max3A_564 : vector<200x15xf32>
    %dot_general3A_566 = arith.constant dense<0.000000e+00> : vector<200x480xf32>
    %dot_general3A_567 = tpu.matmul %max3A_565, %get3A_57, %dot_general3A_566 {dimension_numbers = #tpu.dot_dimension_numbers<[1], [0], [0], [1], [0, 0, 1, 1], [], []>, transpose_lhs_hint = false} : vector<200x15xf32>, vector<15x480xf32>, vector<200x480xf32> -> vector<200x480xf32>
    %dot_general3A_568 = arith.constant dense<0.000000e+00> : vector<200x480xf32>
    %dot_general3A_569 = tpu.matmul %slice3A_533, %get3A_60, %dot_general3A_568 {dimension_numbers = #tpu.dot_dimension_numbers<[1], [0], [0], [1], [0, 0, 1, 1], [], []>, transpose_lhs_hint = false} : vector<200x32xf32>, vector<32x480xf32>, vector<200x480xf32> -> vector<200x480xf32>
    %mul3A_570 = arith.mulf %dot_general3A_567, %dot_general3A_569 : vector<200x480xf32>
    %add3A_571 = arith.addf %add3A_528, %mul3A_570 : vector<200x480xf32>
    %slice3A_572 = vector.extract_strided_slice %squeeze3A_532 {offsets = [0, 35], sizes = [200, 1], strides = [1, 1]} : vector<200x48xf32> to vector<200x1xf32>
    %add3A_573 = arith.addf %add3A_530, %slice3A_572 : vector<200x1xf32>
    %slice3A_574 = vector.extract_strided_slice %get3A_48 {offsets = [12, 0, 0], sizes = [1, 200, 48], strides = [1, 1, 1]} : vector<32x200x48xf32> to vector<1x200x48xf32>
    %squeeze3A_575 = vector.shape_cast %slice3A_574 : vector<1x200x48xf32> to vector<200x48xf32>
    %slice3A_576 = vector.extract_strided_slice %squeeze3A_575 {offsets = [0, 0], sizes = [200, 32], strides = [1, 1]} : vector<200x48xf32> to vector<200x32xf32>
    %slice3A_577 = vector.extract_strided_slice %squeeze3A_575 {offsets = [0, 32], sizes = [200, 3], strides = [1, 1]} : vector<200x48xf32> to vector<200x3xf32>
    %sub3A_578 = arith.subf %slice3A_577, %get3A_51 : vector<200x3xf32>
    %slice3A_579 = vector.extract_strided_slice %sub3A_578 {offsets = [0, 0], sizes = [200, 1], strides = [1, 1]} : vector<200x3xf32> to vector<200x1xf32>
    %slice3A_580 = vector.extract_strided_slice %get3A_54 {offsets = [0, 0], sizes = [1, 15], strides = [1, 1]} : vector<3x15xf32> to vector<1x15xf32>
    %sub3A_581 = vector.broadcast %slice3A_579 : vector<200x1xf32> to vector<200x15xf32>
    %sub3A_582 = vector.broadcast %slice3A_580 : vector<1x15xf32> to vector<200x15xf32>
    %sub3A_583 = arith.subf %sub3A_581, %sub3A_582 : vector<200x15xf32>
    %slice3A_584 = vector.extract_strided_slice %sub3A_578 {offsets = [0, 1], sizes = [200, 1], strides = [1, 1]} : vector<200x3xf32> to vector<200x1xf32>
    %slice3A_585 = vector.extract_strided_slice %get3A_54 {offsets = [1, 0], sizes = [1, 15], strides = [1, 1]} : vector<3x15xf32> to vector<1x15xf32>
    %sub3A_586 = vector.broadcast %slice3A_584 : vector<200x1xf32> to vector<200x15xf32>
    %sub3A_587 = vector.broadcast %slice3A_585 : vector<1x15xf32> to vector<200x15xf32>
    %sub3A_588 = arith.subf %sub3A_586, %sub3A_587 : vector<200x15xf32>
    %slice3A_589 = vector.extract_strided_slice %sub3A_578 {offsets = [0, 2], sizes = [200, 1], strides = [1, 1]} : vector<200x3xf32> to vector<200x1xf32>
    %slice3A_590 = vector.extract_strided_slice %get3A_54 {offsets = [2, 0], sizes = [1, 15], strides = [1, 1]} : vector<3x15xf32> to vector<1x15xf32>
    %sub3A_591 = vector.broadcast %slice3A_589 : vector<200x1xf32> to vector<200x15xf32>
    %sub3A_592 = vector.broadcast %slice3A_590 : vector<1x15xf32> to vector<200x15xf32>
    %sub3A_593 = arith.subf %sub3A_591, %sub3A_592 : vector<200x15xf32>
    %mul3A_594 = arith.mulf %sub3A_583, %sub3A_583 : vector<200x15xf32>
    %mul3A_595 = arith.mulf %sub3A_588, %sub3A_588 : vector<200x15xf32>
    %add3A_596 = arith.addf %mul3A_594, %mul3A_595 : vector<200x15xf32>
    %mul3A_597 = arith.mulf %sub3A_593, %sub3A_593 : vector<200x15xf32>
    %add3A_598 = arith.addf %add3A_596, %mul3A_597 : vector<200x15xf32>
    %sqrt3A_599 = math.sqrt %add3A_598 : vector<200x15xf32>
    %mul3A_600 = arith.constant 5.000000e-01 : f32
    %mul3A_601 = vector.broadcast %mul3A_600 : f32 to vector<200x15xf32>
    %mul3A_602 = arith.mulf %sqrt3A_599, %mul3A_601 : vector<200x15xf32>
    %sub3A_603 = arith.constant 1.000000e+00 : f32
    %sub3A_604 = vector.broadcast %sub3A_603 : f32 to vector<200x15xf32>
    %sub3A_605 = arith.subf %sub3A_604, %mul3A_602 : vector<200x15xf32>
    %max3A_606 = arith.constant 0.000000e+00 : f32
    %max3A_607 = vector.broadcast %max3A_606 : f32 to vector<200x15xf32>
    %max3A_608 = arith.maximumf %sub3A_605, %max3A_607 : vector<200x15xf32>
    %dot_general3A_609 = arith.constant dense<0.000000e+00> : vector<200x480xf32>
    %dot_general3A_610 = tpu.matmul %max3A_608, %get3A_57, %dot_general3A_609 {dimension_numbers = #tpu.dot_dimension_numbers<[1], [0], [0], [1], [0, 0, 1, 1], [], []>, transpose_lhs_hint = false} : vector<200x15xf32>, vector<15x480xf32>, vector<200x480xf32> -> vector<200x480xf32>
    %dot_general3A_611 = arith.constant dense<0.000000e+00> : vector<200x480xf32>
    %dot_general3A_612 = tpu.matmul %slice3A_576, %get3A_60, %dot_general3A_611 {dimension_numbers = #tpu.dot_dimension_numbers<[1], [0], [0], [1], [0, 0, 1, 1], [], []>, transpose_lhs_hint = false} : vector<200x32xf32>, vector<32x480xf32>, vector<200x480xf32> -> vector<200x480xf32>
    %mul3A_613 = arith.mulf %dot_general3A_610, %dot_general3A_612 : vector<200x480xf32>
    %add3A_614 = arith.addf %add3A_571, %mul3A_613 : vector<200x480xf32>
    %slice3A_615 = vector.extract_strided_slice %squeeze3A_575 {offsets = [0, 35], sizes = [200, 1], strides = [1, 1]} : vector<200x48xf32> to vector<200x1xf32>
    %add3A_616 = arith.addf %add3A_573, %slice3A_615 : vector<200x1xf32>
    %slice3A_617 = vector.extract_strided_slice %get3A_48 {offsets = [13, 0, 0], sizes = [1, 200, 48], strides = [1, 1, 1]} : vector<32x200x48xf32> to vector<1x200x48xf32>
    %squeeze3A_618 = vector.shape_cast %slice3A_617 : vector<1x200x48xf32> to vector<200x48xf32>
    %slice3A_619 = vector.extract_strided_slice %squeeze3A_618 {offsets = [0, 0], sizes = [200, 32], strides = [1, 1]} : vector<200x48xf32> to vector<200x32xf32>
    %slice3A_620 = vector.extract_strided_slice %squeeze3A_618 {offsets = [0, 32], sizes = [200, 3], strides = [1, 1]} : vector<200x48xf32> to vector<200x3xf32>
    %sub3A_621 = arith.subf %slice3A_620, %get3A_51 : vector<200x3xf32>
    %slice3A_622 = vector.extract_strided_slice %sub3A_621 {offsets = [0, 0], sizes = [200, 1], strides = [1, 1]} : vector<200x3xf32> to vector<200x1xf32>
    %slice3A_623 = vector.extract_strided_slice %get3A_54 {offsets = [0, 0], sizes = [1, 15], strides = [1, 1]} : vector<3x15xf32> to vector<1x15xf32>
    %sub3A_624 = vector.broadcast %slice3A_622 : vector<200x1xf32> to vector<200x15xf32>
    %sub3A_625 = vector.broadcast %slice3A_623 : vector<1x15xf32> to vector<200x15xf32>
    %sub3A_626 = arith.subf %sub3A_624, %sub3A_625 : vector<200x15xf32>
    %slice3A_627 = vector.extract_strided_slice %sub3A_621 {offsets = [0, 1], sizes = [200, 1], strides = [1, 1]} : vector<200x3xf32> to vector<200x1xf32>
    %slice3A_628 = vector.extract_strided_slice %get3A_54 {offsets = [1, 0], sizes = [1, 15], strides = [1, 1]} : vector<3x15xf32> to vector<1x15xf32>
    %sub3A_629 = vector.broadcast %slice3A_627 : vector<200x1xf32> to vector<200x15xf32>
    %sub3A_630 = vector.broadcast %slice3A_628 : vector<1x15xf32> to vector<200x15xf32>
    %sub3A_631 = arith.subf %sub3A_629, %sub3A_630 : vector<200x15xf32>
    %slice3A_632 = vector.extract_strided_slice %sub3A_621 {offsets = [0, 2], sizes = [200, 1], strides = [1, 1]} : vector<200x3xf32> to vector<200x1xf32>
    %slice3A_633 = vector.extract_strided_slice %get3A_54 {offsets = [2, 0], sizes = [1, 15], strides = [1, 1]} : vector<3x15xf32> to vector<1x15xf32>
    %sub3A_634 = vector.broadcast %slice3A_632 : vector<200x1xf32> to vector<200x15xf32>
    %sub3A_635 = vector.broadcast %slice3A_633 : vector<1x15xf32> to vector<200x15xf32>
    %sub3A_636 = arith.subf %sub3A_634, %sub3A_635 : vector<200x15xf32>
    %mul3A_637 = arith.mulf %sub3A_626, %sub3A_626 : vector<200x15xf32>
    %mul3A_638 = arith.mulf %sub3A_631, %sub3A_631 : vector<200x15xf32>
    %add3A_639 = arith.addf %mul3A_637, %mul3A_638 : vector<200x15xf32>
    %mul3A_640 = arith.mulf %sub3A_636, %sub3A_636 : vector<200x15xf32>
    %add3A_641 = arith.addf %add3A_639, %mul3A_640 : vector<200x15xf32>
    %sqrt3A_642 = math.sqrt %add3A_641 : vector<200x15xf32>
    %mul3A_643 = arith.constant 5.000000e-01 : f32
    %mul3A_644 = vector.broadcast %mul3A_643 : f32 to vector<200x15xf32>
    %mul3A_645 = arith.mulf %sqrt3A_642, %mul3A_644 : vector<200x15xf32>
    %sub3A_646 = arith.constant 1.000000e+00 : f32
    %sub3A_647 = vector.broadcast %sub3A_646 : f32 to vector<200x15xf32>
    %sub3A_648 = arith.subf %sub3A_647, %mul3A_645 : vector<200x15xf32>
    %max3A_649 = arith.constant 0.000000e+00 : f32
    %max3A_650 = vector.broadcast %max3A_649 : f32 to vector<200x15xf32>
    %max3A_651 = arith.maximumf %sub3A_648, %max3A_650 : vector<200x15xf32>
    %dot_general3A_652 = arith.constant dense<0.000000e+00> : vector<200x480xf32>
    %dot_general3A_653 = tpu.matmul %max3A_651, %get3A_57, %dot_general3A_652 {dimension_numbers = #tpu.dot_dimension_numbers<[1], [0], [0], [1], [0, 0, 1, 1], [], []>, transpose_lhs_hint = false} : vector<200x15xf32>, vector<15x480xf32>, vector<200x480xf32> -> vector<200x480xf32>
    %dot_general3A_654 = arith.constant dense<0.000000e+00> : vector<200x480xf32>
    %dot_general3A_655 = tpu.matmul %slice3A_619, %get3A_60, %dot_general3A_654 {dimension_numbers = #tpu.dot_dimension_numbers<[1], [0], [0], [1], [0, 0, 1, 1], [], []>, transpose_lhs_hint = false} : vector<200x32xf32>, vector<32x480xf32>, vector<200x480xf32> -> vector<200x480xf32>
    %mul3A_656 = arith.mulf %dot_general3A_653, %dot_general3A_655 : vector<200x480xf32>
    %add3A_657 = arith.addf %add3A_614, %mul3A_656 : vector<200x480xf32>
    %slice3A_658 = vector.extract_strided_slice %squeeze3A_618 {offsets = [0, 35], sizes = [200, 1], strides = [1, 1]} : vector<200x48xf32> to vector<200x1xf32>
    %add3A_659 = arith.addf %add3A_616, %slice3A_658 : vector<200x1xf32>
    %slice3A_660 = vector.extract_strided_slice %get3A_48 {offsets = [14, 0, 0], sizes = [1, 200, 48], strides = [1, 1, 1]} : vector<32x200x48xf32> to vector<1x200x48xf32>
    %squeeze3A_661 = vector.shape_cast %slice3A_660 : vector<1x200x48xf32> to vector<200x48xf32>
    %slice3A_662 = vector.extract_strided_slice %squeeze3A_661 {offsets = [0, 0], sizes = [200, 32], strides = [1, 1]} : vector<200x48xf32> to vector<200x32xf32>
    %slice3A_663 = vector.extract_strided_slice %squeeze3A_661 {offsets = [0, 32], sizes = [200, 3], strides = [1, 1]} : vector<200x48xf32> to vector<200x3xf32>
    %sub3A_664 = arith.subf %slice3A_663, %get3A_51 : vector<200x3xf32>
    %slice3A_665 = vector.extract_strided_slice %sub3A_664 {offsets = [0, 0], sizes = [200, 1], strides = [1, 1]} : vector<200x3xf32> to vector<200x1xf32>
    %slice3A_666 = vector.extract_strided_slice %get3A_54 {offsets = [0, 0], sizes = [1, 15], strides = [1, 1]} : vector<3x15xf32> to vector<1x15xf32>
    %sub3A_667 = vector.broadcast %slice3A_665 : vector<200x1xf32> to vector<200x15xf32>
    %sub3A_668 = vector.broadcast %slice3A_666 : vector<1x15xf32> to vector<200x15xf32>
    %sub3A_669 = arith.subf %sub3A_667, %sub3A_668 : vector<200x15xf32>
    %slice3A_670 = vector.extract_strided_slice %sub3A_664 {offsets = [0, 1], sizes = [200, 1], strides = [1, 1]} : vector<200x3xf32> to vector<200x1xf32>
    %slice3A_671 = vector.extract_strided_slice %get3A_54 {offsets = [1, 0], sizes = [1, 15], strides = [1, 1]} : vector<3x15xf32> to vector<1x15xf32>
    %sub3A_672 = vector.broadcast %slice3A_670 : vector<200x1xf32> to vector<200x15xf32>
    %sub3A_673 = vector.broadcast %slice3A_671 : vector<1x15xf32> to vector<200x15xf32>
    %sub3A_674 = arith.subf %sub3A_672, %sub3A_673 : vector<200x15xf32>
    %slice3A_675 = vector.extract_strided_slice %sub3A_664 {offsets = [0, 2], sizes = [200, 1], strides = [1, 1]} : vector<200x3xf32> to vector<200x1xf32>
    %slice3A_676 = vector.extract_strided_slice %get3A_54 {offsets = [2, 0], sizes = [1, 15], strides = [1, 1]} : vector<3x15xf32> to vector<1x15xf32>
    %sub3A_677 = vector.broadcast %slice3A_675 : vector<200x1xf32> to vector<200x15xf32>
    %sub3A_678 = vector.broadcast %slice3A_676 : vector<1x15xf32> to vector<200x15xf32>
    %sub3A_679 = arith.subf %sub3A_677, %sub3A_678 : vector<200x15xf32>
    %mul3A_680 = arith.mulf %sub3A_669, %sub3A_669 : vector<200x15xf32>
    %mul3A_681 = arith.mulf %sub3A_674, %sub3A_674 : vector<200x15xf32>
    %add3A_682 = arith.addf %mul3A_680, %mul3A_681 : vector<200x15xf32>
    %mul3A_683 = arith.mulf %sub3A_679, %sub3A_679 : vector<200x15xf32>
    %add3A_684 = arith.addf %add3A_682, %mul3A_683 : vector<200x15xf32>
    %sqrt3A_685 = math.sqrt %add3A_684 : vector<200x15xf32>
    %mul3A_686 = arith.constant 5.000000e-01 : f32
    %mul3A_687 = vector.broadcast %mul3A_686 : f32 to vector<200x15xf32>
    %mul3A_688 = arith.mulf %sqrt3A_685, %mul3A_687 : vector<200x15xf32>
    %sub3A_689 = arith.constant 1.000000e+00 : f32
    %sub3A_690 = vector.broadcast %sub3A_689 : f32 to vector<200x15xf32>
    %sub3A_691 = arith.subf %sub3A_690, %mul3A_688 : vector<200x15xf32>
    %max3A_692 = arith.constant 0.000000e+00 : f32
    %max3A_693 = vector.broadcast %max3A_692 : f32 to vector<200x15xf32>
    %max3A_694 = arith.maximumf %sub3A_691, %max3A_693 : vector<200x15xf32>
    %dot_general3A_695 = arith.constant dense<0.000000e+00> : vector<200x480xf32>
    %dot_general3A_696 = tpu.matmul %max3A_694, %get3A_57, %dot_general3A_695 {dimension_numbers = #tpu.dot_dimension_numbers<[1], [0], [0], [1], [0, 0, 1, 1], [], []>, transpose_lhs_hint = false} : vector<200x15xf32>, vector<15x480xf32>, vector<200x480xf32> -> vector<200x480xf32>
    %dot_general3A_697 = arith.constant dense<0.000000e+00> : vector<200x480xf32>
    %dot_general3A_698 = tpu.matmul %slice3A_662, %get3A_60, %dot_general3A_697 {dimension_numbers = #tpu.dot_dimension_numbers<[1], [0], [0], [1], [0, 0, 1, 1], [], []>, transpose_lhs_hint = false} : vector<200x32xf32>, vector<32x480xf32>, vector<200x480xf32> -> vector<200x480xf32>
    %mul3A_699 = arith.mulf %dot_general3A_696, %dot_general3A_698 : vector<200x480xf32>
    %add3A_700 = arith.addf %add3A_657, %mul3A_699 : vector<200x480xf32>
    %slice3A_701 = vector.extract_strided_slice %squeeze3A_661 {offsets = [0, 35], sizes = [200, 1], strides = [1, 1]} : vector<200x48xf32> to vector<200x1xf32>
    %add3A_702 = arith.addf %add3A_659, %slice3A_701 : vector<200x1xf32>
    %slice3A_703 = vector.extract_strided_slice %get3A_48 {offsets = [15, 0, 0], sizes = [1, 200, 48], strides = [1, 1, 1]} : vector<32x200x48xf32> to vector<1x200x48xf32>
    %squeeze3A_704 = vector.shape_cast %slice3A_703 : vector<1x200x48xf32> to vector<200x48xf32>
    %slice3A_705 = vector.extract_strided_slice %squeeze3A_704 {offsets = [0, 0], sizes = [200, 32], strides = [1, 1]} : vector<200x48xf32> to vector<200x32xf32>
    %slice3A_706 = vector.extract_strided_slice %squeeze3A_704 {offsets = [0, 32], sizes = [200, 3], strides = [1, 1]} : vector<200x48xf32> to vector<200x3xf32>
    %sub3A_707 = arith.subf %slice3A_706, %get3A_51 : vector<200x3xf32>
    %slice3A_708 = vector.extract_strided_slice %sub3A_707 {offsets = [0, 0], sizes = [200, 1], strides = [1, 1]} : vector<200x3xf32> to vector<200x1xf32>
    %slice3A_709 = vector.extract_strided_slice %get3A_54 {offsets = [0, 0], sizes = [1, 15], strides = [1, 1]} : vector<3x15xf32> to vector<1x15xf32>
    %sub3A_710 = vector.broadcast %slice3A_708 : vector<200x1xf32> to vector<200x15xf32>
    %sub3A_711 = vector.broadcast %slice3A_709 : vector<1x15xf32> to vector<200x15xf32>
    %sub3A_712 = arith.subf %sub3A_710, %sub3A_711 : vector<200x15xf32>
    %slice3A_713 = vector.extract_strided_slice %sub3A_707 {offsets = [0, 1], sizes = [200, 1], strides = [1, 1]} : vector<200x3xf32> to vector<200x1xf32>
    %slice3A_714 = vector.extract_strided_slice %get3A_54 {offsets = [1, 0], sizes = [1, 15], strides = [1, 1]} : vector<3x15xf32> to vector<1x15xf32>
    %sub3A_715 = vector.broadcast %slice3A_713 : vector<200x1xf32> to vector<200x15xf32>
    %sub3A_716 = vector.broadcast %slice3A_714 : vector<1x15xf32> to vector<200x15xf32>
    %sub3A_717 = arith.subf %sub3A_715, %sub3A_716 : vector<200x15xf32>
    %slice3A_718 = vector.extract_strided_slice %sub3A_707 {offsets = [0, 2], sizes = [200, 1], strides = [1, 1]} : vector<200x3xf32> to vector<200x1xf32>
    %slice3A_719 = vector.extract_strided_slice %get3A_54 {offsets = [2, 0], sizes = [1, 15], strides = [1, 1]} : vector<3x15xf32> to vector<1x15xf32>
    %sub3A_720 = vector.broadcast %slice3A_718 : vector<200x1xf32> to vector<200x15xf32>
    %sub3A_721 = vector.broadcast %slice3A_719 : vector<1x15xf32> to vector<200x15xf32>
    %sub3A_722 = arith.subf %sub3A_720, %sub3A_721 : vector<200x15xf32>
    %mul3A_723 = arith.mulf %sub3A_712, %sub3A_712 : vector<200x15xf32>
    %mul3A_724 = arith.mulf %sub3A_717, %sub3A_717 : vector<200x15xf32>
    %add3A_725 = arith.addf %mul3A_723, %mul3A_724 : vector<200x15xf32>
    %mul3A_726 = arith.mulf %sub3A_722, %sub3A_722 : vector<200x15xf32>
    %add3A_727 = arith.addf %add3A_725, %mul3A_726 : vector<200x15xf32>
    %sqrt3A_728 = math.sqrt %add3A_727 : vector<200x15xf32>
    %mul3A_729 = arith.constant 5.000000e-01 : f32
    %mul3A_730 = vector.broadcast %mul3A_729 : f32 to vector<200x15xf32>
    %mul3A_731 = arith.mulf %sqrt3A_728, %mul3A_730 : vector<200x15xf32>
    %sub3A_732 = arith.constant 1.000000e+00 : f32
    %sub3A_733 = vector.broadcast %sub3A_732 : f32 to vector<200x15xf32>
    %sub3A_734 = arith.subf %sub3A_733, %mul3A_731 : vector<200x15xf32>
    %max3A_735 = arith.constant 0.000000e+00 : f32
    %max3A_736 = vector.broadcast %max3A_735 : f32 to vector<200x15xf32>
    %max3A_737 = arith.maximumf %sub3A_734, %max3A_736 : vector<200x15xf32>
    %dot_general3A_738 = arith.constant dense<0.000000e+00> : vector<200x480xf32>
    %dot_general3A_739 = tpu.matmul %max3A_737, %get3A_57, %dot_general3A_738 {dimension_numbers = #tpu.dot_dimension_numbers<[1], [0], [0], [1], [0, 0, 1, 1], [], []>, transpose_lhs_hint = false} : vector<200x15xf32>, vector<15x480xf32>, vector<200x480xf32> -> vector<200x480xf32>
    %dot_general3A_740 = arith.constant dense<0.000000e+00> : vector<200x480xf32>
    %dot_general3A_741 = tpu.matmul %slice3A_705, %get3A_60, %dot_general3A_740 {dimension_numbers = #tpu.dot_dimension_numbers<[1], [0], [0], [1], [0, 0, 1, 1], [], []>, transpose_lhs_hint = false} : vector<200x32xf32>, vector<32x480xf32>, vector<200x480xf32> -> vector<200x480xf32>
    %mul3A_742 = arith.mulf %dot_general3A_739, %dot_general3A_741 : vector<200x480xf32>
    %add3A_743 = arith.addf %add3A_700, %mul3A_742 : vector<200x480xf32>
    %slice3A_744 = vector.extract_strided_slice %squeeze3A_704 {offsets = [0, 35], sizes = [200, 1], strides = [1, 1]} : vector<200x48xf32> to vector<200x1xf32>
    %add3A_745 = arith.addf %add3A_702, %slice3A_744 : vector<200x1xf32>
    %slice3A_746 = vector.extract_strided_slice %get3A_48 {offsets = [16, 0, 0], sizes = [1, 200, 48], strides = [1, 1, 1]} : vector<32x200x48xf32> to vector<1x200x48xf32>
    %squeeze3A_747 = vector.shape_cast %slice3A_746 : vector<1x200x48xf32> to vector<200x48xf32>
    %slice3A_748 = vector.extract_strided_slice %squeeze3A_747 {offsets = [0, 0], sizes = [200, 32], strides = [1, 1]} : vector<200x48xf32> to vector<200x32xf32>
    %slice3A_749 = vector.extract_strided_slice %squeeze3A_747 {offsets = [0, 32], sizes = [200, 3], strides = [1, 1]} : vector<200x48xf32> to vector<200x3xf32>
    %sub3A_750 = arith.subf %slice3A_749, %get3A_51 : vector<200x3xf32>
    %slice3A_751 = vector.extract_strided_slice %sub3A_750 {offsets = [0, 0], sizes = [200, 1], strides = [1, 1]} : vector<200x3xf32> to vector<200x1xf32>
    %slice3A_752 = vector.extract_strided_slice %get3A_54 {offsets = [0, 0], sizes = [1, 15], strides = [1, 1]} : vector<3x15xf32> to vector<1x15xf32>
    %sub3A_753 = vector.broadcast %slice3A_751 : vector<200x1xf32> to vector<200x15xf32>
    %sub3A_754 = vector.broadcast %slice3A_752 : vector<1x15xf32> to vector<200x15xf32>
    %sub3A_755 = arith.subf %sub3A_753, %sub3A_754 : vector<200x15xf32>
    %slice3A_756 = vector.extract_strided_slice %sub3A_750 {offsets = [0, 1], sizes = [200, 1], strides = [1, 1]} : vector<200x3xf32> to vector<200x1xf32>
    %slice3A_757 = vector.extract_strided_slice %get3A_54 {offsets = [1, 0], sizes = [1, 15], strides = [1, 1]} : vector<3x15xf32> to vector<1x15xf32>
    %sub3A_758 = vector.broadcast %slice3A_756 : vector<200x1xf32> to vector<200x15xf32>
    %sub3A_759 = vector.broadcast %slice3A_757 : vector<1x15xf32> to vector<200x15xf32>
    %sub3A_760 = arith.subf %sub3A_758, %sub3A_759 : vector<200x15xf32>
    %slice3A_761 = vector.extract_strided_slice %sub3A_750 {offsets = [0, 2], sizes = [200, 1], strides = [1, 1]} : vector<200x3xf32> to vector<200x1xf32>
    %slice3A_762 = vector.extract_strided_slice %get3A_54 {offsets = [2, 0], sizes = [1, 15], strides = [1, 1]} : vector<3x15xf32> to vector<1x15xf32>
    %sub3A_763 = vector.broadcast %slice3A_761 : vector<200x1xf32> to vector<200x15xf32>
    %sub3A_764 = vector.broadcast %slice3A_762 : vector<1x15xf32> to vector<200x15xf32>
    %sub3A_765 = arith.subf %sub3A_763, %sub3A_764 : vector<200x15xf32>
    %mul3A_766 = arith.mulf %sub3A_755, %sub3A_755 : vector<200x15xf32>
    %mul3A_767 = arith.mulf %sub3A_760, %sub3A_760 : vector<200x15xf32>
    %add3A_768 = arith.addf %mul3A_766, %mul3A_767 : vector<200x15xf32>
    %mul3A_769 = arith.mulf %sub3A_765, %sub3A_765 : vector<200x15xf32>
    %add3A_770 = arith.addf %add3A_768, %mul3A_769 : vector<200x15xf32>
    %sqrt3A_771 = math.sqrt %add3A_770 : vector<200x15xf32>
    %mul3A_772 = arith.constant 5.000000e-01 : f32
    %mul3A_773 = vector.broadcast %mul3A_772 : f32 to vector<200x15xf32>
    %mul3A_774 = arith.mulf %sqrt3A_771, %mul3A_773 : vector<200x15xf32>
    %sub3A_775 = arith.constant 1.000000e+00 : f32
    %sub3A_776 = vector.broadcast %sub3A_775 : f32 to vector<200x15xf32>
    %sub3A_777 = arith.subf %sub3A_776, %mul3A_774 : vector<200x15xf32>
    %max3A_778 = arith.constant 0.000000e+00 : f32
    %max3A_779 = vector.broadcast %max3A_778 : f32 to vector<200x15xf32>
    %max3A_780 = arith.maximumf %sub3A_777, %max3A_779 : vector<200x15xf32>
    %dot_general3A_781 = arith.constant dense<0.000000e+00> : vector<200x480xf32>
    %dot_general3A_782 = tpu.matmul %max3A_780, %get3A_57, %dot_general3A_781 {dimension_numbers = #tpu.dot_dimension_numbers<[1], [0], [0], [1], [0, 0, 1, 1], [], []>, transpose_lhs_hint = false} : vector<200x15xf32>, vector<15x480xf32>, vector<200x480xf32> -> vector<200x480xf32>
    %dot_general3A_783 = arith.constant dense<0.000000e+00> : vector<200x480xf32>
    %dot_general3A_784 = tpu.matmul %slice3A_748, %get3A_60, %dot_general3A_783 {dimension_numbers = #tpu.dot_dimension_numbers<[1], [0], [0], [1], [0, 0, 1, 1], [], []>, transpose_lhs_hint = false} : vector<200x32xf32>, vector<32x480xf32>, vector<200x480xf32> -> vector<200x480xf32>
    %mul3A_785 = arith.mulf %dot_general3A_782, %dot_general3A_784 : vector<200x480xf32>
    %add3A_786 = arith.addf %add3A_743, %mul3A_785 : vector<200x480xf32>
    %slice3A_787 = vector.extract_strided_slice %squeeze3A_747 {offsets = [0, 35], sizes = [200, 1], strides = [1, 1]} : vector<200x48xf32> to vector<200x1xf32>
    %add3A_788 = arith.addf %add3A_745, %slice3A_787 : vector<200x1xf32>
    %slice3A_789 = vector.extract_strided_slice %get3A_48 {offsets = [17, 0, 0], sizes = [1, 200, 48], strides = [1, 1, 1]} : vector<32x200x48xf32> to vector<1x200x48xf32>
    %squeeze3A_790 = vector.shape_cast %slice3A_789 : vector<1x200x48xf32> to vector<200x48xf32>
    %slice3A_791 = vector.extract_strided_slice %squeeze3A_790 {offsets = [0, 0], sizes = [200, 32], strides = [1, 1]} : vector<200x48xf32> to vector<200x32xf32>
    %slice3A_792 = vector.extract_strided_slice %squeeze3A_790 {offsets = [0, 32], sizes = [200, 3], strides = [1, 1]} : vector<200x48xf32> to vector<200x3xf32>
    %sub3A_793 = arith.subf %slice3A_792, %get3A_51 : vector<200x3xf32>
    %slice3A_794 = vector.extract_strided_slice %sub3A_793 {offsets = [0, 0], sizes = [200, 1], strides = [1, 1]} : vector<200x3xf32> to vector<200x1xf32>
    %slice3A_795 = vector.extract_strided_slice %get3A_54 {offsets = [0, 0], sizes = [1, 15], strides = [1, 1]} : vector<3x15xf32> to vector<1x15xf32>
    %sub3A_796 = vector.broadcast %slice3A_794 : vector<200x1xf32> to vector<200x15xf32>
    %sub3A_797 = vector.broadcast %slice3A_795 : vector<1x15xf32> to vector<200x15xf32>
    %sub3A_798 = arith.subf %sub3A_796, %sub3A_797 : vector<200x15xf32>
    %slice3A_799 = vector.extract_strided_slice %sub3A_793 {offsets = [0, 1], sizes = [200, 1], strides = [1, 1]} : vector<200x3xf32> to vector<200x1xf32>
    %slice3A_800 = vector.extract_strided_slice %get3A_54 {offsets = [1, 0], sizes = [1, 15], strides = [1, 1]} : vector<3x15xf32> to vector<1x15xf32>
    %sub3A_801 = vector.broadcast %slice3A_799 : vector<200x1xf32> to vector<200x15xf32>
    %sub3A_802 = vector.broadcast %slice3A_800 : vector<1x15xf32> to vector<200x15xf32>
    %sub3A_803 = arith.subf %sub3A_801, %sub3A_802 : vector<200x15xf32>
    %slice3A_804 = vector.extract_strided_slice %sub3A_793 {offsets = [0, 2], sizes = [200, 1], strides = [1, 1]} : vector<200x3xf32> to vector<200x1xf32>
    %slice3A_805 = vector.extract_strided_slice %get3A_54 {offsets = [2, 0], sizes = [1, 15], strides = [1, 1]} : vector<3x15xf32> to vector<1x15xf32>
    %sub3A_806 = vector.broadcast %slice3A_804 : vector<200x1xf32> to vector<200x15xf32>
    %sub3A_807 = vector.broadcast %slice3A_805 : vector<1x15xf32> to vector<200x15xf32>
    %sub3A_808 = arith.subf %sub3A_806, %sub3A_807 : vector<200x15xf32>
    %mul3A_809 = arith.mulf %sub3A_798, %sub3A_798 : vector<200x15xf32>
    %mul3A_810 = arith.mulf %sub3A_803, %sub3A_803 : vector<200x15xf32>
    %add3A_811 = arith.addf %mul3A_809, %mul3A_810 : vector<200x15xf32>
    %mul3A_812 = arith.mulf %sub3A_808, %sub3A_808 : vector<200x15xf32>
    %add3A_813 = arith.addf %add3A_811, %mul3A_812 : vector<200x15xf32>
    %sqrt3A_814 = math.sqrt %add3A_813 : vector<200x15xf32>
    %mul3A_815 = arith.constant 5.000000e-01 : f32
    %mul3A_816 = vector.broadcast %mul3A_815 : f32 to vector<200x15xf32>
    %mul3A_817 = arith.mulf %sqrt3A_814, %mul3A_816 : vector<200x15xf32>
    %sub3A_818 = arith.constant 1.000000e+00 : f32
    %sub3A_819 = vector.broadcast %sub3A_818 : f32 to vector<200x15xf32>
    %sub3A_820 = arith.subf %sub3A_819, %mul3A_817 : vector<200x15xf32>
    %max3A_821 = arith.constant 0.000000e+00 : f32
    %max3A_822 = vector.broadcast %max3A_821 : f32 to vector<200x15xf32>
    %max3A_823 = arith.maximumf %sub3A_820, %max3A_822 : vector<200x15xf32>
    %dot_general3A_824 = arith.constant dense<0.000000e+00> : vector<200x480xf32>
    %dot_general3A_825 = tpu.matmul %max3A_823, %get3A_57, %dot_general3A_824 {dimension_numbers = #tpu.dot_dimension_numbers<[1], [0], [0], [1], [0, 0, 1, 1], [], []>, transpose_lhs_hint = false} : vector<200x15xf32>, vector<15x480xf32>, vector<200x480xf32> -> vector<200x480xf32>
    %dot_general3A_826 = arith.constant dense<0.000000e+00> : vector<200x480xf32>
    %dot_general3A_827 = tpu.matmul %slice3A_791, %get3A_60, %dot_general3A_826 {dimension_numbers = #tpu.dot_dimension_numbers<[1], [0], [0], [1], [0, 0, 1, 1], [], []>, transpose_lhs_hint = false} : vector<200x32xf32>, vector<32x480xf32>, vector<200x480xf32> -> vector<200x480xf32>
    %mul3A_828 = arith.mulf %dot_general3A_825, %dot_general3A_827 : vector<200x480xf32>
    %add3A_829 = arith.addf %add3A_786, %mul3A_828 : vector<200x480xf32>
    %slice3A_830 = vector.extract_strided_slice %squeeze3A_790 {offsets = [0, 35], sizes = [200, 1], strides = [1, 1]} : vector<200x48xf32> to vector<200x1xf32>
    %add3A_831 = arith.addf %add3A_788, %slice3A_830 : vector<200x1xf32>
    %slice3A_832 = vector.extract_strided_slice %get3A_48 {offsets = [18, 0, 0], sizes = [1, 200, 48], strides = [1, 1, 1]} : vector<32x200x48xf32> to vector<1x200x48xf32>
    %squeeze3A_833 = vector.shape_cast %slice3A_832 : vector<1x200x48xf32> to vector<200x48xf32>
    %slice3A_834 = vector.extract_strided_slice %squeeze3A_833 {offsets = [0, 0], sizes = [200, 32], strides = [1, 1]} : vector<200x48xf32> to vector<200x32xf32>
    %slice3A_835 = vector.extract_strided_slice %squeeze3A_833 {offsets = [0, 32], sizes = [200, 3], strides = [1, 1]} : vector<200x48xf32> to vector<200x3xf32>
    %sub3A_836 = arith.subf %slice3A_835, %get3A_51 : vector<200x3xf32>
    %slice3A_837 = vector.extract_strided_slice %sub3A_836 {offsets = [0, 0], sizes = [200, 1], strides = [1, 1]} : vector<200x3xf32> to vector<200x1xf32>
    %slice3A_838 = vector.extract_strided_slice %get3A_54 {offsets = [0, 0], sizes = [1, 15], strides = [1, 1]} : vector<3x15xf32> to vector<1x15xf32>
    %sub3A_839 = vector.broadcast %slice3A_837 : vector<200x1xf32> to vector<200x15xf32>
    %sub3A_840 = vector.broadcast %slice3A_838 : vector<1x15xf32> to vector<200x15xf32>
    %sub3A_841 = arith.subf %sub3A_839, %sub3A_840 : vector<200x15xf32>
    %slice3A_842 = vector.extract_strided_slice %sub3A_836 {offsets = [0, 1], sizes = [200, 1], strides = [1, 1]} : vector<200x3xf32> to vector<200x1xf32>
    %slice3A_843 = vector.extract_strided_slice %get3A_54 {offsets = [1, 0], sizes = [1, 15], strides = [1, 1]} : vector<3x15xf32> to vector<1x15xf32>
    %sub3A_844 = vector.broadcast %slice3A_842 : vector<200x1xf32> to vector<200x15xf32>
    %sub3A_845 = vector.broadcast %slice3A_843 : vector<1x15xf32> to vector<200x15xf32>
    %sub3A_846 = arith.subf %sub3A_844, %sub3A_845 : vector<200x15xf32>
    %slice3A_847 = vector.extract_strided_slice %sub3A_836 {offsets = [0, 2], sizes = [200, 1], strides = [1, 1]} : vector<200x3xf32> to vector<200x1xf32>
    %slice3A_848 = vector.extract_strided_slice %get3A_54 {offsets = [2, 0], sizes = [1, 15], strides = [1, 1]} : vector<3x15xf32> to vector<1x15xf32>
    %sub3A_849 = vector.broadcast %slice3A_847 : vector<200x1xf32> to vector<200x15xf32>
    %sub3A_850 = vector.broadcast %slice3A_848 : vector<1x15xf32> to vector<200x15xf32>
    %sub3A_851 = arith.subf %sub3A_849, %sub3A_850 : vector<200x15xf32>
    %mul3A_852 = arith.mulf %sub3A_841, %sub3A_841 : vector<200x15xf32>
    %mul3A_853 = arith.mulf %sub3A_846, %sub3A_846 : vector<200x15xf32>
    %add3A_854 = arith.addf %mul3A_852, %mul3A_853 : vector<200x15xf32>
    %mul3A_855 = arith.mulf %sub3A_851, %sub3A_851 : vector<200x15xf32>
    %add3A_856 = arith.addf %add3A_854, %mul3A_855 : vector<200x15xf32>
    %sqrt3A_857 = math.sqrt %add3A_856 : vector<200x15xf32>
    %mul3A_858 = arith.constant 5.000000e-01 : f32
    %mul3A_859 = vector.broadcast %mul3A_858 : f32 to vector<200x15xf32>
    %mul3A_860 = arith.mulf %sqrt3A_857, %mul3A_859 : vector<200x15xf32>
    %sub3A_861 = arith.constant 1.000000e+00 : f32
    %sub3A_862 = vector.broadcast %sub3A_861 : f32 to vector<200x15xf32>
    %sub3A_863 = arith.subf %sub3A_862, %mul3A_860 : vector<200x15xf32>
    %max3A_864 = arith.constant 0.000000e+00 : f32
    %max3A_865 = vector.broadcast %max3A_864 : f32 to vector<200x15xf32>
    %max3A_866 = arith.maximumf %sub3A_863, %max3A_865 : vector<200x15xf32>
    %dot_general3A_867 = arith.constant dense<0.000000e+00> : vector<200x480xf32>
    %dot_general3A_868 = tpu.matmul %max3A_866, %get3A_57, %dot_general3A_867 {dimension_numbers = #tpu.dot_dimension_numbers<[1], [0], [0], [1], [0, 0, 1, 1], [], []>, transpose_lhs_hint = false} : vector<200x15xf32>, vector<15x480xf32>, vector<200x480xf32> -> vector<200x480xf32>
    %dot_general3A_869 = arith.constant dense<0.000000e+00> : vector<200x480xf32>
    %dot_general3A_870 = tpu.matmul %slice3A_834, %get3A_60, %dot_general3A_869 {dimension_numbers = #tpu.dot_dimension_numbers<[1], [0], [0], [1], [0, 0, 1, 1], [], []>, transpose_lhs_hint = false} : vector<200x32xf32>, vector<32x480xf32>, vector<200x480xf32> -> vector<200x480xf32>
    %mul3A_871 = arith.mulf %dot_general3A_868, %dot_general3A_870 : vector<200x480xf32>
    %add3A_872 = arith.addf %add3A_829, %mul3A_871 : vector<200x480xf32>
    %slice3A_873 = vector.extract_strided_slice %squeeze3A_833 {offsets = [0, 35], sizes = [200, 1], strides = [1, 1]} : vector<200x48xf32> to vector<200x1xf32>
    %add3A_874 = arith.addf %add3A_831, %slice3A_873 : vector<200x1xf32>
    %slice3A_875 = vector.extract_strided_slice %get3A_48 {offsets = [19, 0, 0], sizes = [1, 200, 48], strides = [1, 1, 1]} : vector<32x200x48xf32> to vector<1x200x48xf32>
    %squeeze3A_876 = vector.shape_cast %slice3A_875 : vector<1x200x48xf32> to vector<200x48xf32>
    %slice3A_877 = vector.extract_strided_slice %squeeze3A_876 {offsets = [0, 0], sizes = [200, 32], strides = [1, 1]} : vector<200x48xf32> to vector<200x32xf32>
    %slice3A_878 = vector.extract_strided_slice %squeeze3A_876 {offsets = [0, 32], sizes = [200, 3], strides = [1, 1]} : vector<200x48xf32> to vector<200x3xf32>
    %sub3A_879 = arith.subf %slice3A_878, %get3A_51 : vector<200x3xf32>
    %slice3A_880 = vector.extract_strided_slice %sub3A_879 {offsets = [0, 0], sizes = [200, 1], strides = [1, 1]} : vector<200x3xf32> to vector<200x1xf32>
    %slice3A_881 = vector.extract_strided_slice %get3A_54 {offsets = [0, 0], sizes = [1, 15], strides = [1, 1]} : vector<3x15xf32> to vector<1x15xf32>
    %sub3A_882 = vector.broadcast %slice3A_880 : vector<200x1xf32> to vector<200x15xf32>
    %sub3A_883 = vector.broadcast %slice3A_881 : vector<1x15xf32> to vector<200x15xf32>
    %sub3A_884 = arith.subf %sub3A_882, %sub3A_883 : vector<200x15xf32>
    %slice3A_885 = vector.extract_strided_slice %sub3A_879 {offsets = [0, 1], sizes = [200, 1], strides = [1, 1]} : vector<200x3xf32> to vector<200x1xf32>
    %slice3A_886 = vector.extract_strided_slice %get3A_54 {offsets = [1, 0], sizes = [1, 15], strides = [1, 1]} : vector<3x15xf32> to vector<1x15xf32>
    %sub3A_887 = vector.broadcast %slice3A_885 : vector<200x1xf32> to vector<200x15xf32>
    %sub3A_888 = vector.broadcast %slice3A_886 : vector<1x15xf32> to vector<200x15xf32>
    %sub3A_889 = arith.subf %sub3A_887, %sub3A_888 : vector<200x15xf32>
    %slice3A_890 = vector.extract_strided_slice %sub3A_879 {offsets = [0, 2], sizes = [200, 1], strides = [1, 1]} : vector<200x3xf32> to vector<200x1xf32>
    %slice3A_891 = vector.extract_strided_slice %get3A_54 {offsets = [2, 0], sizes = [1, 15], strides = [1, 1]} : vector<3x15xf32> to vector<1x15xf32>
    %sub3A_892 = vector.broadcast %slice3A_890 : vector<200x1xf32> to vector<200x15xf32>
    %sub3A_893 = vector.broadcast %slice3A_891 : vector<1x15xf32> to vector<200x15xf32>
    %sub3A_894 = arith.subf %sub3A_892, %sub3A_893 : vector<200x15xf32>
    %mul3A_895 = arith.mulf %sub3A_884, %sub3A_884 : vector<200x15xf32>
    %mul3A_896 = arith.mulf %sub3A_889, %sub3A_889 : vector<200x15xf32>
    %add3A_897 = arith.addf %mul3A_895, %mul3A_896 : vector<200x15xf32>
    %mul3A_898 = arith.mulf %sub3A_894, %sub3A_894 : vector<200x15xf32>
    %add3A_899 = arith.addf %add3A_897, %mul3A_898 : vector<200x15xf32>
    %sqrt3A_900 = math.sqrt %add3A_899 : vector<200x15xf32>
    %mul3A_901 = arith.constant 5.000000e-01 : f32
    %mul3A_902 = vector.broadcast %mul3A_901 : f32 to vector<200x15xf32>
    %mul3A_903 = arith.mulf %sqrt3A_900, %mul3A_902 : vector<200x15xf32>
    %sub3A_904 = arith.constant 1.000000e+00 : f32
    %sub3A_905 = vector.broadcast %sub3A_904 : f32 to vector<200x15xf32>
    %sub3A_906 = arith.subf %sub3A_905, %mul3A_903 : vector<200x15xf32>
    %max3A_907 = arith.constant 0.000000e+00 : f32
    %max3A_908 = vector.broadcast %max3A_907 : f32 to vector<200x15xf32>
    %max3A_909 = arith.maximumf %sub3A_906, %max3A_908 : vector<200x15xf32>
    %dot_general3A_910 = arith.constant dense<0.000000e+00> : vector<200x480xf32>
    %dot_general3A_911 = tpu.matmul %max3A_909, %get3A_57, %dot_general3A_910 {dimension_numbers = #tpu.dot_dimension_numbers<[1], [0], [0], [1], [0, 0, 1, 1], [], []>, transpose_lhs_hint = false} : vector<200x15xf32>, vector<15x480xf32>, vector<200x480xf32> -> vector<200x480xf32>
    %dot_general3A_912 = arith.constant dense<0.000000e+00> : vector<200x480xf32>
    %dot_general3A_913 = tpu.matmul %slice3A_877, %get3A_60, %dot_general3A_912 {dimension_numbers = #tpu.dot_dimension_numbers<[1], [0], [0], [1], [0, 0, 1, 1], [], []>, transpose_lhs_hint = false} : vector<200x32xf32>, vector<32x480xf32>, vector<200x480xf32> -> vector<200x480xf32>
    %mul3A_914 = arith.mulf %dot_general3A_911, %dot_general3A_913 : vector<200x480xf32>
    %add3A_915 = arith.addf %add3A_872, %mul3A_914 : vector<200x480xf32>
    %slice3A_916 = vector.extract_strided_slice %squeeze3A_876 {offsets = [0, 35], sizes = [200, 1], strides = [1, 1]} : vector<200x48xf32> to vector<200x1xf32>
    %add3A_917 = arith.addf %add3A_874, %slice3A_916 : vector<200x1xf32>
    %slice3A_918 = vector.extract_strided_slice %get3A_48 {offsets = [20, 0, 0], sizes = [1, 200, 48], strides = [1, 1, 1]} : vector<32x200x48xf32> to vector<1x200x48xf32>
    %squeeze3A_919 = vector.shape_cast %slice3A_918 : vector<1x200x48xf32> to vector<200x48xf32>
    %slice3A_920 = vector.extract_strided_slice %squeeze3A_919 {offsets = [0, 0], sizes = [200, 32], strides = [1, 1]} : vector<200x48xf32> to vector<200x32xf32>
    %slice3A_921 = vector.extract_strided_slice %squeeze3A_919 {offsets = [0, 32], sizes = [200, 3], strides = [1, 1]} : vector<200x48xf32> to vector<200x3xf32>
    %sub3A_922 = arith.subf %slice3A_921, %get3A_51 : vector<200x3xf32>
    %slice3A_923 = vector.extract_strided_slice %sub3A_922 {offsets = [0, 0], sizes = [200, 1], strides = [1, 1]} : vector<200x3xf32> to vector<200x1xf32>
    %slice3A_924 = vector.extract_strided_slice %get3A_54 {offsets = [0, 0], sizes = [1, 15], strides = [1, 1]} : vector<3x15xf32> to vector<1x15xf32>
    %sub3A_925 = vector.broadcast %slice3A_923 : vector<200x1xf32> to vector<200x15xf32>
    %sub3A_926 = vector.broadcast %slice3A_924 : vector<1x15xf32> to vector<200x15xf32>
    %sub3A_927 = arith.subf %sub3A_925, %sub3A_926 : vector<200x15xf32>
    %slice3A_928 = vector.extract_strided_slice %sub3A_922 {offsets = [0, 1], sizes = [200, 1], strides = [1, 1]} : vector<200x3xf32> to vector<200x1xf32>
    %slice3A_929 = vector.extract_strided_slice %get3A_54 {offsets = [1, 0], sizes = [1, 15], strides = [1, 1]} : vector<3x15xf32> to vector<1x15xf32>
    %sub3A_930 = vector.broadcast %slice3A_928 : vector<200x1xf32> to vector<200x15xf32>
    %sub3A_931 = vector.broadcast %slice3A_929 : vector<1x15xf32> to vector<200x15xf32>
    %sub3A_932 = arith.subf %sub3A_930, %sub3A_931 : vector<200x15xf32>
    %slice3A_933 = vector.extract_strided_slice %sub3A_922 {offsets = [0, 2], sizes = [200, 1], strides = [1, 1]} : vector<200x3xf32> to vector<200x1xf32>
    %slice3A_934 = vector.extract_strided_slice %get3A_54 {offsets = [2, 0], sizes = [1, 15], strides = [1, 1]} : vector<3x15xf32> to vector<1x15xf32>
    %sub3A_935 = vector.broadcast %slice3A_933 : vector<200x1xf32> to vector<200x15xf32>
    %sub3A_936 = vector.broadcast %slice3A_934 : vector<1x15xf32> to vector<200x15xf32>
    %sub3A_937 = arith.subf %sub3A_935, %sub3A_936 : vector<200x15xf32>
    %mul3A_938 = arith.mulf %sub3A_927, %sub3A_927 : vector<200x15xf32>
    %mul3A_939 = arith.mulf %sub3A_932, %sub3A_932 : vector<200x15xf32>
    %add3A_940 = arith.addf %mul3A_938, %mul3A_939 : vector<200x15xf32>
    %mul3A_941 = arith.mulf %sub3A_937, %sub3A_937 : vector<200x15xf32>
    %add3A_942 = arith.addf %add3A_940, %mul3A_941 : vector<200x15xf32>
    %sqrt3A_943 = math.sqrt %add3A_942 : vector<200x15xf32>
    %mul3A_944 = arith.constant 5.000000e-01 : f32
    %mul3A_945 = vector.broadcast %mul3A_944 : f32 to vector<200x15xf32>
    %mul3A_946 = arith.mulf %sqrt3A_943, %mul3A_945 : vector<200x15xf32>
    %sub3A_947 = arith.constant 1.000000e+00 : f32
    %sub3A_948 = vector.broadcast %sub3A_947 : f32 to vector<200x15xf32>
    %sub3A_949 = arith.subf %sub3A_948, %mul3A_946 : vector<200x15xf32>
    %max3A_950 = arith.constant 0.000000e+00 : f32
    %max3A_951 = vector.broadcast %max3A_950 : f32 to vector<200x15xf32>
    %max3A_952 = arith.maximumf %sub3A_949, %max3A_951 : vector<200x15xf32>
    %dot_general3A_953 = arith.constant dense<0.000000e+00> : vector<200x480xf32>
    %dot_general3A_954 = tpu.matmul %max3A_952, %get3A_57, %dot_general3A_953 {dimension_numbers = #tpu.dot_dimension_numbers<[1], [0], [0], [1], [0, 0, 1, 1], [], []>, transpose_lhs_hint = false} : vector<200x15xf32>, vector<15x480xf32>, vector<200x480xf32> -> vector<200x480xf32>
    %dot_general3A_955 = arith.constant dense<0.000000e+00> : vector<200x480xf32>
    %dot_general3A_956 = tpu.matmul %slice3A_920, %get3A_60, %dot_general3A_955 {dimension_numbers = #tpu.dot_dimension_numbers<[1], [0], [0], [1], [0, 0, 1, 1], [], []>, transpose_lhs_hint = false} : vector<200x32xf32>, vector<32x480xf32>, vector<200x480xf32> -> vector<200x480xf32>
    %mul3A_957 = arith.mulf %dot_general3A_954, %dot_general3A_956 : vector<200x480xf32>
    %add3A_958 = arith.addf %add3A_915, %mul3A_957 : vector<200x480xf32>
    %slice3A_959 = vector.extract_strided_slice %squeeze3A_919 {offsets = [0, 35], sizes = [200, 1], strides = [1, 1]} : vector<200x48xf32> to vector<200x1xf32>
    %add3A_960 = arith.addf %add3A_917, %slice3A_959 : vector<200x1xf32>
    %slice3A_961 = vector.extract_strided_slice %get3A_48 {offsets = [21, 0, 0], sizes = [1, 200, 48], strides = [1, 1, 1]} : vector<32x200x48xf32> to vector<1x200x48xf32>
    %squeeze3A_962 = vector.shape_cast %slice3A_961 : vector<1x200x48xf32> to vector<200x48xf32>
    %slice3A_963 = vector.extract_strided_slice %squeeze3A_962 {offsets = [0, 0], sizes = [200, 32], strides = [1, 1]} : vector<200x48xf32> to vector<200x32xf32>
    %slice3A_964 = vector.extract_strided_slice %squeeze3A_962 {offsets = [0, 32], sizes = [200, 3], strides = [1, 1]} : vector<200x48xf32> to vector<200x3xf32>
    %sub3A_965 = arith.subf %slice3A_964, %get3A_51 : vector<200x3xf32>
    %slice3A_966 = vector.extract_strided_slice %sub3A_965 {offsets = [0, 0], sizes = [200, 1], strides = [1, 1]} : vector<200x3xf32> to vector<200x1xf32>
    %slice3A_967 = vector.extract_strided_slice %get3A_54 {offsets = [0, 0], sizes = [1, 15], strides = [1, 1]} : vector<3x15xf32> to vector<1x15xf32>
    %sub3A_968 = vector.broadcast %slice3A_966 : vector<200x1xf32> to vector<200x15xf32>
    %sub3A_969 = vector.broadcast %slice3A_967 : vector<1x15xf32> to vector<200x15xf32>
    %sub3A_970 = arith.subf %sub3A_968, %sub3A_969 : vector<200x15xf32>
    %slice3A_971 = vector.extract_strided_slice %sub3A_965 {offsets = [0, 1], sizes = [200, 1], strides = [1, 1]} : vector<200x3xf32> to vector<200x1xf32>
    %slice3A_972 = vector.extract_strided_slice %get3A_54 {offsets = [1, 0], sizes = [1, 15], strides = [1, 1]} : vector<3x15xf32> to vector<1x15xf32>
    %sub3A_973 = vector.broadcast %slice3A_971 : vector<200x1xf32> to vector<200x15xf32>
    %sub3A_974 = vector.broadcast %slice3A_972 : vector<1x15xf32> to vector<200x15xf32>
    %sub3A_975 = arith.subf %sub3A_973, %sub3A_974 : vector<200x15xf32>
    %slice3A_976 = vector.extract_strided_slice %sub3A_965 {offsets = [0, 2], sizes = [200, 1], strides = [1, 1]} : vector<200x3xf32> to vector<200x1xf32>
    %slice3A_977 = vector.extract_strided_slice %get3A_54 {offsets = [2, 0], sizes = [1, 15], strides = [1, 1]} : vector<3x15xf32> to vector<1x15xf32>
    %sub3A_978 = vector.broadcast %slice3A_976 : vector<200x1xf32> to vector<200x15xf32>
    %sub3A_979 = vector.broadcast %slice3A_977 : vector<1x15xf32> to vector<200x15xf32>
    %sub3A_980 = arith.subf %sub3A_978, %sub3A_979 : vector<200x15xf32>
    %mul3A_981 = arith.mulf %sub3A_970, %sub3A_970 : vector<200x15xf32>
    %mul3A_982 = arith.mulf %sub3A_975, %sub3A_975 : vector<200x15xf32>
    %add3A_983 = arith.addf %mul3A_981, %mul3A_982 : vector<200x15xf32>
    %mul3A_984 = arith.mulf %sub3A_980, %sub3A_980 : vector<200x15xf32>
    %add3A_985 = arith.addf %add3A_983, %mul3A_984 : vector<200x15xf32>
    %sqrt3A_986 = math.sqrt %add3A_985 : vector<200x15xf32>
    %mul3A_987 = arith.constant 5.000000e-01 : f32
    %mul3A_988 = vector.broadcast %mul3A_987 : f32 to vector<200x15xf32>
    %mul3A_989 = arith.mulf %sqrt3A_986, %mul3A_988 : vector<200x15xf32>
    %sub3A_990 = arith.constant 1.000000e+00 : f32
    %sub3A_991 = vector.broadcast %sub3A_990 : f32 to vector<200x15xf32>
    %sub3A_992 = arith.subf %sub3A_991, %mul3A_989 : vector<200x15xf32>
    %max3A_993 = arith.constant 0.000000e+00 : f32
    %max3A_994 = vector.broadcast %max3A_993 : f32 to vector<200x15xf32>
    %max3A_995 = arith.maximumf %sub3A_992, %max3A_994 : vector<200x15xf32>
    %dot_general3A_996 = arith.constant dense<0.000000e+00> : vector<200x480xf32>
    %dot_general3A_997 = tpu.matmul %max3A_995, %get3A_57, %dot_general3A_996 {dimension_numbers = #tpu.dot_dimension_numbers<[1], [0], [0], [1], [0, 0, 1, 1], [], []>, transpose_lhs_hint = false} : vector<200x15xf32>, vector<15x480xf32>, vector<200x480xf32> -> vector<200x480xf32>
    %dot_general3A_998 = arith.constant dense<0.000000e+00> : vector<200x480xf32>
    %dot_general3A_999 = tpu.matmul %slice3A_963, %get3A_60, %dot_general3A_998 {dimension_numbers = #tpu.dot_dimension_numbers<[1], [0], [0], [1], [0, 0, 1, 1], [], []>, transpose_lhs_hint = false} : vector<200x32xf32>, vector<32x480xf32>, vector<200x480xf32> -> vector<200x480xf32>
    %mul3A_1000 = arith.mulf %dot_general3A_997, %dot_general3A_999 : vector<200x480xf32>
    %add3A_1001 = arith.addf %add3A_958, %mul3A_1000 : vector<200x480xf32>
    %slice3A_1002 = vector.extract_strided_slice %squeeze3A_962 {offsets = [0, 35], sizes = [200, 1], strides = [1, 1]} : vector<200x48xf32> to vector<200x1xf32>
    %add3A_1003 = arith.addf %add3A_960, %slice3A_1002 : vector<200x1xf32>
    %slice3A_1004 = vector.extract_strided_slice %get3A_48 {offsets = [22, 0, 0], sizes = [1, 200, 48], strides = [1, 1, 1]} : vector<32x200x48xf32> to vector<1x200x48xf32>
    %squeeze3A_1005 = vector.shape_cast %slice3A_1004 : vector<1x200x48xf32> to vector<200x48xf32>
    %slice3A_1006 = vector.extract_strided_slice %squeeze3A_1005 {offsets = [0, 0], sizes = [200, 32], strides = [1, 1]} : vector<200x48xf32> to vector<200x32xf32>
    %slice3A_1007 = vector.extract_strided_slice %squeeze3A_1005 {offsets = [0, 32], sizes = [200, 3], strides = [1, 1]} : vector<200x48xf32> to vector<200x3xf32>
    %sub3A_1008 = arith.subf %slice3A_1007, %get3A_51 : vector<200x3xf32>
    %slice3A_1009 = vector.extract_strided_slice %sub3A_1008 {offsets = [0, 0], sizes = [200, 1], strides = [1, 1]} : vector<200x3xf32> to vector<200x1xf32>
    %slice3A_1010 = vector.extract_strided_slice %get3A_54 {offsets = [0, 0], sizes = [1, 15], strides = [1, 1]} : vector<3x15xf32> to vector<1x15xf32>
    %sub3A_1011 = vector.broadcast %slice3A_1009 : vector<200x1xf32> to vector<200x15xf32>
    %sub3A_1012 = vector.broadcast %slice3A_1010 : vector<1x15xf32> to vector<200x15xf32>
    %sub3A_1013 = arith.subf %sub3A_1011, %sub3A_1012 : vector<200x15xf32>
    %slice3A_1014 = vector.extract_strided_slice %sub3A_1008 {offsets = [0, 1], sizes = [200, 1], strides = [1, 1]} : vector<200x3xf32> to vector<200x1xf32>
    %slice3A_1015 = vector.extract_strided_slice %get3A_54 {offsets = [1, 0], sizes = [1, 15], strides = [1, 1]} : vector<3x15xf32> to vector<1x15xf32>
    %sub3A_1016 = vector.broadcast %slice3A_1014 : vector<200x1xf32> to vector<200x15xf32>
    %sub3A_1017 = vector.broadcast %slice3A_1015 : vector<1x15xf32> to vector<200x15xf32>
    %sub3A_1018 = arith.subf %sub3A_1016, %sub3A_1017 : vector<200x15xf32>
    %slice3A_1019 = vector.extract_strided_slice %sub3A_1008 {offsets = [0, 2], sizes = [200, 1], strides = [1, 1]} : vector<200x3xf32> to vector<200x1xf32>
    %slice3A_1020 = vector.extract_strided_slice %get3A_54 {offsets = [2, 0], sizes = [1, 15], strides = [1, 1]} : vector<3x15xf32> to vector<1x15xf32>
    %sub3A_1021 = vector.broadcast %slice3A_1019 : vector<200x1xf32> to vector<200x15xf32>
    %sub3A_1022 = vector.broadcast %slice3A_1020 : vector<1x15xf32> to vector<200x15xf32>
    %sub3A_1023 = arith.subf %sub3A_1021, %sub3A_1022 : vector<200x15xf32>
    %mul3A_1024 = arith.mulf %sub3A_1013, %sub3A_1013 : vector<200x15xf32>
    %mul3A_1025 = arith.mulf %sub3A_1018, %sub3A_1018 : vector<200x15xf32>
    %add3A_1026 = arith.addf %mul3A_1024, %mul3A_1025 : vector<200x15xf32>
    %mul3A_1027 = arith.mulf %sub3A_1023, %sub3A_1023 : vector<200x15xf32>
    %add3A_1028 = arith.addf %add3A_1026, %mul3A_1027 : vector<200x15xf32>
    %sqrt3A_1029 = math.sqrt %add3A_1028 : vector<200x15xf32>
    %mul3A_1030 = arith.constant 5.000000e-01 : f32
    %mul3A_1031 = vector.broadcast %mul3A_1030 : f32 to vector<200x15xf32>
    %mul3A_1032 = arith.mulf %sqrt3A_1029, %mul3A_1031 : vector<200x15xf32>
    %sub3A_1033 = arith.constant 1.000000e+00 : f32
    %sub3A_1034 = vector.broadcast %sub3A_1033 : f32 to vector<200x15xf32>
    %sub3A_1035 = arith.subf %sub3A_1034, %mul3A_1032 : vector<200x15xf32>
    %max3A_1036 = arith.constant 0.000000e+00 : f32
    %max3A_1037 = vector.broadcast %max3A_1036 : f32 to vector<200x15xf32>
    %max3A_1038 = arith.maximumf %sub3A_1035, %max3A_1037 : vector<200x15xf32>
    %dot_general3A_1039 = arith.constant dense<0.000000e+00> : vector<200x480xf32>
    %dot_general3A_1040 = tpu.matmul %max3A_1038, %get3A_57, %dot_general3A_1039 {dimension_numbers = #tpu.dot_dimension_numbers<[1], [0], [0], [1], [0, 0, 1, 1], [], []>, transpose_lhs_hint = false} : vector<200x15xf32>, vector<15x480xf32>, vector<200x480xf32> -> vector<200x480xf32>
    %dot_general3A_1041 = arith.constant dense<0.000000e+00> : vector<200x480xf32>
    %dot_general3A_1042 = tpu.matmul %slice3A_1006, %get3A_60, %dot_general3A_1041 {dimension_numbers = #tpu.dot_dimension_numbers<[1], [0], [0], [1], [0, 0, 1, 1], [], []>, transpose_lhs_hint = false} : vector<200x32xf32>, vector<32x480xf32>, vector<200x480xf32> -> vector<200x480xf32>
    %mul3A_1043 = arith.mulf %dot_general3A_1040, %dot_general3A_1042 : vector<200x480xf32>
    %add3A_1044 = arith.addf %add3A_1001, %mul3A_1043 : vector<200x480xf32>
    %slice3A_1045 = vector.extract_strided_slice %squeeze3A_1005 {offsets = [0, 35], sizes = [200, 1], strides = [1, 1]} : vector<200x48xf32> to vector<200x1xf32>
    %add3A_1046 = arith.addf %add3A_1003, %slice3A_1045 : vector<200x1xf32>
    %slice3A_1047 = vector.extract_strided_slice %get3A_48 {offsets = [23, 0, 0], sizes = [1, 200, 48], strides = [1, 1, 1]} : vector<32x200x48xf32> to vector<1x200x48xf32>
    %squeeze3A_1048 = vector.shape_cast %slice3A_1047 : vector<1x200x48xf32> to vector<200x48xf32>
    %slice3A_1049 = vector.extract_strided_slice %squeeze3A_1048 {offsets = [0, 0], sizes = [200, 32], strides = [1, 1]} : vector<200x48xf32> to vector<200x32xf32>
    %slice3A_1050 = vector.extract_strided_slice %squeeze3A_1048 {offsets = [0, 32], sizes = [200, 3], strides = [1, 1]} : vector<200x48xf32> to vector<200x3xf32>
    %sub3A_1051 = arith.subf %slice3A_1050, %get3A_51 : vector<200x3xf32>
    %slice3A_1052 = vector.extract_strided_slice %sub3A_1051 {offsets = [0, 0], sizes = [200, 1], strides = [1, 1]} : vector<200x3xf32> to vector<200x1xf32>
    %slice3A_1053 = vector.extract_strided_slice %get3A_54 {offsets = [0, 0], sizes = [1, 15], strides = [1, 1]} : vector<3x15xf32> to vector<1x15xf32>
    %sub3A_1054 = vector.broadcast %slice3A_1052 : vector<200x1xf32> to vector<200x15xf32>
    %sub3A_1055 = vector.broadcast %slice3A_1053 : vector<1x15xf32> to vector<200x15xf32>
    %sub3A_1056 = arith.subf %sub3A_1054, %sub3A_1055 : vector<200x15xf32>
    %slice3A_1057 = vector.extract_strided_slice %sub3A_1051 {offsets = [0, 1], sizes = [200, 1], strides = [1, 1]} : vector<200x3xf32> to vector<200x1xf32>
    %slice3A_1058 = vector.extract_strided_slice %get3A_54 {offsets = [1, 0], sizes = [1, 15], strides = [1, 1]} : vector<3x15xf32> to vector<1x15xf32>
    %sub3A_1059 = vector.broadcast %slice3A_1057 : vector<200x1xf32> to vector<200x15xf32>
    %sub3A_1060 = vector.broadcast %slice3A_1058 : vector<1x15xf32> to vector<200x15xf32>
    %sub3A_1061 = arith.subf %sub3A_1059, %sub3A_1060 : vector<200x15xf32>
    %slice3A_1062 = vector.extract_strided_slice %sub3A_1051 {offsets = [0, 2], sizes = [200, 1], strides = [1, 1]} : vector<200x3xf32> to vector<200x1xf32>
    %slice3A_1063 = vector.extract_strided_slice %get3A_54 {offsets = [2, 0], sizes = [1, 15], strides = [1, 1]} : vector<3x15xf32> to vector<1x15xf32>
    %sub3A_1064 = vector.broadcast %slice3A_1062 : vector<200x1xf32> to vector<200x15xf32>
    %sub3A_1065 = vector.broadcast %slice3A_1063 : vector<1x15xf32> to vector<200x15xf32>
    %sub3A_1066 = arith.subf %sub3A_1064, %sub3A_1065 : vector<200x15xf32>
    %mul3A_1067 = arith.mulf %sub3A_1056, %sub3A_1056 : vector<200x15xf32>
    %mul3A_1068 = arith.mulf %sub3A_1061, %sub3A_1061 : vector<200x15xf32>
    %add3A_1069 = arith.addf %mul3A_1067, %mul3A_1068 : vector<200x15xf32>
    %mul3A_1070 = arith.mulf %sub3A_1066, %sub3A_1066 : vector<200x15xf32>
    %add3A_1071 = arith.addf %add3A_1069, %mul3A_1070 : vector<200x15xf32>
    %sqrt3A_1072 = math.sqrt %add3A_1071 : vector<200x15xf32>
    %mul3A_1073 = arith.constant 5.000000e-01 : f32
    %mul3A_1074 = vector.broadcast %mul3A_1073 : f32 to vector<200x15xf32>
    %mul3A_1075 = arith.mulf %sqrt3A_1072, %mul3A_1074 : vector<200x15xf32>
    %sub3A_1076 = arith.constant 1.000000e+00 : f32
    %sub3A_1077 = vector.broadcast %sub3A_1076 : f32 to vector<200x15xf32>
    %sub3A_1078 = arith.subf %sub3A_1077, %mul3A_1075 : vector<200x15xf32>
    %max3A_1079 = arith.constant 0.000000e+00 : f32
    %max3A_1080 = vector.broadcast %max3A_1079 : f32 to vector<200x15xf32>
    %max3A_1081 = arith.maximumf %sub3A_1078, %max3A_1080 : vector<200x15xf32>
    %dot_general3A_1082 = arith.constant dense<0.000000e+00> : vector<200x480xf32>
    %dot_general3A_1083 = tpu.matmul %max3A_1081, %get3A_57, %dot_general3A_1082 {dimension_numbers = #tpu.dot_dimension_numbers<[1], [0], [0], [1], [0, 0, 1, 1], [], []>, transpose_lhs_hint = false} : vector<200x15xf32>, vector<15x480xf32>, vector<200x480xf32> -> vector<200x480xf32>
    %dot_general3A_1084 = arith.constant dense<0.000000e+00> : vector<200x480xf32>
    %dot_general3A_1085 = tpu.matmul %slice3A_1049, %get3A_60, %dot_general3A_1084 {dimension_numbers = #tpu.dot_dimension_numbers<[1], [0], [0], [1], [0, 0, 1, 1], [], []>, transpose_lhs_hint = false} : vector<200x32xf32>, vector<32x480xf32>, vector<200x480xf32> -> vector<200x480xf32>
    %mul3A_1086 = arith.mulf %dot_general3A_1083, %dot_general3A_1085 : vector<200x480xf32>
    %add3A_1087 = arith.addf %add3A_1044, %mul3A_1086 : vector<200x480xf32>
    %slice3A_1088 = vector.extract_strided_slice %squeeze3A_1048 {offsets = [0, 35], sizes = [200, 1], strides = [1, 1]} : vector<200x48xf32> to vector<200x1xf32>
    %add3A_1089 = arith.addf %add3A_1046, %slice3A_1088 : vector<200x1xf32>
    %slice3A_1090 = vector.extract_strided_slice %get3A_48 {offsets = [24, 0, 0], sizes = [1, 200, 48], strides = [1, 1, 1]} : vector<32x200x48xf32> to vector<1x200x48xf32>
    %squeeze3A_1091 = vector.shape_cast %slice3A_1090 : vector<1x200x48xf32> to vector<200x48xf32>
    %slice3A_1092 = vector.extract_strided_slice %squeeze3A_1091 {offsets = [0, 0], sizes = [200, 32], strides = [1, 1]} : vector<200x48xf32> to vector<200x32xf32>
    %slice3A_1093 = vector.extract_strided_slice %squeeze3A_1091 {offsets = [0, 32], sizes = [200, 3], strides = [1, 1]} : vector<200x48xf32> to vector<200x3xf32>
    %sub3A_1094 = arith.subf %slice3A_1093, %get3A_51 : vector<200x3xf32>
    %slice3A_1095 = vector.extract_strided_slice %sub3A_1094 {offsets = [0, 0], sizes = [200, 1], strides = [1, 1]} : vector<200x3xf32> to vector<200x1xf32>
    %slice3A_1096 = vector.extract_strided_slice %get3A_54 {offsets = [0, 0], sizes = [1, 15], strides = [1, 1]} : vector<3x15xf32> to vector<1x15xf32>
    %sub3A_1097 = vector.broadcast %slice3A_1095 : vector<200x1xf32> to vector<200x15xf32>
    %sub3A_1098 = vector.broadcast %slice3A_1096 : vector<1x15xf32> to vector<200x15xf32>
    %sub3A_1099 = arith.subf %sub3A_1097, %sub3A_1098 : vector<200x15xf32>
    %slice3A_1100 = vector.extract_strided_slice %sub3A_1094 {offsets = [0, 1], sizes = [200, 1], strides = [1, 1]} : vector<200x3xf32> to vector<200x1xf32>
    %slice3A_1101 = vector.extract_strided_slice %get3A_54 {offsets = [1, 0], sizes = [1, 15], strides = [1, 1]} : vector<3x15xf32> to vector<1x15xf32>
    %sub3A_1102 = vector.broadcast %slice3A_1100 : vector<200x1xf32> to vector<200x15xf32>
    %sub3A_1103 = vector.broadcast %slice3A_1101 : vector<1x15xf32> to vector<200x15xf32>
    %sub3A_1104 = arith.subf %sub3A_1102, %sub3A_1103 : vector<200x15xf32>
    %slice3A_1105 = vector.extract_strided_slice %sub3A_1094 {offsets = [0, 2], sizes = [200, 1], strides = [1, 1]} : vector<200x3xf32> to vector<200x1xf32>
    %slice3A_1106 = vector.extract_strided_slice %get3A_54 {offsets = [2, 0], sizes = [1, 15], strides = [1, 1]} : vector<3x15xf32> to vector<1x15xf32>
    %sub3A_1107 = vector.broadcast %slice3A_1105 : vector<200x1xf32> to vector<200x15xf32>
    %sub3A_1108 = vector.broadcast %slice3A_1106 : vector<1x15xf32> to vector<200x15xf32>
    %sub3A_1109 = arith.subf %sub3A_1107, %sub3A_1108 : vector<200x15xf32>
    %mul3A_1110 = arith.mulf %sub3A_1099, %sub3A_1099 : vector<200x15xf32>
    %mul3A_1111 = arith.mulf %sub3A_1104, %sub3A_1104 : vector<200x15xf32>
    %add3A_1112 = arith.addf %mul3A_1110, %mul3A_1111 : vector<200x15xf32>
    %mul3A_1113 = arith.mulf %sub3A_1109, %sub3A_1109 : vector<200x15xf32>
    %add3A_1114 = arith.addf %add3A_1112, %mul3A_1113 : vector<200x15xf32>
    %sqrt3A_1115 = math.sqrt %add3A_1114 : vector<200x15xf32>
    %mul3A_1116 = arith.constant 5.000000e-01 : f32
    %mul3A_1117 = vector.broadcast %mul3A_1116 : f32 to vector<200x15xf32>
    %mul3A_1118 = arith.mulf %sqrt3A_1115, %mul3A_1117 : vector<200x15xf32>
    %sub3A_1119 = arith.constant 1.000000e+00 : f32
    %sub3A_1120 = vector.broadcast %sub3A_1119 : f32 to vector<200x15xf32>
    %sub3A_1121 = arith.subf %sub3A_1120, %mul3A_1118 : vector<200x15xf32>
    %max3A_1122 = arith.constant 0.000000e+00 : f32
    %max3A_1123 = vector.broadcast %max3A_1122 : f32 to vector<200x15xf32>
    %max3A_1124 = arith.maximumf %sub3A_1121, %max3A_1123 : vector<200x15xf32>
    %dot_general3A_1125 = arith.constant dense<0.000000e+00> : vector<200x480xf32>
    %dot_general3A_1126 = tpu.matmul %max3A_1124, %get3A_57, %dot_general3A_1125 {dimension_numbers = #tpu.dot_dimension_numbers<[1], [0], [0], [1], [0, 0, 1, 1], [], []>, transpose_lhs_hint = false} : vector<200x15xf32>, vector<15x480xf32>, vector<200x480xf32> -> vector<200x480xf32>
    %dot_general3A_1127 = arith.constant dense<0.000000e+00> : vector<200x480xf32>
    %dot_general3A_1128 = tpu.matmul %slice3A_1092, %get3A_60, %dot_general3A_1127 {dimension_numbers = #tpu.dot_dimension_numbers<[1], [0], [0], [1], [0, 0, 1, 1], [], []>, transpose_lhs_hint = false} : vector<200x32xf32>, vector<32x480xf32>, vector<200x480xf32> -> vector<200x480xf32>
    %mul3A_1129 = arith.mulf %dot_general3A_1126, %dot_general3A_1128 : vector<200x480xf32>
    %add3A_1130 = arith.addf %add3A_1087, %mul3A_1129 : vector<200x480xf32>
    %slice3A_1131 = vector.extract_strided_slice %squeeze3A_1091 {offsets = [0, 35], sizes = [200, 1], strides = [1, 1]} : vector<200x48xf32> to vector<200x1xf32>
    %add3A_1132 = arith.addf %add3A_1089, %slice3A_1131 : vector<200x1xf32>
    %slice3A_1133 = vector.extract_strided_slice %get3A_48 {offsets = [25, 0, 0], sizes = [1, 200, 48], strides = [1, 1, 1]} : vector<32x200x48xf32> to vector<1x200x48xf32>
    %squeeze3A_1134 = vector.shape_cast %slice3A_1133 : vector<1x200x48xf32> to vector<200x48xf32>
    %slice3A_1135 = vector.extract_strided_slice %squeeze3A_1134 {offsets = [0, 0], sizes = [200, 32], strides = [1, 1]} : vector<200x48xf32> to vector<200x32xf32>
    %slice3A_1136 = vector.extract_strided_slice %squeeze3A_1134 {offsets = [0, 32], sizes = [200, 3], strides = [1, 1]} : vector<200x48xf32> to vector<200x3xf32>
    %sub3A_1137 = arith.subf %slice3A_1136, %get3A_51 : vector<200x3xf32>
    %slice3A_1138 = vector.extract_strided_slice %sub3A_1137 {offsets = [0, 0], sizes = [200, 1], strides = [1, 1]} : vector<200x3xf32> to vector<200x1xf32>
    %slice3A_1139 = vector.extract_strided_slice %get3A_54 {offsets = [0, 0], sizes = [1, 15], strides = [1, 1]} : vector<3x15xf32> to vector<1x15xf32>
    %sub3A_1140 = vector.broadcast %slice3A_1138 : vector<200x1xf32> to vector<200x15xf32>
    %sub3A_1141 = vector.broadcast %slice3A_1139 : vector<1x15xf32> to vector<200x15xf32>
    %sub3A_1142 = arith.subf %sub3A_1140, %sub3A_1141 : vector<200x15xf32>
    %slice3A_1143 = vector.extract_strided_slice %sub3A_1137 {offsets = [0, 1], sizes = [200, 1], strides = [1, 1]} : vector<200x3xf32> to vector<200x1xf32>
    %slice3A_1144 = vector.extract_strided_slice %get3A_54 {offsets = [1, 0], sizes = [1, 15], strides = [1, 1]} : vector<3x15xf32> to vector<1x15xf32>
    %sub3A_1145 = vector.broadcast %slice3A_1143 : vector<200x1xf32> to vector<200x15xf32>
    %sub3A_1146 = vector.broadcast %slice3A_1144 : vector<1x15xf32> to vector<200x15xf32>
    %sub3A_1147 = arith.subf %sub3A_1145, %sub3A_1146 : vector<200x15xf32>
    %slice3A_1148 = vector.extract_strided_slice %sub3A_1137 {offsets = [0, 2], sizes = [200, 1], strides = [1, 1]} : vector<200x3xf32> to vector<200x1xf32>
    %slice3A_1149 = vector.extract_strided_slice %get3A_54 {offsets = [2, 0], sizes = [1, 15], strides = [1, 1]} : vector<3x15xf32> to vector<1x15xf32>
    %sub3A_1150 = vector.broadcast %slice3A_1148 : vector<200x1xf32> to vector<200x15xf32>
    %sub3A_1151 = vector.broadcast %slice3A_1149 : vector<1x15xf32> to vector<200x15xf32>
    %sub3A_1152 = arith.subf %sub3A_1150, %sub3A_1151 : vector<200x15xf32>
    %mul3A_1153 = arith.mulf %sub3A_1142, %sub3A_1142 : vector<200x15xf32>
    %mul3A_1154 = arith.mulf %sub3A_1147, %sub3A_1147 : vector<200x15xf32>
    %add3A_1155 = arith.addf %mul3A_1153, %mul3A_1154 : vector<200x15xf32>
    %mul3A_1156 = arith.mulf %sub3A_1152, %sub3A_1152 : vector<200x15xf32>
    %add3A_1157 = arith.addf %add3A_1155, %mul3A_1156 : vector<200x15xf32>
    %sqrt3A_1158 = math.sqrt %add3A_1157 : vector<200x15xf32>
    %mul3A_1159 = arith.constant 5.000000e-01 : f32
    %mul3A_1160 = vector.broadcast %mul3A_1159 : f32 to vector<200x15xf32>
    %mul3A_1161 = arith.mulf %sqrt3A_1158, %mul3A_1160 : vector<200x15xf32>
    %sub3A_1162 = arith.constant 1.000000e+00 : f32
    %sub3A_1163 = vector.broadcast %sub3A_1162 : f32 to vector<200x15xf32>
    %sub3A_1164 = arith.subf %sub3A_1163, %mul3A_1161 : vector<200x15xf32>
    %max3A_1165 = arith.constant 0.000000e+00 : f32
    %max3A_1166 = vector.broadcast %max3A_1165 : f32 to vector<200x15xf32>
    %max3A_1167 = arith.maximumf %sub3A_1164, %max3A_1166 : vector<200x15xf32>
    %dot_general3A_1168 = arith.constant dense<0.000000e+00> : vector<200x480xf32>
    %dot_general3A_1169 = tpu.matmul %max3A_1167, %get3A_57, %dot_general3A_1168 {dimension_numbers = #tpu.dot_dimension_numbers<[1], [0], [0], [1], [0, 0, 1, 1], [], []>, transpose_lhs_hint = false} : vector<200x15xf32>, vector<15x480xf32>, vector<200x480xf32> -> vector<200x480xf32>
    %dot_general3A_1170 = arith.constant dense<0.000000e+00> : vector<200x480xf32>
    %dot_general3A_1171 = tpu.matmul %slice3A_1135, %get3A_60, %dot_general3A_1170 {dimension_numbers = #tpu.dot_dimension_numbers<[1], [0], [0], [1], [0, 0, 1, 1], [], []>, transpose_lhs_hint = false} : vector<200x32xf32>, vector<32x480xf32>, vector<200x480xf32> -> vector<200x480xf32>
    %mul3A_1172 = arith.mulf %dot_general3A_1169, %dot_general3A_1171 : vector<200x480xf32>
    %add3A_1173 = arith.addf %add3A_1130, %mul3A_1172 : vector<200x480xf32>
    %slice3A_1174 = vector.extract_strided_slice %squeeze3A_1134 {offsets = [0, 35], sizes = [200, 1], strides = [1, 1]} : vector<200x48xf32> to vector<200x1xf32>
    %add3A_1175 = arith.addf %add3A_1132, %slice3A_1174 : vector<200x1xf32>
    %slice3A_1176 = vector.extract_strided_slice %get3A_48 {offsets = [26, 0, 0], sizes = [1, 200, 48], strides = [1, 1, 1]} : vector<32x200x48xf32> to vector<1x200x48xf32>
    %squeeze3A_1177 = vector.shape_cast %slice3A_1176 : vector<1x200x48xf32> to vector<200x48xf32>
    %slice3A_1178 = vector.extract_strided_slice %squeeze3A_1177 {offsets = [0, 0], sizes = [200, 32], strides = [1, 1]} : vector<200x48xf32> to vector<200x32xf32>
    %slice3A_1179 = vector.extract_strided_slice %squeeze3A_1177 {offsets = [0, 32], sizes = [200, 3], strides = [1, 1]} : vector<200x48xf32> to vector<200x3xf32>
    %sub3A_1180 = arith.subf %slice3A_1179, %get3A_51 : vector<200x3xf32>
    %slice3A_1181 = vector.extract_strided_slice %sub3A_1180 {offsets = [0, 0], sizes = [200, 1], strides = [1, 1]} : vector<200x3xf32> to vector<200x1xf32>
    %slice3A_1182 = vector.extract_strided_slice %get3A_54 {offsets = [0, 0], sizes = [1, 15], strides = [1, 1]} : vector<3x15xf32> to vector<1x15xf32>
    %sub3A_1183 = vector.broadcast %slice3A_1181 : vector<200x1xf32> to vector<200x15xf32>
    %sub3A_1184 = vector.broadcast %slice3A_1182 : vector<1x15xf32> to vector<200x15xf32>
    %sub3A_1185 = arith.subf %sub3A_1183, %sub3A_1184 : vector<200x15xf32>
    %slice3A_1186 = vector.extract_strided_slice %sub3A_1180 {offsets = [0, 1], sizes = [200, 1], strides = [1, 1]} : vector<200x3xf32> to vector<200x1xf32>
    %slice3A_1187 = vector.extract_strided_slice %get3A_54 {offsets = [1, 0], sizes = [1, 15], strides = [1, 1]} : vector<3x15xf32> to vector<1x15xf32>
    %sub3A_1188 = vector.broadcast %slice3A_1186 : vector<200x1xf32> to vector<200x15xf32>
    %sub3A_1189 = vector.broadcast %slice3A_1187 : vector<1x15xf32> to vector<200x15xf32>
    %sub3A_1190 = arith.subf %sub3A_1188, %sub3A_1189 : vector<200x15xf32>
    %slice3A_1191 = vector.extract_strided_slice %sub3A_1180 {offsets = [0, 2], sizes = [200, 1], strides = [1, 1]} : vector<200x3xf32> to vector<200x1xf32>
    %slice3A_1192 = vector.extract_strided_slice %get3A_54 {offsets = [2, 0], sizes = [1, 15], strides = [1, 1]} : vector<3x15xf32> to vector<1x15xf32>
    %sub3A_1193 = vector.broadcast %slice3A_1191 : vector<200x1xf32> to vector<200x15xf32>
    %sub3A_1194 = vector.broadcast %slice3A_1192 : vector<1x15xf32> to vector<200x15xf32>
    %sub3A_1195 = arith.subf %sub3A_1193, %sub3A_1194 : vector<200x15xf32>
    %mul3A_1196 = arith.mulf %sub3A_1185, %sub3A_1185 : vector<200x15xf32>
    %mul3A_1197 = arith.mulf %sub3A_1190, %sub3A_1190 : vector<200x15xf32>
    %add3A_1198 = arith.addf %mul3A_1196, %mul3A_1197 : vector<200x15xf32>
    %mul3A_1199 = arith.mulf %sub3A_1195, %sub3A_1195 : vector<200x15xf32>
    %add3A_1200 = arith.addf %add3A_1198, %mul3A_1199 : vector<200x15xf32>
    %sqrt3A_1201 = math.sqrt %add3A_1200 : vector<200x15xf32>
    %mul3A_1202 = arith.constant 5.000000e-01 : f32
    %mul3A_1203 = vector.broadcast %mul3A_1202 : f32 to vector<200x15xf32>
    %mul3A_1204 = arith.mulf %sqrt3A_1201, %mul3A_1203 : vector<200x15xf32>
    %sub3A_1205 = arith.constant 1.000000e+00 : f32
    %sub3A_1206 = vector.broadcast %sub3A_1205 : f32 to vector<200x15xf32>
    %sub3A_1207 = arith.subf %sub3A_1206, %mul3A_1204 : vector<200x15xf32>
    %max3A_1208 = arith.constant 0.000000e+00 : f32
    %max3A_1209 = vector.broadcast %max3A_1208 : f32 to vector<200x15xf32>
    %max3A_1210 = arith.maximumf %sub3A_1207, %max3A_1209 : vector<200x15xf32>
    %dot_general3A_1211 = arith.constant dense<0.000000e+00> : vector<200x480xf32>
    %dot_general3A_1212 = tpu.matmul %max3A_1210, %get3A_57, %dot_general3A_1211 {dimension_numbers = #tpu.dot_dimension_numbers<[1], [0], [0], [1], [0, 0, 1, 1], [], []>, transpose_lhs_hint = false} : vector<200x15xf32>, vector<15x480xf32>, vector<200x480xf32> -> vector<200x480xf32>
    %dot_general3A_1213 = arith.constant dense<0.000000e+00> : vector<200x480xf32>
    %dot_general3A_1214 = tpu.matmul %slice3A_1178, %get3A_60, %dot_general3A_1213 {dimension_numbers = #tpu.dot_dimension_numbers<[1], [0], [0], [1], [0, 0, 1, 1], [], []>, transpose_lhs_hint = false} : vector<200x32xf32>, vector<32x480xf32>, vector<200x480xf32> -> vector<200x480xf32>
    %mul3A_1215 = arith.mulf %dot_general3A_1212, %dot_general3A_1214 : vector<200x480xf32>
    %add3A_1216 = arith.addf %add3A_1173, %mul3A_1215 : vector<200x480xf32>
    %slice3A_1217 = vector.extract_strided_slice %squeeze3A_1177 {offsets = [0, 35], sizes = [200, 1], strides = [1, 1]} : vector<200x48xf32> to vector<200x1xf32>
    %add3A_1218 = arith.addf %add3A_1175, %slice3A_1217 : vector<200x1xf32>
    %slice3A_1219 = vector.extract_strided_slice %get3A_48 {offsets = [27, 0, 0], sizes = [1, 200, 48], strides = [1, 1, 1]} : vector<32x200x48xf32> to vector<1x200x48xf32>
    %squeeze3A_1220 = vector.shape_cast %slice3A_1219 : vector<1x200x48xf32> to vector<200x48xf32>
    %slice3A_1221 = vector.extract_strided_slice %squeeze3A_1220 {offsets = [0, 0], sizes = [200, 32], strides = [1, 1]} : vector<200x48xf32> to vector<200x32xf32>
    %slice3A_1222 = vector.extract_strided_slice %squeeze3A_1220 {offsets = [0, 32], sizes = [200, 3], strides = [1, 1]} : vector<200x48xf32> to vector<200x3xf32>
    %sub3A_1223 = arith.subf %slice3A_1222, %get3A_51 : vector<200x3xf32>
    %slice3A_1224 = vector.extract_strided_slice %sub3A_1223 {offsets = [0, 0], sizes = [200, 1], strides = [1, 1]} : vector<200x3xf32> to vector<200x1xf32>
    %slice3A_1225 = vector.extract_strided_slice %get3A_54 {offsets = [0, 0], sizes = [1, 15], strides = [1, 1]} : vector<3x15xf32> to vector<1x15xf32>
    %sub3A_1226 = vector.broadcast %slice3A_1224 : vector<200x1xf32> to vector<200x15xf32>
    %sub3A_1227 = vector.broadcast %slice3A_1225 : vector<1x15xf32> to vector<200x15xf32>
    %sub3A_1228 = arith.subf %sub3A_1226, %sub3A_1227 : vector<200x15xf32>
    %slice3A_1229 = vector.extract_strided_slice %sub3A_1223 {offsets = [0, 1], sizes = [200, 1], strides = [1, 1]} : vector<200x3xf32> to vector<200x1xf32>
    %slice3A_1230 = vector.extract_strided_slice %get3A_54 {offsets = [1, 0], sizes = [1, 15], strides = [1, 1]} : vector<3x15xf32> to vector<1x15xf32>
    %sub3A_1231 = vector.broadcast %slice3A_1229 : vector<200x1xf32> to vector<200x15xf32>
    %sub3A_1232 = vector.broadcast %slice3A_1230 : vector<1x15xf32> to vector<200x15xf32>
    %sub3A_1233 = arith.subf %sub3A_1231, %sub3A_1232 : vector<200x15xf32>
    %slice3A_1234 = vector.extract_strided_slice %sub3A_1223 {offsets = [0, 2], sizes = [200, 1], strides = [1, 1]} : vector<200x3xf32> to vector<200x1xf32>
    %slice3A_1235 = vector.extract_strided_slice %get3A_54 {offsets = [2, 0], sizes = [1, 15], strides = [1, 1]} : vector<3x15xf32> to vector<1x15xf32>
    %sub3A_1236 = vector.broadcast %slice3A_1234 : vector<200x1xf32> to vector<200x15xf32>
    %sub3A_1237 = vector.broadcast %slice3A_1235 : vector<1x15xf32> to vector<200x15xf32>
    %sub3A_1238 = arith.subf %sub3A_1236, %sub3A_1237 : vector<200x15xf32>
    %mul3A_1239 = arith.mulf %sub3A_1228, %sub3A_1228 : vector<200x15xf32>
    %mul3A_1240 = arith.mulf %sub3A_1233, %sub3A_1233 : vector<200x15xf32>
    %add3A_1241 = arith.addf %mul3A_1239, %mul3A_1240 : vector<200x15xf32>
    %mul3A_1242 = arith.mulf %sub3A_1238, %sub3A_1238 : vector<200x15xf32>
    %add3A_1243 = arith.addf %add3A_1241, %mul3A_1242 : vector<200x15xf32>
    %sqrt3A_1244 = math.sqrt %add3A_1243 : vector<200x15xf32>
    %mul3A_1245 = arith.constant 5.000000e-01 : f32
    %mul3A_1246 = vector.broadcast %mul3A_1245 : f32 to vector<200x15xf32>
    %mul3A_1247 = arith.mulf %sqrt3A_1244, %mul3A_1246 : vector<200x15xf32>
    %sub3A_1248 = arith.constant 1.000000e+00 : f32
    %sub3A_1249 = vector.broadcast %sub3A_1248 : f32 to vector<200x15xf32>
    %sub3A_1250 = arith.subf %sub3A_1249, %mul3A_1247 : vector<200x15xf32>
    %max3A_1251 = arith.constant 0.000000e+00 : f32
    %max3A_1252 = vector.broadcast %max3A_1251 : f32 to vector<200x15xf32>
    %max3A_1253 = arith.maximumf %sub3A_1250, %max3A_1252 : vector<200x15xf32>
    %dot_general3A_1254 = arith.constant dense<0.000000e+00> : vector<200x480xf32>
    %dot_general3A_1255 = tpu.matmul %max3A_1253, %get3A_57, %dot_general3A_1254 {dimension_numbers = #tpu.dot_dimension_numbers<[1], [0], [0], [1], [0, 0, 1, 1], [], []>, transpose_lhs_hint = false} : vector<200x15xf32>, vector<15x480xf32>, vector<200x480xf32> -> vector<200x480xf32>
    %dot_general3A_1256 = arith.constant dense<0.000000e+00> : vector<200x480xf32>
    %dot_general3A_1257 = tpu.matmul %slice3A_1221, %get3A_60, %dot_general3A_1256 {dimension_numbers = #tpu.dot_dimension_numbers<[1], [0], [0], [1], [0, 0, 1, 1], [], []>, transpose_lhs_hint = false} : vector<200x32xf32>, vector<32x480xf32>, vector<200x480xf32> -> vector<200x480xf32>
    %mul3A_1258 = arith.mulf %dot_general3A_1255, %dot_general3A_1257 : vector<200x480xf32>
    %add3A_1259 = arith.addf %add3A_1216, %mul3A_1258 : vector<200x480xf32>
    %slice3A_1260 = vector.extract_strided_slice %squeeze3A_1220 {offsets = [0, 35], sizes = [200, 1], strides = [1, 1]} : vector<200x48xf32> to vector<200x1xf32>
    %add3A_1261 = arith.addf %add3A_1218, %slice3A_1260 : vector<200x1xf32>
    %slice3A_1262 = vector.extract_strided_slice %get3A_48 {offsets = [28, 0, 0], sizes = [1, 200, 48], strides = [1, 1, 1]} : vector<32x200x48xf32> to vector<1x200x48xf32>
    %squeeze3A_1263 = vector.shape_cast %slice3A_1262 : vector<1x200x48xf32> to vector<200x48xf32>
    %slice3A_1264 = vector.extract_strided_slice %squeeze3A_1263 {offsets = [0, 0], sizes = [200, 32], strides = [1, 1]} : vector<200x48xf32> to vector<200x32xf32>
    %slice3A_1265 = vector.extract_strided_slice %squeeze3A_1263 {offsets = [0, 32], sizes = [200, 3], strides = [1, 1]} : vector<200x48xf32> to vector<200x3xf32>
    %sub3A_1266 = arith.subf %slice3A_1265, %get3A_51 : vector<200x3xf32>
    %slice3A_1267 = vector.extract_strided_slice %sub3A_1266 {offsets = [0, 0], sizes = [200, 1], strides = [1, 1]} : vector<200x3xf32> to vector<200x1xf32>
    %slice3A_1268 = vector.extract_strided_slice %get3A_54 {offsets = [0, 0], sizes = [1, 15], strides = [1, 1]} : vector<3x15xf32> to vector<1x15xf32>
    %sub3A_1269 = vector.broadcast %slice3A_1267 : vector<200x1xf32> to vector<200x15xf32>
    %sub3A_1270 = vector.broadcast %slice3A_1268 : vector<1x15xf32> to vector<200x15xf32>
    %sub3A_1271 = arith.subf %sub3A_1269, %sub3A_1270 : vector<200x15xf32>
    %slice3A_1272 = vector.extract_strided_slice %sub3A_1266 {offsets = [0, 1], sizes = [200, 1], strides = [1, 1]} : vector<200x3xf32> to vector<200x1xf32>
    %slice3A_1273 = vector.extract_strided_slice %get3A_54 {offsets = [1, 0], sizes = [1, 15], strides = [1, 1]} : vector<3x15xf32> to vector<1x15xf32>
    %sub3A_1274 = vector.broadcast %slice3A_1272 : vector<200x1xf32> to vector<200x15xf32>
    %sub3A_1275 = vector.broadcast %slice3A_1273 : vector<1x15xf32> to vector<200x15xf32>
    %sub3A_1276 = arith.subf %sub3A_1274, %sub3A_1275 : vector<200x15xf32>
    %slice3A_1277 = vector.extract_strided_slice %sub3A_1266 {offsets = [0, 2], sizes = [200, 1], strides = [1, 1]} : vector<200x3xf32> to vector<200x1xf32>
    %slice3A_1278 = vector.extract_strided_slice %get3A_54 {offsets = [2, 0], sizes = [1, 15], strides = [1, 1]} : vector<3x15xf32> to vector<1x15xf32>
    %sub3A_1279 = vector.broadcast %slice3A_1277 : vector<200x1xf32> to vector<200x15xf32>
    %sub3A_1280 = vector.broadcast %slice3A_1278 : vector<1x15xf32> to vector<200x15xf32>
    %sub3A_1281 = arith.subf %sub3A_1279, %sub3A_1280 : vector<200x15xf32>
    %mul3A_1282 = arith.mulf %sub3A_1271, %sub3A_1271 : vector<200x15xf32>
    %mul3A_1283 = arith.mulf %sub3A_1276, %sub3A_1276 : vector<200x15xf32>
    %add3A_1284 = arith.addf %mul3A_1282, %mul3A_1283 : vector<200x15xf32>
    %mul3A_1285 = arith.mulf %sub3A_1281, %sub3A_1281 : vector<200x15xf32>
    %add3A_1286 = arith.addf %add3A_1284, %mul3A_1285 : vector<200x15xf32>
    %sqrt3A_1287 = math.sqrt %add3A_1286 : vector<200x15xf32>
    %mul3A_1288 = arith.constant 5.000000e-01 : f32
    %mul3A_1289 = vector.broadcast %mul3A_1288 : f32 to vector<200x15xf32>
    %mul3A_1290 = arith.mulf %sqrt3A_1287, %mul3A_1289 : vector<200x15xf32>
    %sub3A_1291 = arith.constant 1.000000e+00 : f32
    %sub3A_1292 = vector.broadcast %sub3A_1291 : f32 to vector<200x15xf32>
    %sub3A_1293 = arith.subf %sub3A_1292, %mul3A_1290 : vector<200x15xf32>
    %max3A_1294 = arith.constant 0.000000e+00 : f32
    %max3A_1295 = vector.broadcast %max3A_1294 : f32 to vector<200x15xf32>
    %max3A_1296 = arith.maximumf %sub3A_1293, %max3A_1295 : vector<200x15xf32>
    %dot_general3A_1297 = arith.constant dense<0.000000e+00> : vector<200x480xf32>
    %dot_general3A_1298 = tpu.matmul %max3A_1296, %get3A_57, %dot_general3A_1297 {dimension_numbers = #tpu.dot_dimension_numbers<[1], [0], [0], [1], [0, 0, 1, 1], [], []>, transpose_lhs_hint = false} : vector<200x15xf32>, vector<15x480xf32>, vector<200x480xf32> -> vector<200x480xf32>
    %dot_general3A_1299 = arith.constant dense<0.000000e+00> : vector<200x480xf32>
    %dot_general3A_1300 = tpu.matmul %slice3A_1264, %get3A_60, %dot_general3A_1299 {dimension_numbers = #tpu.dot_dimension_numbers<[1], [0], [0], [1], [0, 0, 1, 1], [], []>, transpose_lhs_hint = false} : vector<200x32xf32>, vector<32x480xf32>, vector<200x480xf32> -> vector<200x480xf32>
    %mul3A_1301 = arith.mulf %dot_general3A_1298, %dot_general3A_1300 : vector<200x480xf32>
    %add3A_1302 = arith.addf %add3A_1259, %mul3A_1301 : vector<200x480xf32>
    %slice3A_1303 = vector.extract_strided_slice %squeeze3A_1263 {offsets = [0, 35], sizes = [200, 1], strides = [1, 1]} : vector<200x48xf32> to vector<200x1xf32>
    %add3A_1304 = arith.addf %add3A_1261, %slice3A_1303 : vector<200x1xf32>
    %slice3A_1305 = vector.extract_strided_slice %get3A_48 {offsets = [29, 0, 0], sizes = [1, 200, 48], strides = [1, 1, 1]} : vector<32x200x48xf32> to vector<1x200x48xf32>
    %squeeze3A_1306 = vector.shape_cast %slice3A_1305 : vector<1x200x48xf32> to vector<200x48xf32>
    %slice3A_1307 = vector.extract_strided_slice %squeeze3A_1306 {offsets = [0, 0], sizes = [200, 32], strides = [1, 1]} : vector<200x48xf32> to vector<200x32xf32>
    %slice3A_1308 = vector.extract_strided_slice %squeeze3A_1306 {offsets = [0, 32], sizes = [200, 3], strides = [1, 1]} : vector<200x48xf32> to vector<200x3xf32>
    %sub3A_1309 = arith.subf %slice3A_1308, %get3A_51 : vector<200x3xf32>
    %slice3A_1310 = vector.extract_strided_slice %sub3A_1309 {offsets = [0, 0], sizes = [200, 1], strides = [1, 1]} : vector<200x3xf32> to vector<200x1xf32>
    %slice3A_1311 = vector.extract_strided_slice %get3A_54 {offsets = [0, 0], sizes = [1, 15], strides = [1, 1]} : vector<3x15xf32> to vector<1x15xf32>
    %sub3A_1312 = vector.broadcast %slice3A_1310 : vector<200x1xf32> to vector<200x15xf32>
    %sub3A_1313 = vector.broadcast %slice3A_1311 : vector<1x15xf32> to vector<200x15xf32>
    %sub3A_1314 = arith.subf %sub3A_1312, %sub3A_1313 : vector<200x15xf32>
    %slice3A_1315 = vector.extract_strided_slice %sub3A_1309 {offsets = [0, 1], sizes = [200, 1], strides = [1, 1]} : vector<200x3xf32> to vector<200x1xf32>
    %slice3A_1316 = vector.extract_strided_slice %get3A_54 {offsets = [1, 0], sizes = [1, 15], strides = [1, 1]} : vector<3x15xf32> to vector<1x15xf32>
    %sub3A_1317 = vector.broadcast %slice3A_1315 : vector<200x1xf32> to vector<200x15xf32>
    %sub3A_1318 = vector.broadcast %slice3A_1316 : vector<1x15xf32> to vector<200x15xf32>
    %sub3A_1319 = arith.subf %sub3A_1317, %sub3A_1318 : vector<200x15xf32>
    %slice3A_1320 = vector.extract_strided_slice %sub3A_1309 {offsets = [0, 2], sizes = [200, 1], strides = [1, 1]} : vector<200x3xf32> to vector<200x1xf32>
    %slice3A_1321 = vector.extract_strided_slice %get3A_54 {offsets = [2, 0], sizes = [1, 15], strides = [1, 1]} : vector<3x15xf32> to vector<1x15xf32>
    %sub3A_1322 = vector.broadcast %slice3A_1320 : vector<200x1xf32> to vector<200x15xf32>
    %sub3A_1323 = vector.broadcast %slice3A_1321 : vector<1x15xf32> to vector<200x15xf32>
    %sub3A_1324 = arith.subf %sub3A_1322, %sub3A_1323 : vector<200x15xf32>
    %mul3A_1325 = arith.mulf %sub3A_1314, %sub3A_1314 : vector<200x15xf32>
    %mul3A_1326 = arith.mulf %sub3A_1319, %sub3A_1319 : vector<200x15xf32>
    %add3A_1327 = arith.addf %mul3A_1325, %mul3A_1326 : vector<200x15xf32>
    %mul3A_1328 = arith.mulf %sub3A_1324, %sub3A_1324 : vector<200x15xf32>
    %add3A_1329 = arith.addf %add3A_1327, %mul3A_1328 : vector<200x15xf32>
    %sqrt3A_1330 = math.sqrt %add3A_1329 : vector<200x15xf32>
    %mul3A_1331 = arith.constant 5.000000e-01 : f32
    %mul3A_1332 = vector.broadcast %mul3A_1331 : f32 to vector<200x15xf32>
    %mul3A_1333 = arith.mulf %sqrt3A_1330, %mul3A_1332 : vector<200x15xf32>
    %sub3A_1334 = arith.constant 1.000000e+00 : f32
    %sub3A_1335 = vector.broadcast %sub3A_1334 : f32 to vector<200x15xf32>
    %sub3A_1336 = arith.subf %sub3A_1335, %mul3A_1333 : vector<200x15xf32>
    %max3A_1337 = arith.constant 0.000000e+00 : f32
    %max3A_1338 = vector.broadcast %max3A_1337 : f32 to vector<200x15xf32>
    %max3A_1339 = arith.maximumf %sub3A_1336, %max3A_1338 : vector<200x15xf32>
    %dot_general3A_1340 = arith.constant dense<0.000000e+00> : vector<200x480xf32>
    %dot_general3A_1341 = tpu.matmul %max3A_1339, %get3A_57, %dot_general3A_1340 {dimension_numbers = #tpu.dot_dimension_numbers<[1], [0], [0], [1], [0, 0, 1, 1], [], []>, transpose_lhs_hint = false} : vector<200x15xf32>, vector<15x480xf32>, vector<200x480xf32> -> vector<200x480xf32>
    %dot_general3A_1342 = arith.constant dense<0.000000e+00> : vector<200x480xf32>
    %dot_general3A_1343 = tpu.matmul %slice3A_1307, %get3A_60, %dot_general3A_1342 {dimension_numbers = #tpu.dot_dimension_numbers<[1], [0], [0], [1], [0, 0, 1, 1], [], []>, transpose_lhs_hint = false} : vector<200x32xf32>, vector<32x480xf32>, vector<200x480xf32> -> vector<200x480xf32>
    %mul3A_1344 = arith.mulf %dot_general3A_1341, %dot_general3A_1343 : vector<200x480xf32>
    %add3A_1345 = arith.addf %add3A_1302, %mul3A_1344 : vector<200x480xf32>
    %slice3A_1346 = vector.extract_strided_slice %squeeze3A_1306 {offsets = [0, 35], sizes = [200, 1], strides = [1, 1]} : vector<200x48xf32> to vector<200x1xf32>
    %add3A_1347 = arith.addf %add3A_1304, %slice3A_1346 : vector<200x1xf32>
    %slice3A_1348 = vector.extract_strided_slice %get3A_48 {offsets = [30, 0, 0], sizes = [1, 200, 48], strides = [1, 1, 1]} : vector<32x200x48xf32> to vector<1x200x48xf32>
    %squeeze3A_1349 = vector.shape_cast %slice3A_1348 : vector<1x200x48xf32> to vector<200x48xf32>
    %slice3A_1350 = vector.extract_strided_slice %squeeze3A_1349 {offsets = [0, 0], sizes = [200, 32], strides = [1, 1]} : vector<200x48xf32> to vector<200x32xf32>
    %slice3A_1351 = vector.extract_strided_slice %squeeze3A_1349 {offsets = [0, 32], sizes = [200, 3], strides = [1, 1]} : vector<200x48xf32> to vector<200x3xf32>
    %sub3A_1352 = arith.subf %slice3A_1351, %get3A_51 : vector<200x3xf32>
    %slice3A_1353 = vector.extract_strided_slice %sub3A_1352 {offsets = [0, 0], sizes = [200, 1], strides = [1, 1]} : vector<200x3xf32> to vector<200x1xf32>
    %slice3A_1354 = vector.extract_strided_slice %get3A_54 {offsets = [0, 0], sizes = [1, 15], strides = [1, 1]} : vector<3x15xf32> to vector<1x15xf32>
    %sub3A_1355 = vector.broadcast %slice3A_1353 : vector<200x1xf32> to vector<200x15xf32>
    %sub3A_1356 = vector.broadcast %slice3A_1354 : vector<1x15xf32> to vector<200x15xf32>
    %sub3A_1357 = arith.subf %sub3A_1355, %sub3A_1356 : vector<200x15xf32>
    %slice3A_1358 = vector.extract_strided_slice %sub3A_1352 {offsets = [0, 1], sizes = [200, 1], strides = [1, 1]} : vector<200x3xf32> to vector<200x1xf32>
    %slice3A_1359 = vector.extract_strided_slice %get3A_54 {offsets = [1, 0], sizes = [1, 15], strides = [1, 1]} : vector<3x15xf32> to vector<1x15xf32>
    %sub3A_1360 = vector.broadcast %slice3A_1358 : vector<200x1xf32> to vector<200x15xf32>
    %sub3A_1361 = vector.broadcast %slice3A_1359 : vector<1x15xf32> to vector<200x15xf32>
    %sub3A_1362 = arith.subf %sub3A_1360, %sub3A_1361 : vector<200x15xf32>
    %slice3A_1363 = vector.extract_strided_slice %sub3A_1352 {offsets = [0, 2], sizes = [200, 1], strides = [1, 1]} : vector<200x3xf32> to vector<200x1xf32>
    %slice3A_1364 = vector.extract_strided_slice %get3A_54 {offsets = [2, 0], sizes = [1, 15], strides = [1, 1]} : vector<3x15xf32> to vector<1x15xf32>
    %sub3A_1365 = vector.broadcast %slice3A_1363 : vector<200x1xf32> to vector<200x15xf32>
    %sub3A_1366 = vector.broadcast %slice3A_1364 : vector<1x15xf32> to vector<200x15xf32>
    %sub3A_1367 = arith.subf %sub3A_1365, %sub3A_1366 : vector<200x15xf32>
    %mul3A_1368 = arith.mulf %sub3A_1357, %sub3A_1357 : vector<200x15xf32>
    %mul3A_1369 = arith.mulf %sub3A_1362, %sub3A_1362 : vector<200x15xf32>
    %add3A_1370 = arith.addf %mul3A_1368, %mul3A_1369 : vector<200x15xf32>
    %mul3A_1371 = arith.mulf %sub3A_1367, %sub3A_1367 : vector<200x15xf32>
    %add3A_1372 = arith.addf %add3A_1370, %mul3A_1371 : vector<200x15xf32>
    %sqrt3A_1373 = math.sqrt %add3A_1372 : vector<200x15xf32>
    %mul3A_1374 = arith.constant 5.000000e-01 : f32
    %mul3A_1375 = vector.broadcast %mul3A_1374 : f32 to vector<200x15xf32>
    %mul3A_1376 = arith.mulf %sqrt3A_1373, %mul3A_1375 : vector<200x15xf32>
    %sub3A_1377 = arith.constant 1.000000e+00 : f32
    %sub3A_1378 = vector.broadcast %sub3A_1377 : f32 to vector<200x15xf32>
    %sub3A_1379 = arith.subf %sub3A_1378, %mul3A_1376 : vector<200x15xf32>
    %max3A_1380 = arith.constant 0.000000e+00 : f32
    %max3A_1381 = vector.broadcast %max3A_1380 : f32 to vector<200x15xf32>
    %max3A_1382 = arith.maximumf %sub3A_1379, %max3A_1381 : vector<200x15xf32>
    %dot_general3A_1383 = arith.constant dense<0.000000e+00> : vector<200x480xf32>
    %dot_general3A_1384 = tpu.matmul %max3A_1382, %get3A_57, %dot_general3A_1383 {dimension_numbers = #tpu.dot_dimension_numbers<[1], [0], [0], [1], [0, 0, 1, 1], [], []>, transpose_lhs_hint = false} : vector<200x15xf32>, vector<15x480xf32>, vector<200x480xf32> -> vector<200x480xf32>
    %dot_general3A_1385 = arith.constant dense<0.000000e+00> : vector<200x480xf32>
    %dot_general3A_1386 = tpu.matmul %slice3A_1350, %get3A_60, %dot_general3A_1385 {dimension_numbers = #tpu.dot_dimension_numbers<[1], [0], [0], [1], [0, 0, 1, 1], [], []>, transpose_lhs_hint = false} : vector<200x32xf32>, vector<32x480xf32>, vector<200x480xf32> -> vector<200x480xf32>
    %mul3A_1387 = arith.mulf %dot_general3A_1384, %dot_general3A_1386 : vector<200x480xf32>
    %add3A_1388 = arith.addf %add3A_1345, %mul3A_1387 : vector<200x480xf32>
    %slice3A_1389 = vector.extract_strided_slice %squeeze3A_1349 {offsets = [0, 35], sizes = [200, 1], strides = [1, 1]} : vector<200x48xf32> to vector<200x1xf32>
    %add3A_1390 = arith.addf %add3A_1347, %slice3A_1389 : vector<200x1xf32>
    %slice3A_1391 = vector.extract_strided_slice %get3A_48 {offsets = [31, 0, 0], sizes = [1, 200, 48], strides = [1, 1, 1]} : vector<32x200x48xf32> to vector<1x200x48xf32>
    %squeeze3A_1392 = vector.shape_cast %slice3A_1391 : vector<1x200x48xf32> to vector<200x48xf32>
    %slice3A_1393 = vector.extract_strided_slice %squeeze3A_1392 {offsets = [0, 0], sizes = [200, 32], strides = [1, 1]} : vector<200x48xf32> to vector<200x32xf32>
    %slice3A_1394 = vector.extract_strided_slice %squeeze3A_1392 {offsets = [0, 32], sizes = [200, 3], strides = [1, 1]} : vector<200x48xf32> to vector<200x3xf32>
    %sub3A_1395 = arith.subf %slice3A_1394, %get3A_51 : vector<200x3xf32>
    %slice3A_1396 = vector.extract_strided_slice %sub3A_1395 {offsets = [0, 0], sizes = [200, 1], strides = [1, 1]} : vector<200x3xf32> to vector<200x1xf32>
    %slice3A_1397 = vector.extract_strided_slice %get3A_54 {offsets = [0, 0], sizes = [1, 15], strides = [1, 1]} : vector<3x15xf32> to vector<1x15xf32>
    %sub3A_1398 = vector.broadcast %slice3A_1396 : vector<200x1xf32> to vector<200x15xf32>
    %sub3A_1399 = vector.broadcast %slice3A_1397 : vector<1x15xf32> to vector<200x15xf32>
    %sub3A_1400 = arith.subf %sub3A_1398, %sub3A_1399 : vector<200x15xf32>
    %slice3A_1401 = vector.extract_strided_slice %sub3A_1395 {offsets = [0, 1], sizes = [200, 1], strides = [1, 1]} : vector<200x3xf32> to vector<200x1xf32>
    %slice3A_1402 = vector.extract_strided_slice %get3A_54 {offsets = [1, 0], sizes = [1, 15], strides = [1, 1]} : vector<3x15xf32> to vector<1x15xf32>
    %sub3A_1403 = vector.broadcast %slice3A_1401 : vector<200x1xf32> to vector<200x15xf32>
    %sub3A_1404 = vector.broadcast %slice3A_1402 : vector<1x15xf32> to vector<200x15xf32>
    %sub3A_1405 = arith.subf %sub3A_1403, %sub3A_1404 : vector<200x15xf32>
    %slice3A_1406 = vector.extract_strided_slice %sub3A_1395 {offsets = [0, 2], sizes = [200, 1], strides = [1, 1]} : vector<200x3xf32> to vector<200x1xf32>
    %slice3A_1407 = vector.extract_strided_slice %get3A_54 {offsets = [2, 0], sizes = [1, 15], strides = [1, 1]} : vector<3x15xf32> to vector<1x15xf32>
    %sub3A_1408 = vector.broadcast %slice3A_1406 : vector<200x1xf32> to vector<200x15xf32>
    %sub3A_1409 = vector.broadcast %slice3A_1407 : vector<1x15xf32> to vector<200x15xf32>
    %sub3A_1410 = arith.subf %sub3A_1408, %sub3A_1409 : vector<200x15xf32>
    %mul3A_1411 = arith.mulf %sub3A_1400, %sub3A_1400 : vector<200x15xf32>
    %mul3A_1412 = arith.mulf %sub3A_1405, %sub3A_1405 : vector<200x15xf32>
    %add3A_1413 = arith.addf %mul3A_1411, %mul3A_1412 : vector<200x15xf32>
    %mul3A_1414 = arith.mulf %sub3A_1410, %sub3A_1410 : vector<200x15xf32>
    %add3A_1415 = arith.addf %add3A_1413, %mul3A_1414 : vector<200x15xf32>
    %sqrt3A_1416 = math.sqrt %add3A_1415 : vector<200x15xf32>
    %mul3A_1417 = arith.constant 5.000000e-01 : f32
    %mul3A_1418 = vector.broadcast %mul3A_1417 : f32 to vector<200x15xf32>
    %mul3A_1419 = arith.mulf %sqrt3A_1416, %mul3A_1418 : vector<200x15xf32>
    %sub3A_1420 = arith.constant 1.000000e+00 : f32
    %sub3A_1421 = vector.broadcast %sub3A_1420 : f32 to vector<200x15xf32>
    %sub3A_1422 = arith.subf %sub3A_1421, %mul3A_1419 : vector<200x15xf32>
    %max3A_1423 = arith.constant 0.000000e+00 : f32
    %max3A_1424 = vector.broadcast %max3A_1423 : f32 to vector<200x15xf32>
    %max3A_1425 = arith.maximumf %sub3A_1422, %max3A_1424 : vector<200x15xf32>
    %dot_general3A_1426 = arith.constant dense<0.000000e+00> : vector<200x480xf32>
    %dot_general3A_1427 = tpu.matmul %max3A_1425, %get3A_57, %dot_general3A_1426 {dimension_numbers = #tpu.dot_dimension_numbers<[1], [0], [0], [1], [0, 0, 1, 1], [], []>, transpose_lhs_hint = false} : vector<200x15xf32>, vector<15x480xf32>, vector<200x480xf32> -> vector<200x480xf32>
    %dot_general3A_1428 = arith.constant dense<0.000000e+00> : vector<200x480xf32>
    %dot_general3A_1429 = tpu.matmul %slice3A_1393, %get3A_60, %dot_general3A_1428 {dimension_numbers = #tpu.dot_dimension_numbers<[1], [0], [0], [1], [0, 0, 1, 1], [], []>, transpose_lhs_hint = false} : vector<200x32xf32>, vector<32x480xf32>, vector<200x480xf32> -> vector<200x480xf32>
    %mul3A_1430 = arith.mulf %dot_general3A_1427, %dot_general3A_1429 : vector<200x480xf32>
    %add3A_1431 = arith.addf %add3A_1388, %mul3A_1430 : vector<200x480xf32>
    %slice3A_1432 = vector.extract_strided_slice %squeeze3A_1392 {offsets = [0, 35], sizes = [200, 1], strides = [1, 1]} : vector<200x48xf32> to vector<200x1xf32>
    %add3A_1433 = arith.addf %add3A_1390, %slice3A_1432 : vector<200x1xf32>
    %get3A_1434 = arith.constant 0 : index
    %get3A_1435 = arith.constant 0 : index
    %get3A_1436 = vector.load %arg5[%get3A_1434, %get3A_1435] : memref<480x32xf32, #tpu.memory_space<vmem>>, vector<480x32xf32>
    %dot_general3A_1437 = arith.constant dense<0.000000e+00> : vector<200x32xf32>
    %dot_general3A_1438 = tpu.matmul %add3A_1431, %get3A_1436, %dot_general3A_1437 {dimension_numbers = #tpu.dot_dimension_numbers<[1], [0], [0], [1], [0, 0, 1, 1], [], []>, transpose_lhs_hint = false} : vector<200x480xf32>, vector<480x32xf32>, vector<200x32xf32> -> vector<200x32xf32>
    %max3A_1439 = arith.constant 1.000000e+00 : f32
    %max3A_1440 = vector.broadcast %max3A_1439 : f32 to vector<200x1xf32>
    %max3A_1441 = arith.maximumf %add3A_1433, %max3A_1440 : vector<200x1xf32>
    %div3A = vector.broadcast %max3A_1441 : vector<200x1xf32> to vector<200x32xf32>
    %div3A_1442 = arith.divf %dot_general3A_1438, %div3A : vector<200x32xf32>
    %swap3A = arith.constant 0 : index
    %swap3A_1443 = arith.constant 0 : index
    %swap3A_1444 = vector.load %arg7[%swap3A, %swap3A_1443] : memref<200x32xf32, #tpu.memory_space<vmem>>, vector<200x32xf32>
    tpu.vector_store %arg7[%swap3A, %swap3A_1443], %div3A_1442 {strides = array<i32>} : memref<200x32xf32, #tpu.memory_space<vmem>>, vector<200x32xf32>,
    return
  }
  func.func @transform_0(%arg0: i32) -> (i32, i32) {
    %c0_i32 = arith.constant 0 : i32
    %c0_i32_0 = arith.constant 0 : i32
    return %arg0, %c0_i32 : i32, i32
  }
  func.func @transform_1(%arg0: i32) -> (i32, i32) {
    %c0_i32 = arith.constant 0 : i32
    %c0_i32_0 = arith.constant 0 : i32
    %c0_i32_1 = arith.constant 0 : i32
    return %c0_i32, %c0_i32_0 : i32, i32
  }
  func.func @transform_2(%arg0: i32) -> (i32, i32) {
    %c0_i32 = arith.constant 0 : i32
    %c0_i32_0 = arith.constant 0 : i32
    %c0_i32_1 = arith.constant 0 : i32
    return %c0_i32, %c0_i32_0 : i32, i32
  }
  func.func @transform_3(%arg0: i32) -> (i32, i32) {
    %c0_i32 = arith.constant 0 : i32
    %c0_i32_0 = arith.constant 0 : i32
    %c0_i32_1 = arith.constant 0 : i32
    return %c0_i32, %c0_i32_0 : i32, i32
  }
  func.func @transform_4(%arg0: i32) -> (i32, i32) {
    %c0_i32 = arith.constant 0 : i32
    %c0_i32_0 = arith.constant 0 : i32
    %c0_i32_1 = arith.constant 0 : i32
    return %c0_i32, %c0_i32_0 : i32, i32
  }
  func.func @transform_6(%arg0: i32) -> (i32, i32) {
    %c0_i32 = arith.constant 0 : i32
    %c0_i32_0 = arith.constant 0 : i32
    return %arg0, %c0_i32 : i32, i32
  }
}

module attributes {stable_mosaic.version = 14 : i64} {
  func.func @_tail_body(%arg0: memref<10000x32xf32, #tpu.memory_space<vmem>>, %arg1: memref<10000x128xf32, #tpu.memory_space<vmem>>, %arg2: memref<32x128xf32, #tpu.memory_space<vmem>>, %arg3: memref<1x32xf32, #tpu.memory_space<vmem>>, %arg4: memref<1x32xf32, #tpu.memory_space<vmem>>, %arg5: memref<1x128xf32, #tpu.memory_space<vmem>>, %arg6: memref<1x128xf32, #tpu.memory_space<vmem>>, %arg7: memref<10000x128xf32, #tpu.memory_space<vmem>>) attributes {dimension_semantics = [], scalar_prefetch = 0 : i64, scratch_operands = 0 : i64, tpu.core_type = #tpu.core_type<tc>} {
    %get3A = arith.constant 0 : index
    %get3A_0 = arith.constant 0 : index
    %get3A_1 = vector.load %arg0[%get3A, %get3A_0] : memref<10000x32xf32, #tpu.memory_space<vmem>>, vector<10000x32xf32>
    %get3A_2 = arith.constant 0 : index
    %get3A_3 = arith.constant 0 : index
    %get3A_4 = vector.load %arg3[%get3A_2, %get3A_3] : memref<1x32xf32, #tpu.memory_space<vmem>>, vector<1x32xf32>
    %get3A_5 = arith.constant 0 : index
    %get3A_6 = arith.constant 0 : index
    %get3A_7 = vector.load %arg4[%get3A_5, %get3A_6] : memref<1x32xf32, #tpu.memory_space<vmem>>, vector<1x32xf32>
    %iota3A = tpu.iota {dimensions = array<i32: 0>} : vector<32x8xi32>
    %jit3A = arith.constant 4 : i32
    %div3A = vector.broadcast %jit3A : i32 to vector<32x8xi32>
    %div3A_8 = arith.divsi %iota3A, %div3A : vector<32x8xi32>
    %sign3A = arith.constant 0 : i32
    %sign3A_9 = vector.broadcast %sign3A : i32 to vector<32x8xi32>
    %sign3A_10 = arith.cmpi sgt, %iota3A, %sign3A_9 : vector<32x8xi32>
    %sign3A_11 = arith.extui %sign3A_10 : vector<32x8xi1> to vector<32x8xi32>
    %sign3A_12 = arith.constant 0 : i32
    %sign3A_13 = vector.broadcast %sign3A_12 : i32 to vector<32x8xi32>
    %sign3A_14 = arith.cmpi slt, %iota3A, %sign3A_13 : vector<32x8xi32>
    %sign3A_15 = arith.extui %sign3A_14 : vector<32x8xi1> to vector<32x8xi32>
    %sign3A_16 = arith.subi %sign3A_11, %sign3A_15 : vector<32x8xi32>
    %sign3A_17 = arith.constant 0 : i32
    %sign3A_18 = arith.cmpi sgt, %jit3A, %sign3A_17 : i32
    %sign3A_19 = arith.extui %sign3A_18 : i1 to i32
    %sign3A_20 = arith.constant 0 : i32
    %sign3A_21 = arith.cmpi slt, %jit3A, %sign3A_20 : i32
    %sign3A_22 = arith.extui %sign3A_21 : i1 to i32
    %sign3A_23 = arith.subi %sign3A_19, %sign3A_22 : i32
    %ne3A = vector.broadcast %sign3A_23 : i32 to vector<32x8xi32>
    %ne3A_24 = arith.cmpi ne, %sign3A_16, %ne3A : vector<32x8xi32>
    %rem3A = vector.broadcast %jit3A : i32 to vector<32x8xi32>
    %rem3A_25 = arith.remsi %iota3A, %rem3A : vector<32x8xi32>
    %ne3A_26 = arith.constant 0 : i32
    %ne3A_27 = vector.broadcast %ne3A_26 : i32 to vector<32x8xi32>
    %ne3A_28 = arith.cmpi ne, %rem3A_25, %ne3A_27 : vector<32x8xi32>
    %and3A = arith.andi %ne3A_24, %ne3A_28 : vector<32x8xi1>
    %sub3A = arith.constant 1 : i32
    %sub3A_29 = vector.broadcast %sub3A : i32 to vector<32x8xi32>
    %sub3A_30 = arith.subi %div3A_8, %sub3A_29 : vector<32x8xi32>
    %select_n3A = arith.select %and3A, %sub3A_30, %div3A_8 : vector<32x8xi1>, vector<32x8xi32>
    %iota3A_31 = tpu.iota {dimensions = array<i32: 1>} : vector<32x8xi32>
    %eq3A = arith.cmpi eq, %select_n3A, %iota3A_31 : vector<32x8xi32>
    %convert_element_type3A = arith.extui %eq3A : vector<32x8xi1> to vector<32x8xi32>
    %convert_element_type3A_32 = arith.sitofp %convert_element_type3A : vector<32x8xi32> to vector<32x8xf32>
    %reduce_sum3A = arith.constant dense<0.000000e+00> : vector<32xf32>
    %reduce_sum3A_33 = vector.multi_reduction <add>, %get3A_1, %reduce_sum3A [0] : vector<10000x32xf32> to vector<32xf32>
    %broadcast_in_dim3A = vector.shape_cast %reduce_sum3A_33 : vector<32xf32> to vector<1x32xf32>
    %mul3A = arith.mulf %get3A_1, %get3A_1 : vector<10000x32xf32>
    %reduce_sum3A_34 = arith.constant dense<0.000000e+00> : vector<32xf32>
    %reduce_sum3A_35 = vector.multi_reduction <add>, %mul3A, %reduce_sum3A_34 [0] : vector<10000x32xf32> to vector<32xf32>
    %broadcast_in_dim3A_36 = vector.shape_cast %reduce_sum3A_35 : vector<32xf32> to vector<1x32xf32>
    %dot_general3A = arith.constant dense<0.000000e+00> : vector<1x8xf32>
    %dot_general3A_37 = tpu.matmul %broadcast_in_dim3A, %convert_element_type3A_32, %dot_general3A {dimension_numbers = #tpu.dot_dimension_numbers<[1], [0], [0], [1], [0, 0, 1, 1], [], []>, transpose_lhs_hint = false} : vector<1x32xf32>, vector<32x8xf32>, vector<1x8xf32> -> vector<1x8xf32>
    %div3A_38 = arith.constant 4.000000e+04 : f32
    %div3A_39 = vector.broadcast %div3A_38 : f32 to vector<1x8xf32>
    %div3A_40 = arith.divf %dot_general3A_37, %div3A_39 : vector<1x8xf32>
    %dot_general3A_41 = arith.constant dense<0.000000e+00> : vector<1x8xf32>
    %dot_general3A_42 = tpu.matmul %broadcast_in_dim3A_36, %convert_element_type3A_32, %dot_general3A_41 {dimension_numbers = #tpu.dot_dimension_numbers<[1], [0], [0], [1], [0, 0, 1, 1], [], []>, transpose_lhs_hint = false} : vector<1x32xf32>, vector<32x8xf32>, vector<1x8xf32> -> vector<1x8xf32>
    %div3A_43 = arith.constant 4.000000e+04 : f32
    %div3A_44 = vector.broadcast %div3A_43 : f32 to vector<1x8xf32>
    %div3A_45 = arith.divf %dot_general3A_42, %div3A_44 : vector<1x8xf32>
    %mul3A_46 = arith.mulf %div3A_40, %div3A_40 : vector<1x8xf32>
    %sub3A_47 = arith.subf %div3A_45, %mul3A_46 : vector<1x8xf32>
    %add3A = arith.constant 9.99999974E-6 : f32
    %add3A_48 = vector.broadcast %add3A : f32 to vector<1x8xf32>
    %add3A_49 = arith.addf %sub3A_47, %add3A_48 : vector<1x8xf32>
    %rsqrt3A = math.rsqrt %add3A_49 : vector<1x8xf32>
    %transpose3A = tpu.transpose %convert_element_type3A_32, [1, 0] : vector<32x8xf32> -> vector<8x32xf32>
    %dot_general3A_50 = arith.constant dense<0.000000e+00> : vector<1x32xf32>
    %dot_general3A_51 = tpu.matmul %div3A_40, %transpose3A, %dot_general3A_50 {dimension_numbers = #tpu.dot_dimension_numbers<[1], [0], [0], [1], [0, 0, 1, 1], [], []>, transpose_lhs_hint = false} : vector<1x8xf32>, vector<8x32xf32>, vector<1x32xf32> -> vector<1x32xf32>
    %transpose3A_52 = tpu.transpose %convert_element_type3A_32, [1, 0] : vector<32x8xf32> -> vector<8x32xf32>
    %dot_general3A_53 = arith.constant dense<0.000000e+00> : vector<1x32xf32>
    %dot_general3A_54 = tpu.matmul %rsqrt3A, %transpose3A_52, %dot_general3A_53 {dimension_numbers = #tpu.dot_dimension_numbers<[1], [0], [0], [1], [0, 0, 1, 1], [], []>, transpose_lhs_hint = false} : vector<1x8xf32>, vector<8x32xf32>, vector<1x32xf32> -> vector<1x32xf32>
    %sub3A_55 = vector.broadcast %dot_general3A_51 : vector<1x32xf32> to vector<10000x32xf32>
    %sub3A_56 = arith.subf %get3A_1, %sub3A_55 : vector<10000x32xf32>
    %mul3A_57 = vector.broadcast %dot_general3A_54 : vector<1x32xf32> to vector<10000x32xf32>
    %mul3A_58 = arith.mulf %sub3A_56, %mul3A_57 : vector<10000x32xf32>
    %mul3A_59 = vector.broadcast %get3A_4 : vector<1x32xf32> to vector<10000x32xf32>
    %mul3A_60 = arith.mulf %mul3A_58, %mul3A_59 : vector<10000x32xf32>
    %add3A_61 = vector.broadcast %get3A_7 : vector<1x32xf32> to vector<10000x32xf32>
    %add3A_62 = arith.addf %mul3A_60, %add3A_61 : vector<10000x32xf32>
    %ge3A = arith.constant 0.000000e+00 : f32
    %ge3A_63 = vector.broadcast %ge3A : f32 to vector<10000x32xf32>
    %ge3A_64 = arith.cmpf oge, %add3A_62, %ge3A_63 : vector<10000x32xf32>
    %mul3A_65 = arith.constant 1.000000e-01 : f32
    %mul3A_66 = vector.broadcast %mul3A_65 : f32 to vector<10000x32xf32>
    %mul3A_67 = arith.mulf %mul3A_66, %add3A_62 : vector<10000x32xf32>
    %select_n3A_68 = arith.select %ge3A_64, %add3A_62, %mul3A_67 : vector<10000x32xi1>, vector<10000x32xf32>
    %get3A_69 = arith.constant 0 : index
    %get3A_70 = arith.constant 0 : index
    %get3A_71 = vector.load %arg2[%get3A_69, %get3A_70] : memref<32x128xf32, #tpu.memory_space<vmem>>, vector<32x128xf32>
    %dot_general3A_72 = arith.constant dense<0.000000e+00> : vector<10000x128xf32>
    %dot_general3A_73 = tpu.matmul %select_n3A_68, %get3A_71, %dot_general3A_72 {dimension_numbers = #tpu.dot_dimension_numbers<[1], [0], [0], [1], [0, 0, 1, 1], [], []>, transpose_lhs_hint = false} : vector<10000x32xf32>, vector<32x128xf32>, vector<10000x128xf32> -> vector<10000x128xf32>
    %get3A_74 = arith.constant 0 : index
    %get3A_75 = arith.constant 0 : index
    %get3A_76 = vector.load %arg5[%get3A_74, %get3A_75] : memref<1x128xf32, #tpu.memory_space<vmem>>, vector<1x128xf32>
    %get3A_77 = arith.constant 0 : index
    %get3A_78 = arith.constant 0 : index
    %get3A_79 = vector.load %arg6[%get3A_77, %get3A_78] : memref<1x128xf32, #tpu.memory_space<vmem>>, vector<1x128xf32>
    %iota3A_80 = tpu.iota {dimensions = array<i32: 0>} : vector<128x8xi32>
    %jit3A_81 = arith.constant 16 : i32
    %div3A_82 = vector.broadcast %jit3A_81 : i32 to vector<128x8xi32>
    %div3A_83 = arith.divsi %iota3A_80, %div3A_82 : vector<128x8xi32>
    %sign3A_84 = arith.constant 0 : i32
    %sign3A_85 = vector.broadcast %sign3A_84 : i32 to vector<128x8xi32>
    %sign3A_86 = arith.cmpi sgt, %iota3A_80, %sign3A_85 : vector<128x8xi32>
    %sign3A_87 = arith.extui %sign3A_86 : vector<128x8xi1> to vector<128x8xi32>
    %sign3A_88 = arith.constant 0 : i32
    %sign3A_89 = vector.broadcast %sign3A_88 : i32 to vector<128x8xi32>
    %sign3A_90 = arith.cmpi slt, %iota3A_80, %sign3A_89 : vector<128x8xi32>
    %sign3A_91 = arith.extui %sign3A_90 : vector<128x8xi1> to vector<128x8xi32>
    %sign3A_92 = arith.subi %sign3A_87, %sign3A_91 : vector<128x8xi32>
    %sign3A_93 = arith.constant 0 : i32
    %sign3A_94 = arith.cmpi sgt, %jit3A_81, %sign3A_93 : i32
    %sign3A_95 = arith.extui %sign3A_94 : i1 to i32
    %sign3A_96 = arith.constant 0 : i32
    %sign3A_97 = arith.cmpi slt, %jit3A_81, %sign3A_96 : i32
    %sign3A_98 = arith.extui %sign3A_97 : i1 to i32
    %sign3A_99 = arith.subi %sign3A_95, %sign3A_98 : i32
    %ne3A_100 = vector.broadcast %sign3A_99 : i32 to vector<128x8xi32>
    %ne3A_101 = arith.cmpi ne, %sign3A_92, %ne3A_100 : vector<128x8xi32>
    %rem3A_102 = vector.broadcast %jit3A_81 : i32 to vector<128x8xi32>
    %rem3A_103 = arith.remsi %iota3A_80, %rem3A_102 : vector<128x8xi32>
    %ne3A_104 = arith.constant 0 : i32
    %ne3A_105 = vector.broadcast %ne3A_104 : i32 to vector<128x8xi32>
    %ne3A_106 = arith.cmpi ne, %rem3A_103, %ne3A_105 : vector<128x8xi32>
    %and3A_107 = arith.andi %ne3A_101, %ne3A_106 : vector<128x8xi1>
    %sub3A_108 = arith.constant 1 : i32
    %sub3A_109 = vector.broadcast %sub3A_108 : i32 to vector<128x8xi32>
    %sub3A_110 = arith.subi %div3A_83, %sub3A_109 : vector<128x8xi32>
    %select_n3A_111 = arith.select %and3A_107, %sub3A_110, %div3A_83 : vector<128x8xi1>, vector<128x8xi32>
    %iota3A_112 = tpu.iota {dimensions = array<i32: 1>} : vector<128x8xi32>
    %eq3A_113 = arith.cmpi eq, %select_n3A_111, %iota3A_112 : vector<128x8xi32>
    %convert_element_type3A_114 = arith.extui %eq3A_113 : vector<128x8xi1> to vector<128x8xi32>
    %convert_element_type3A_115 = arith.sitofp %convert_element_type3A_114 : vector<128x8xi32> to vector<128x8xf32>
    %reduce_sum3A_116 = arith.constant dense<0.000000e+00> : vector<128xf32>
    %reduce_sum3A_117 = vector.multi_reduction <add>, %dot_general3A_73, %reduce_sum3A_116 [0] : vector<10000x128xf32> to vector<128xf32>
    %broadcast_in_dim3A_118 = vector.shape_cast %reduce_sum3A_117 : vector<128xf32> to vector<1x128xf32>
    %mul3A_119 = arith.mulf %dot_general3A_73, %dot_general3A_73 : vector<10000x128xf32>
    %reduce_sum3A_120 = arith.constant dense<0.000000e+00> : vector<128xf32>
    %reduce_sum3A_121 = vector.multi_reduction <add>, %mul3A_119, %reduce_sum3A_120 [0] : vector<10000x128xf32> to vector<128xf32>
    %broadcast_in_dim3A_122 = vector.shape_cast %reduce_sum3A_121 : vector<128xf32> to vector<1x128xf32>
    %dot_general3A_123 = arith.constant dense<0.000000e+00> : vector<1x8xf32>
    %dot_general3A_124 = tpu.matmul %broadcast_in_dim3A_118, %convert_element_type3A_115, %dot_general3A_123 {dimension_numbers = #tpu.dot_dimension_numbers<[1], [0], [0], [1], [0, 0, 1, 1], [], []>, transpose_lhs_hint = false} : vector<1x128xf32>, vector<128x8xf32>, vector<1x8xf32> -> vector<1x8xf32>
    %div3A_125 = arith.constant 1.600000e+05 : f32
    %div3A_126 = vector.broadcast %div3A_125 : f32 to vector<1x8xf32>
    %div3A_127 = arith.divf %dot_general3A_124, %div3A_126 : vector<1x8xf32>
    %dot_general3A_128 = arith.constant dense<0.000000e+00> : vector<1x8xf32>
    %dot_general3A_129 = tpu.matmul %broadcast_in_dim3A_122, %convert_element_type3A_115, %dot_general3A_128 {dimension_numbers = #tpu.dot_dimension_numbers<[1], [0], [0], [1], [0, 0, 1, 1], [], []>, transpose_lhs_hint = false} : vector<1x128xf32>, vector<128x8xf32>, vector<1x8xf32> -> vector<1x8xf32>
    %div3A_130 = arith.constant 1.600000e+05 : f32
    %div3A_131 = vector.broadcast %div3A_130 : f32 to vector<1x8xf32>
    %div3A_132 = arith.divf %dot_general3A_129, %div3A_131 : vector<1x8xf32>
    %mul3A_133 = arith.mulf %div3A_127, %div3A_127 : vector<1x8xf32>
    %sub3A_134 = arith.subf %div3A_132, %mul3A_133 : vector<1x8xf32>
    %add3A_135 = arith.constant 9.99999974E-6 : f32
    %add3A_136 = vector.broadcast %add3A_135 : f32 to vector<1x8xf32>
    %add3A_137 = arith.addf %sub3A_134, %add3A_136 : vector<1x8xf32>
    %rsqrt3A_138 = math.rsqrt %add3A_137 : vector<1x8xf32>
    %transpose3A_139 = tpu.transpose %convert_element_type3A_115, [1, 0] : vector<128x8xf32> -> vector<8x128xf32>
    %dot_general3A_140 = arith.constant dense<0.000000e+00> : vector<1x128xf32>
    %dot_general3A_141 = tpu.matmul %div3A_127, %transpose3A_139, %dot_general3A_140 {dimension_numbers = #tpu.dot_dimension_numbers<[1], [0], [0], [1], [0, 0, 1, 1], [], []>, transpose_lhs_hint = false} : vector<1x8xf32>, vector<8x128xf32>, vector<1x128xf32> -> vector<1x128xf32>
    %transpose3A_142 = tpu.transpose %convert_element_type3A_115, [1, 0] : vector<128x8xf32> -> vector<8x128xf32>
    %dot_general3A_143 = arith.constant dense<0.000000e+00> : vector<1x128xf32>
    %dot_general3A_144 = tpu.matmul %rsqrt3A_138, %transpose3A_142, %dot_general3A_143 {dimension_numbers = #tpu.dot_dimension_numbers<[1], [0], [0], [1], [0, 0, 1, 1], [], []>, transpose_lhs_hint = false} : vector<1x8xf32>, vector<8x128xf32>, vector<1x128xf32> -> vector<1x128xf32>
    %sub3A_145 = vector.broadcast %dot_general3A_141 : vector<1x128xf32> to vector<10000x128xf32>
    %sub3A_146 = arith.subf %dot_general3A_73, %sub3A_145 : vector<10000x128xf32>
    %mul3A_147 = vector.broadcast %dot_general3A_144 : vector<1x128xf32> to vector<10000x128xf32>
    %mul3A_148 = arith.mulf %sub3A_146, %mul3A_147 : vector<10000x128xf32>
    %mul3A_149 = vector.broadcast %get3A_76 : vector<1x128xf32> to vector<10000x128xf32>
    %mul3A_150 = arith.mulf %mul3A_148, %mul3A_149 : vector<10000x128xf32>
    %add3A_151 = vector.broadcast %get3A_79 : vector<1x128xf32> to vector<10000x128xf32>
    %add3A_152 = arith.addf %mul3A_150, %add3A_151 : vector<10000x128xf32>
    %get3A_153 = arith.constant 0 : index
    %get3A_154 = arith.constant 0 : index
    %get3A_155 = vector.load %arg1[%get3A_153, %get3A_154] : memref<10000x128xf32, #tpu.memory_space<vmem>>, vector<10000x128xf32>
    %add3A_156 = arith.addf %add3A_152, %get3A_155 : vector<10000x128xf32>
    %ge3A_157 = arith.constant 0.000000e+00 : f32
    %ge3A_158 = vector.broadcast %ge3A_157 : f32 to vector<10000x128xf32>
    %ge3A_159 = arith.cmpf oge, %add3A_156, %ge3A_158 : vector<10000x128xf32>
    %mul3A_160 = arith.constant 1.000000e-01 : f32
    %mul3A_161 = vector.broadcast %mul3A_160 : f32 to vector<10000x128xf32>
    %mul3A_162 = arith.mulf %mul3A_161, %add3A_156 : vector<10000x128xf32>
    %select_n3A_163 = arith.select %ge3A_159, %add3A_156, %mul3A_162 : vector<10000x128xi1>, vector<10000x128xf32>
    %swap3A = arith.constant 0 : index
    %swap3A_164 = arith.constant 0 : index
    %swap3A_165 = vector.load %arg7[%swap3A, %swap3A_164] : memref<10000x128xf32, #tpu.memory_space<vmem>>, vector<10000x128xf32>
    tpu.vector_store %arg7[%swap3A, %swap3A_164], %select_n3A_163 {strides = array<i32>} : memref<10000x128xf32, #tpu.memory_space<vmem>>, vector<10000x128xf32>,
    return
  }
}

</mosaic_0001>

<sc_bundles>
// kernel: kernel.6.cloned.1.call-start
scs
__scs_entry_jumppad:
0x0: {  	(pc) =	sbr.rel $0x88, $3  }
0x1: {  	(tag) =	ssettag $0x0;
	lr =	simm.s32 $0x1  }
0x2: {  	[smem:$0x3F93] =	sst lr;
	_ =	strace $0xD0000000  }
0x3: {  	_ = 	snop  }
0x4: {  	_ = 	snop  }
0x5: {  	_ = 	snop  }
0x6: {  	_ = 	snop  }
0x7: {  	_ = 	snop  }
__scs_overlays_trampoline_lowered:
0x8: {  	[smem:$0x3FA2] =	sst s0  }
0x9: {  	[smem:$0x3FA3] =	sst s1  }
0xa: {  	[smem:$0x3FA4] =	sst s2  }
0xb: {  	[smem:$0x3FA5] =	sst s3  }
0xc: {  	[smem:$0x3FA6] =	sst s4  }
0xd: {  	[smem:$0x3FA7] =	sst s5  }
0xe: {  	[smem:$0x3FA8] =	sst s6  }
0xf: {  	[smem:$0x3FA9] =	sst s7  }
0x10: {  	[smem:$0x3FAA] =	sst s8  }
0x11: {  	[smem:$0x3FAB] =	sst s9;
	s0 =	simm.s32 @!p0 $0x0  }
0x12: {  	s1 =	sld [smem:$0x3F91];
	s0 =	simm.s32 @p0 $0x1  }
0x13: {  	[smem:$0x3FAC] =	sst s0;
	s0 =	simm.s32 @!p1 $0x0  }
0x14: {  	s2 =	sld [smem:$0x3F90];
	s0 =	simm.s32 @p1 $0x1  }
0x15: {  	[smem:$0x3FAD] =	sst s0;
	s0 =	simm.s32 @!p2 $0x0  }
0x16: {  	s3 =	sld [smem:$0x3FDB];
	s0 =	simm.s32 @p2 $0x1  }
0x17: {  	s4 =	simm.s32 $0x1BF5;
	[smem:$0x3FAF] =	sst s0  }
0x18: {  	s0 =	sld [smem:$0x3F92];
	_ =	swait.ge [sflag:s4], $0x0  }
0x19: {  	s7 =	sld [smem:$0x3F93]  }
0x1a: {  	s8 =	sadd.s32 $0xFFFFE003, lr  }
0x1b: {  	s9 =	sadd.s32 $0xFFFFFEF7, lr;
	s5 =	simm.s32 $0xFFFFFFFF;
	p2 =	slt.u32 s8, $0xFFFFF086  }
0x1c: {  	p1 =	slt.u32 s9, $0xF7A;
	s5 =	simm.s32 @!p2 $0x0  }
0x1d: {  	s5 =	simm.s32 @p1 $0x1;
	p0 =	seq.s32 s7, s2  }
0x1e: {  	s7 =	smul.u32 @!p0 $0xF7A, s2;
	p2 =	seq.s32 @!p0 s5, $0x0  }
0x1f: {  	s9 =	smul.u32 $0xF7A, s1;
	s8 =	simm.s32 @!p0 $0x1BF5;
	p2 =	por !p2, p0  }
0x20: {  	[sflag:s8] =	ssyncset.s32 @!p0 $0xFFFFF086;
	s6 =	sadd.s32 @!p0 s3, s7;
	s7 =	simm.s32 @!p0 $0x108  }
0x21: {  	s3 =	sadd.s32 s3, s9;
	s6 =	sadd.s32 @!p0 $0x88, s6;
	s7 =	simm.s32 @p2 $0x1082  }
0x22: {  	[simem:s7], [sflag:s8] =	dma.local @!p0 [hbm:s6], $0xF7A  }
0x23: {  	s9 =	sor.u32 $0xD0000000, s2;
	s6 =	simm.s32 $0x108;
	_ =	swait.ge @!p0 [sflag:s8], $0x0  }
0x24: {  	s3 =	sadd.s32 $0x88, s3;
	s6 =	simm.s32 @!p1 $0x1082;
	[sflag:s4] =	ssyncset.s32 $0xFFFFF086  }
0x25: {  	[simem:s6], [sflag:s4] =	dma.local [hbm:s3], $0xF7A  }
0x26: {  	[smem:$0x3F93] =	sst s1;
	(tag) =	ssettag s2;
	_ =	strace s9  }
0x27: {  	s1 =	sld [smem:$0x3FA3]  }
0x28: {  	s2 =	sld [smem:$0x3FA4]  }
0x29: {  	s4 =	sld [smem:$0x3FA6]  }
0x2a: {  	p0 =	seq.s32 s5, $0x0;
	s5 =	sld [smem:$0x3FA7]  }
0x2b: {  	s6 =	sld [smem:$0x3FA8]  }
0x2c: {  	s7 =	sld [smem:$0x3FA9]  }
0x2d: {  	s3 =	simm.s32 $0x108;
	s8 =	sld [smem:$0x3FAA]  }
0x2e: {  	s3 =	simm.s32 @!p0 $0x1082;
	s9 =	sld [smem:$0x3FAB]  }
0x2f: {  	lr =	sadd.s32 s0, s3;
	s0 =	sld [smem:$0x3FA2]  }
0x30: {  	s3 =	sld [smem:$0x3FA5]  }
0x31: {  	[smem:$0x3FAE] =	sst s10  }
0x32: {  	s10 =	sld [smem:$0x3FAC];
	_ =	sdelay $0x3  }
0x33: {  	p0 =	seq.s32 s10, $0x1;
	s10 =	sld [smem:$0x3FAE];
	_ =	sdelay $0x3  }
0x34: {  	[smem:$0x3FAE] =	sst s10  }
0x35: {  	s10 =	sld [smem:$0x3FAD];
	_ =	sdelay $0x3  }
0x36: {  	p1 =	seq.s32 s10, $0x1;
	s10 =	sld [smem:$0x3FAE];
	_ =	sdelay $0x3  }
0x37: {  	[smem:$0x3FAE] =	sst s10  }
0x38: {  	s10 =	sld [smem:$0x3FAF]  }
0x39: {  	_ = 	snop;
	(pc) =	sbr.ind lr, $3  }
0x3a: {  	_ = 	snop  }
0x3b: {  	_ = 	snop  }
0x3c: {  	p2 =	seq.s32 s10, $0x1;
	s10 =	sld [smem:$0x3FAE]  }
0x3d: {  	_ =	shalt  }
0x3e: {  	_ =	shalt  }
0x3f: {  	_ =	shalt  }
0x40: {  	_ =	shalt  }
0x41: {  	_ =	shalt  }
0x42: {  	_ =	shalt  }
0x43: {  	_ =	shalt  }
0x44: {  	_ =	shalt  }
0x45: {  	_ =	shalt  }
0x46: {  	_ =	shalt  }
0x47: {  	_ =	shalt  }
0x48: {  	_ =	shalt  }
0x49: {  	_ =	shalt  }
0x4a: {  	_ =	shalt  }
0x4b: {  	_ =	shalt  }
0x4c: {  	_ =	shalt  }
0x4d: {  	_ =	shalt  }
0x4e: {  	_ =	shalt  }
0x4f: {  	_ =	shalt  }
0x50: {  	_ =	shalt  }
0x51: {  	_ =	shalt  }
0x52: {  	_ =	shalt  }
0x53: {  	_ =	shalt  }
0x54: {  	_ =	shalt  }
0x55: {  	_ =	shalt  }
0x56: {  	_ =	shalt  }
0x57: {  	_ =	shalt  }
0x58: {  	_ =	shalt  }
0x59: {  	_ =	shalt  }
0x5a: {  	_ =	shalt  }
0x5b: {  	_ =	shalt  }
0x5c: {  	_ =	shalt  }
0x5d: {  	_ =	shalt  }
0x5e: {  	_ =	shalt  }
0x5f: {  	_ =	shalt  }
0x60: {  	_ =	shalt  }
0x61: {  	_ =	shalt  }
0x62: {  	_ =	shalt  }
0x63: {  	_ =	shalt  }
0x64: {  	_ =	shalt  }
0x65: {  	_ =	shalt  }
0x66: {  	_ =	shalt  }
0x67: {  	_ =	shalt  }
0x68: {  	_ =	shalt  }
0x69: {  	_ =	shalt  }
0x6a: {  	_ =	shalt  }
0x6b: {  	_ =	shalt  }
0x6c: {  	_ =	shalt  }
0x6d: {  	_ =	shalt  }
0x6e: {  	_ =	shalt  }
0x6f: {  	_ =	shalt  }
0x70: {  	_ =	shalt  }
0x71: {  	_ =	shalt  }
0x72: {  	_ =	shalt  }
0x73: {  	_ =	shalt  }
0x74: {  	_ =	shalt  }
0x75: {  	_ =	shalt  }
0x76: {  	_ =	shalt  }
0x77: {  	_ =	shalt  }
0x78: {  	_ =	shalt  }
0x79: {  	_ =	shalt  }
0x7a: {  	_ =	shalt  }
0x7b: {  	_ =	shalt  }
0x7c: {  	_ =	shalt  }
0x7d: {  	_ =	shalt  }
0x7e: {  	_ =	shalt  }
0x7f: {  	_ =	shalt  }
0x80: {  	_ =	shalt  }
0x81: {  	_ =	shalt  }
0x82: {  	_ =	shalt  }
0x83: {  	_ =	shalt  }
0x84: {  	_ =	shalt  }
0x85: {  	_ =	shalt  }
0x86: {  	_ =	shalt  }
0x87: {  	_ =	shalt  }
.Lfunc_end0:
.L_simem_size_0:
called_computation_lowered:
.L_overlay_start_0:
0x88: {  	s2 =	sld [smem:$0x3FD9]  }
0x89: {  	s3 =	sld [smem:$0x3FFE];
	_ =	sdelay $0x1  }
0x8a: {  	s1 =	srdreg.scid  }
0x8b: {  	s0 =	sand.u32 $0x1, s1  }
0x8c: {  	s17 =	sshll.u32 s0, $0xA;
	s2 =	sadd.s32 s3, s2  }
0x8d: {  	s2 =	sadd.s32 s2, s17  }
0x8e: {  	[smem:$0x3FBA] =	sst s2  }
0x8f: {  	_ = 	snop  }
0x90: {  	s2 =	sld [smem:$0x3FD0];
	(tm) =	ssettm $0x1  }
0x91: {  	s18 =	sld [smem:$0x3FFB];
	_ =	sdelay $0x3  }
0x92: {  	_ =	strace s18  }
0x93: {  	s3 =	sld [smem:$0x3FFC];
	_ =	sdelay $0x3  }
0x94: {  	_ =	strace s3  }
0x95: {  	s3 =	sld [smem:$0x3FFD];
	_ =	sdelay $0x3  }
0x96: {  	_ =	strace s3  }
0x97: {  	_ =	strace $0x8FFFFFFF  }
0x98: {  	s19 =	sld [smem:$0x3FDB];
	_ =	sdelay $0x1  }
0x99: {  	s4 =	simm.s32 $_scs_section_size  }
0x9a: {  	s5 =	simm.s32 $_size__tile_overlayer_lowered;
	s6 =	simm.s32 $_tile_overlayer_lowered  }
0x9b: {  	s22 =	simm.s32 $0x1BFF;
	s21 =	sshll.u32 s6, $0x1;
	s3 =	sadd.s32 s4, s19  }
0x9c: {  	s7 =	simm.s32 $0x0;
	s20 =	sshll.u32 s5, $0x1;
	s5 =	sadd.s32 s21, s3  }
0x9d: {  	[timem:s7], [sflag:s22] =	dma.local [hbm:s5], s20  }
0x9e: {  	_ =	swait.ge [sflag:s22], s20  }
0x9f: {  	s4 =	ssub.s32 $0x0, s20;
	[sflag:s22] =	ssyncset.done $0x0  }
0xa0: {  	[sflag:s22] =	ssyncadd.s32 s4;
	_ =	sdelay $0x1  }
0xa1: {  	s23 =	simm.s32 $0x1B8B  }
0xa2: {  	_ =	swait.ge [sflag:s23], $0x1  }
0xa3: {  	[sflag:s23] =	ssyncset.done $0x0  }
0xa4: {  	s25 =	simm.s32 $0x1B8E;
	s24 =	sld [smem:$0x3FFE];
	[sflag:s23] =	ssyncadd.s32 $0xFFFFFFFF  }
0xa5: {  	s26 =	simm.s32 $execute0_lowered;
	[smem:$0x3FD2] =	sst s25  }
0xa6: {  	s5 =	sshll.u32 s26, $0x1;
	_ =	strace $0x80000046;
	[dreg:$0x1] =	wrdreg $0xFFFFFFFF  }
0xa7: {  	s28 =	simm.s32 $_size_execute0_lowered;
	s3 =	sadd.s32 s3, s5;
	[dreg:$0x0] =	wrdreg $0x0  }
0xa8: {  	s5 =	sshll.u32 s28, $0x1;
	[dreg:$0x2] =	wrdreg s3  }
0xa9: {  	[dreg:$0x3] =	wrdreg s5  }
0xaa: {  	[dreg:$0x4] =	wrdreg $0xC0  }
0xab: {  	_ =	task [dreg:s7], $0x5FFFF  }
0xac: {  	[dreg:$0x1] =	wrdreg $0xFFFFFFFF  }
0xad: {  	[dreg:$0x0] =	wrdreg $0x60  }
0xae: {  	[dreg:$0x2] =	wrdreg s2  }
0xaf: {  	[dreg:$0x3] =	wrdreg s24  }
0xb0: {  	[dreg:$0x4] =	wrdreg $0x9  }
0xb1: {  	_ =	task.clear_ibuf [dreg:s7], $0x5FFFF;
	_ =	strace $0x90000046  }
0xb2: {  	s29 =	simm.s32 $0x9;
	_ =	strace $0x80000048  }
0xb3: {  	_ =	swait.ge [sflag:s29], $0x1  }
0xb4: {  	[sflag:s29] =	ssyncadd.s32 $0xFFFFFFFF  }
0xb5: {  	_ =	strace $0x90000048  }
0xb6: {  	_ =	sfence  }
0xb7: {  	s30 =	sld [smem:$0x0];
	_ =	sdelay $0x2  }
0xb8: {  	s31 =	sshll.u32 s1, $0xD;
	s1 =	sshrl.u32 s1, $0x2  }
0xb9: {  	s3 =	sand.u32 $0x4000, s31;
	s1 =	sadd.s32 s1, s30  }
0xba: {  	s0 =	sor.u32 s3, s0;
	s1 =	sshll.u32 s1, $0x11  }
0xbb: {  	s0 =	sor.u32 s1, s0  }
0xbc: {  	s0 =	sadd.s32 $0x8F2B, s0  }
0xbd: {  	[sflag:s0] =	ssyncadd.remote.s32 $0x1  }
0xbe: {  	_ =	sfence.sel $0xFFFF  }
0xbf: {  	[dreg:$0x0] =	wrdreg $0xFFFFFFFF;
	(pc) =	sbr.abs _section_cstart, $3  }
0xc0: {  	[dreg:$0x1] =	wrdreg $0xFFFFFFFF  }
0xc1: {  	_ =	task.clear_ibuf [dreg:s7], $0x2FFFF;
	_ =	strace $0x9FFFFFFF  }
0xc2: {  	(tm) =	ssettm $0x7FFFFFFF  }
0xc3: {  	_ =	shalt  }
tec
execute0_lowered:
.L_overlay_start_1:
0x0: {  	(tag) =	ssettag $0x1  }
0x1: {  	s1 =	srdreg.scid  }
0x2: {  	s0 =	stileid.u32;
	s2 =	rddreg [dreg:$0x0]  }
0x3: {  	s6 =	rddreg [dreg:$0x1];
	s5 =	smul.u32 $0x4E20, s0  }
0x4: {  	s3 =	simm.s32 $0x0;
	s4 =	sand.u32 $0x1, s1;
	s8 =	smul.u32 $0xEA600, s0  }
0x5: {  	s10 =	simm.s32 $0x0;
	s1 =	rddreg [dreg:$0x2];
	s7 =	smul.u32 $0x2710, s4  }
0x6: {  	[smem:$0x7FF] =	sst s3;
	s9 =	smul.u32 $0x75300, s4;
	s4 =	ssub.s32 $0x2, s4  }
0x7: {  	_ =	strace $0x80000047;
	s29 =	sshrl.u32 s4, $0x1;
	s5 =	sadd.s32 s7, s5  }
0x8: {  	s28 =	sadd.s32 s9, s8;
	s4 =	ssub.s32 s4, s29;
	s8 =	simm.s32 $0x3E8  }
0x9: {  	s9 =	simm.s32 $0x1;
	s5 =	sshrl.u32 s5, $0x3;
	s7 =	sshrl.u32 s28, $0x3  }
0xa: {  	s4 =	smax.u32 s4, $0x1;
	s30 =	sadd.s32 s5, s6;
	s31 =	sadd.s32 s7, s6  }
0xb: {  	s7 =	simm.s32 $0x2;
	s5 =	sadd.s32 $0xC400, s31;
	s6 =	sadd.s32 $0x2600, s30  }
.LBB2_1:
0xc: {  	s11 =	sadd.s32 $0x0, s6  }
0xd: {  	[tilespmem:s3], [sflag:$0x2] =	stream.linear.gather [hbm4b:s11+s3], $0x3E8, $0x38;
	[tilespmem:$0xBF68] =	vst v63  }
0xe: {  	_ =	swait.ge [sflag:s7], $0x3E8  }
0xf: {  	[sflag:s7] =	ssyncset.done $0x0  }
0x10: {  	[sflag:s7] =	ssyncadd.s32 $0xFFFFFC18  }
0x11: {  	[tilespmem:s8], [sflag:$0x1] =	stream.indirect.gather [hbm4b:s2+s8], $0x30, s3, s8, $0xb8;
	[tilespmem:$0xBF68] =	vst v63  }
0x12: {  	_ =	swait.ge [sflag:s9], $0xBB80  }
0x13: {  	[sflag:s9] =	ssyncset.done $0x0  }
0x14: {  	[sflag:s9] =	ssyncadd.s32 $0xFFFF4480  }
0x15: {  	[hbm4b:s5+s3] =	stream.linear.scatter [tilespmem:s8], [sflag:$0x2], $0xBB80, $0x38;
	[tilespmem:$0xBF68] =	vst v63  }
0x16: {  	s12 =	simm.s32 $0x7D;
	_ =	swait.ge [sflag:s7], $0xBB80  }
0x17: {  	s13 =	simm.s32 $0xFA;
	s11 =	sadd.s32 $0x1770, s5;
	[sflag:s7] =	ssyncset.done $0x0  }
.LBB2_2:
0x18: {  	s14 =	sadd.s32 s12, s6  }
0x19: {  	[sflag:s7] =	ssyncadd.s32 $0xFFFF4480;
	s12 =	smov.u32 s13;
	s15 =	sadd.s32 $0x7D, s13  }
0x1a: {  	[tilespmem:s3], [sflag:$0x2] =	stream.linear.gather [hbm4b:s14+s3], $0x3E8, $0x38;
	[tilespmem:$0xBF68] =	vst v63  }
0x1b: {  	p0 =	sne.s32 s13, $0x465;
	_ =	swait.ge [sflag:s7], $0x3E8  }
0x1c: {  	[sflag:s7] =	ssyncset.done $0x0  }
0x1d: {  	[sflag:s7] =	ssyncadd.s32 $0xFFFFFC18  }
0x1e: {  	[tilespmem:s8], [sflag:$0x1] =	stream.indirect.gather [hbm4b:s2+s8], $0x30, s3, s8, $0xb8;
	[tilespmem:$0xBF68] =	vst v63  }
0x1f: {  	_ =	swait.ge [sflag:s9], $0xBB80  }
.Ltmp0:
0x20: {  	[sflag:s9] =	ssyncset.done $0x0;
	(pc) =	sbr.rel @p0 .LBB2_2-.Ltmp0, $4  }
0x21: {  	[sflag:s9] =	ssyncadd.s32 $0xFFFF4480  }
0x22: {  	[hbm4b:s11+s3] =	stream.linear.scatter [tilespmem:s8], [sflag:$0x2], $0xBB80, $0x38;
	[tilespmem:$0xBF68] =	vst v63  }
0x23: {  	_ =	swait.ge [sflag:s7], $0xBB80  }
0x24: {  	s13 =	smov.u32 s15;
	s11 =	sadd.s32 $0x1770, s11;
	[sflag:s7] =	ssyncset.done $0x0  }
0x25: {  	s12 =	sadd.s32 s12, s6;
	[sflag:s7] =	ssyncadd.s32 $0xFFFF4480  }
0x26: {  	[tilespmem:s3], [sflag:$0x2] =	stream.linear.gather [hbm4b:s12+s3], $0x3E8, $0x38;
	[tilespmem:$0xBF68] =	vst v63  }
0x27: {  	_ =	swait.ge [sflag:s7], $0x3E8  }
0x28: {  	[sflag:s7] =	ssyncset.done $0x0  }
0x29: {  	[sflag:s7] =	ssyncadd.s32 $0xFFFFFC18  }
0x2a: {  	[tilespmem:s8], [sflag:$0x1] =	stream.indirect.gather [hbm4b:s2+s8], $0x30, s3, s8, $0xb8;
	[tilespmem:$0xBF68] =	vst v63  }
0x2b: {  	s10 =	sadd.s32 $0x1, s10;
	_ =	swait.ge [sflag:s9], $0xBB80  }
0x2c: {  	p0 =	sne.s32 s10, s4;
	[sflag:s9] =	ssyncset.done $0x0  }
.Ltmp1:
0x2d: {  	[sflag:s9] =	ssyncadd.s32 $0xFFFF4480;
	(pc) =	sbr.rel @p0 .LBB2_1-.Ltmp1, $4  }
0x2e: {  	[hbm4b:s11+s3] =	stream.linear.scatter [tilespmem:s8], [sflag:$0x2], $0xBB80, $0x38;
	[tilespmem:$0xBF68] =	vst v63  }
0x2f: {  	_ =	swait.ge [sflag:s7], $0xBB80  }
0x30: {  	[sflag:s7] =	ssyncset.done $0x0  }
0x31: {  	[sflag:s7] =	ssyncadd.s32 $0xFFFF4480  }
0x32: {  	_ =	sfence.sel $0x180000  }
0x33: {  	[bflag:$0x0] =	sbarrier.arrive $0xFFFF  }
0x34: {  	p0 =	sne.s32 s0, $0x0;
	_ =	strace $0x90000047  }
0x35: {  	s0 =	sadd.s32 @!p0 $0x100000, s1;
	[bflag:$0x2] =	sbarrier.arrive $0xFFFF  }
0x36: {  	[sflag:s0] =	ssyncadd.tile.s32 @!p0 $0x1;
	_ =	shalt  }
.Lfunc_end2:
_tile_overlayer_lowered:
.L_overlay_start_2:
0x37: {  	(tag) =	ssettag $0x2  }
0x38: {  	s0 =	rddreg [dreg:$0x0];
	s2 =	stileid.u32  }
0x39: {  	s1 =	rddreg [dreg:$0x1];
	p0 =	sne.s32 s2, $0x0  }
0x3a: {  	s3 =	rddreg [dreg:$0x2];
	[bflag:$0x3] =	sbarrier.arrive $0xFFFF;
	s2 =	simm.s32 @!p0 $0x1C02  }
0x3b: {  	[timem:s3], [sflag:s2] =	dma.local @!p0 [hbm:s0], s1  }
0x3c: {  	s0 =	simm.s32 @!p0 $0x2  }
0x3d: {  	_ =	swait.ge @!p0 [sflag:s0], s1  }
0x3e: {  	s1 =	ssub.s32 @!p0 $0x0, s1;
	[sflag:s0] =	ssyncset.done @!p0 $0x0  }
0x3f: {  	[sflag:s0] =	ssyncadd.s32 @!p0 s1  }
0x40: {  	[bflag:$0x3] =	sbarrier.arrive $0xFFFF  }
0x41: {  	_ =	shalt  }

</sc_bundles>
